<compile_context>
chip_gen: v7x
topology: tpu7x:2x2x1
jax: 0.10.2.dev20260603
libtpu: 0.0.44.dev20260713+nightly
codegen_flags: <defaults>
</compile_context>

<pallas_src>
import functools

import jax
import jax.numpy as jnp
from jax import lax
from jax.experimental import pallas as pl
from jax.experimental.pallas import tpu as pltpu
from jax.experimental.pallas import tpu_sc as plsc

NC = 2
NS = 16
NW = NC * NS
W = 80


NBUF = 5


@functools.partial(jax.jit, static_argnames=("n", "e", "d", "with_deg", "n_pad"))
def _sc_segment_sum(p, src2, dst2, *, n, e, d, with_deg=False, n_pad=0):
    epw = e // NW
    nwin = epw // W
    tail = epw - nwin * W
    stride, chunk = 624, 640

    mesh = plsc.VectorSubcoreMesh(core_axis_name="c", subcore_axis_name="s")

    K = 2 * NBUF
    out_types = [jax.ShapeDtypeStruct((NC, n, d), jnp.float32)]
    scratch = [
        pltpu.VMEM_SHARED((n, d), jnp.float32),
        pltpu.VMEM((epw,), jnp.int32),
        pltpu.VMEM((epw,), jnp.int32),
        [pltpu.VMEM((W, d), jnp.float32) for _ in range(K)],
        [pltpu.SemaphoreType.DMA for _ in range(K)],
        [pltpu.SemaphoreType.DMA for _ in range(K)],
        pltpu.VMEM((max(tail, 8),), jnp.int32),
        pltpu.VMEM((max(tail, 8),), jnp.int32),
        pltpu.VMEM((max(tail, 8), d), jnp.float32),
    ]
    if with_deg:
        out_types.append(jax.ShapeDtypeStruct((NC, n_pad), jnp.float32))
        scratch += [
            pltpu.VMEM_SHARED((n_pad,), jnp.float32),
            pltpu.VMEM((W,), jnp.float32),
            pltpu.VMEM((n_pad // NS,), jnp.float32),
        ]

    @functools.partial(
        pl.kernel,
        out_type=tuple(out_types),
        mesh=mesh,
        scratch_types=scratch,
        compiler_params=pltpu.CompilerParams(use_tc_tiling_on_sc=False),
    )
    def k(p_hbm, src_hbm, dst_hbm, *refs):
        if with_deg:
            (out_hbm, deg_hbm, acc_sh, srcall, dstall, rows, gsem, ssem,
             tsrc, tdst, trows, dacc_sh, ones_v, dzero_v) = refs
        else:
            (out_hbm, acc_sh, srcall, dstall, rows, gsem, ssem,
             tsrc, tdst, trows) = refs

        c = lax.axis_index("c")
        s = lax.axis_index("s")
        wid = s * NC + c
        base = wid * epw

        zvec = jnp.zeros((16,), jnp.float32)

        def zrow(r, carry):
            for i in range(d // 16):
                rows[0][r, pl.ds(i * 16, 16)] = zvec
            return carry

        lax.fori_loop(0, W, zrow, 0, unroll=False)
        for q in range(chunk // W):
            pltpu.sync_copy(rows[0], acc_sh.at[pl.ds(s * stride + q * W, W)])
        if with_deg:
            dchunk = n_pad // NS

            def dzrow(r, carry):
                dzero_v[pl.ds(r * 16, 16)] = zvec
                return carry

            lax.fori_loop(0, dchunk // 16, dzrow, 0, unroll=False)
            pltpu.sync_copy(dzero_v, dacc_sh.at[pl.ds(s * dchunk, dchunk)])
            one = jnp.ones((16,), jnp.float32)
            for i in range(W // 16):
                ones_v[pl.ds(i * 16, 16)] = one
        pltpu.sync_copy(src_hbm.at[pl.ds(base, epw)], srcall)
        pltpu.sync_copy(dst_hbm.at[pl.ds(base, epw)], dstall)
        plsc.subcore_barrier()

        def issue_g(j, slot):
            pltpu.async_copy(p_hbm.at[srcall.at[pl.ds(j * W, W)]],
                             rows[slot], gsem[slot])

        def wait_g(slot):
            pltpu.make_async_copy(p_hbm.at[srcall.at[pl.ds(0, W)]],
                                  rows[slot], gsem[slot]).wait()

        def issue_s(j, slot):
            pltpu.sync_copy(rows[slot],
                            acc_sh.at[dstall.at[pl.ds(j * W, W)]],
                            add=True)
            if with_deg:
                pltpu.sync_copy(ones_v,
                                dacc_sh.at[dstall.at[pl.ds(j * W, W)]],
                                add=True)

        def wait_s(slot):
            del slot

        for b in range(NBUF):
            issue_g(b, b)
        for t in range(NBUF):
            wait_g(t)
            issue_s(t, t)
            issue_g(t + NBUF, t + NBUF)

        steady = nwin - 2 * NBUF
        rounds = steady // K

        def step(j, t):
            slot = (NBUF + t) % K
            wait_g(slot)
            issue_s(j, slot)
            wait_s(t % K)
            issue_g(j + NBUF, t % K)

        def body(m, carry):
            for t in range(K):
                step(NBUF + m * K + t, t)
            return carry

        lax.fori_loop(0, rounds, body, 0, unroll=False)
        for t in range(steady - rounds * K):
            step(NBUF + rounds * K + t, t)
        for t in range(NBUF):
            slot = (nwin - NBUF + t) % K
            wait_g(slot)
            issue_s(nwin - NBUF + t, slot)
        for slot in range(K):
            wait_s(slot)
        if tail:
            tidx = pl.ds(base + nwin * W, tail)
            pltpu.sync_copy(src_hbm.at[tidx], tsrc)
            pltpu.sync_copy(dst_hbm.at[tidx], tdst)
            pltpu.async_copy(p_hbm.at[tsrc], trows, gsem[0]).wait()
            pltpu.sync_copy(trows, acc_sh.at[tdst], add=True)
            if with_deg:
                pltpu.sync_copy(ones_v.at[pl.ds(0, tail)],
                                dacc_sh.at[tdst], add=True)

        plsc.subcore_barrier()
        pltpu.sync_copy(acc_sh.at[pl.ds(s * stride, chunk)],
                        out_hbm.at[c].at[pl.ds(s * stride, chunk)])
        if with_deg:
            dchunk = n_pad // NS
            pltpu.sync_copy(dacc_sh.at[pl.ds(s * dchunk, dchunk)],
                            deg_hbm.at[c].at[pl.ds(s * dchunk, dchunk)])

    return k(p, src2, dst2)


_BLK = 1000


def _full(shape):
    return pl.BlockSpec(shape, lambda i: (0,) * len(shape))


def _rows(shape):
    return pl.BlockSpec(shape, lambda i: (i,) + (0,) * (len(shape) - 1))


def _tc_pre(x2, wl2, wr2, b2, *, n):
    n2 = n // 2
    din2, dd = wl2.shape

    def body(x_ref, wl_ref, wr_ref, b_ref, p_ref, r_ref):
        xb = x_ref[...]
        p_ref[...] = jnp.dot(xb, wl_ref[...], preferred_element_type=jnp.float32)
        r_ref[...] = jnp.dot(xb, wr_ref[...], preferred_element_type=jnp.float32) + b_ref[...]

    return pl.pallas_call(
        body,
        grid=(n2 // _BLK,),
        in_specs=[_rows((_BLK, din2)), _full((din2, dd)), _full((din2, dd)), _full((1, dd))],
        out_specs=[_rows((_BLK, dd)), _rows((_BLK, dd))],
        out_shape=[
            jax.ShapeDtypeStruct((n2, dd), jnp.float32),
            jax.ShapeDtypeStruct((n2, dd), jnp.float32),
        ],
    )(x2, wl2, wr2, b2)


def _tc_combine_first(sp2, degp3, r_prev, wl2, wr2, b2, *, n):
    n2 = n // 2
    dd = wl2.shape[1]

    def body(s_ref, deg_ref, rp_ref, wl_ref, wr_ref, b_ref,
             p_ref, r_ref, rd_ref):
        deg = jnp.maximum(deg_ref[0] + deg_ref[1], 1.0)
        rdeg = 1.0 / deg
        left = jnp.broadcast_to(rdeg[:, 0:1], (_BLK, 64))
        right = jnp.broadcast_to(rdeg[:, 1:2], (_BLK, 64))
        rd = jnp.concatenate([left, right], axis=1)
        rd_ref[...] = rd
        h = jnp.maximum((s_ref[0] + s_ref[1]) * rd + rp_ref[...], 0.0)
        p_ref[...] = jnp.dot(h, wl_ref[...], preferred_element_type=jnp.float32)
        r_ref[...] = jnp.dot(h, wr_ref[...], preferred_element_type=jnp.float32) + b_ref[...]

    return pl.pallas_call(
        body,
        grid=(n2 // _BLK,),
        in_specs=[
            pl.BlockSpec((NC, _BLK, 128), lambda i: (0, i, 0)),
            pl.BlockSpec((NC, _BLK, 2), lambda i: (0, i, 0)),
            _rows((_BLK, 128)),
            _full((128, dd)),
            _full((128, dd)),
            _full((1, dd)),
        ],
        out_specs=[_rows((_BLK, dd)), _rows((_BLK, dd)), _rows((_BLK, 128))],
        out_shape=[
            jax.ShapeDtypeStruct((n2, dd), jnp.float32),
            jax.ShapeDtypeStruct((n2, dd), jnp.float32),
            jax.ShapeDtypeStruct((n2, 128), jnp.float32),
        ],
    )(sp2, degp3, r_prev, wl2, wr2, b2)


def _tc_combine_project(sp2, rdeg2, r_prev, wl2, wr2, b2, *, n):
    n2 = n // 2
    dd = wl2.shape[1]

    def body(s_ref, rd_ref, rp_ref, wl_ref, wr_ref, b_ref, p_ref, r_ref):
        ssum = s_ref[0] + s_ref[1]
        h = jnp.maximum(ssum * rd_ref[...] + rp_ref[...], 0.0)
        p_ref[...] = jnp.dot(h, wl_ref[...], preferred_element_type=jnp.float32)
        r_ref[...] = jnp.dot(h, wr_ref[...], preferred_element_type=jnp.float32) + b_ref[...]

    return pl.pallas_call(
        body,
        grid=(n2 // _BLK,),
        in_specs=[
            pl.BlockSpec((NC, _BLK, 128), lambda i: (0, i, 0)),
            _rows((_BLK, 128)),
            _rows((_BLK, 128)),
            _full((128, dd)),
            _full((128, dd)),
            _full((1, dd)),
        ],
        out_specs=[_rows((_BLK, dd)), _rows((_BLK, dd))],
        out_shape=[
            jax.ShapeDtypeStruct((n2, dd), jnp.float32),
            jax.ShapeDtypeStruct((n2, dd), jnp.float32),
        ],
    )(sp2, rdeg2, r_prev, wl2, wr2, b2)


def _tc_final(sp2, rdeg2, r_prev, *, n):
    n2 = n // 2

    def body(s_ref, rd_ref, rp_ref, o_ref):
        o_ref[...] = (s_ref[0] + s_ref[1]) * rd_ref[...] + rp_ref[...]

    return pl.pallas_call(
        body,
        grid=(n2 // _BLK,),
        in_specs=[
            pl.BlockSpec((NC, _BLK, 128), lambda i: (0, i, 0)),
            _rows((_BLK, 128)),
            _rows((_BLK, 128)),
        ],
        out_specs=_rows((_BLK, 128)),
        out_shape=jax.ShapeDtypeStruct((n2, 128), jnp.float32),
    )(sp2, rdeg2, r_prev)


def _diag2(w):
    din, dout = w.shape
    z = jnp.zeros((din, dout), jnp.float32)
    return jnp.concatenate(
        [jnp.concatenate([w, z], axis=1), jnp.concatenate([z, w], axis=1)],
        axis=0,
    )


def _pad64(w):
    din, dout = w.shape
    out = jnp.zeros((din, 64), jnp.float32)
    return out.at[:, :dout].set(w)


def kernel(x, edge_index, Wl_list, Wr_list, b_list):
    n, din = x.shape
    e = edge_index.shape[1]
    n_layers = len(Wl_list) - 1

    src2 = edge_index[0]
    dst2 = edge_index[1]
    n_pad = NS * 640
    d_out = Wl_list[n_layers].shape[1]

    wls = list(Wl_list[:n_layers]) + [_pad64(Wl_list[n_layers])]
    wrs = list(Wr_list[:n_layers]) + [_pad64(Wr_list[n_layers])]
    bs = list(b_list[:n_layers]) + [_pad64(b_list[n_layers].reshape(1, -1))[0]]

    wl2 = [_diag2(w) for w in wls]
    wr2 = [_diag2(w) for w in wrs]
    b2 = [jnp.tile(b.reshape(1, -1), (1, 2)) for b in bs]

    x2 = x.reshape(n // 2, 2 * din)

    p2, r2 = _tc_pre(x2, wl2[0], wr2[0], b2[0], n=n)

    sp, degp = _sc_segment_sum(p2.reshape(n, 64), src2, dst2, n=n, e=e, d=64,
                               with_deg=True, n_pad=n_pad)
    sp2 = sp.reshape(NC, n // 2, 128)
    p2, r2, rdeg2 = _tc_combine_first(sp2, degp.reshape(NC, n_pad // 2, 2),
                                      r2, wl2[1], wr2[1], b2[1], n=n)

    for i in range(1, n_layers):
        (sp,) = _sc_segment_sum(p2.reshape(n, 64), src2, dst2, n=n, e=e, d=64)
        sp2 = sp.reshape(NC, n // 2, 128)
        p2, r2 = _tc_combine_project(sp2, rdeg2, r2, wl2[i + 1], wr2[i + 1],
                                     b2[i + 1], n=n)

    (sp,) = _sc_segment_sum(p2.reshape(n, 64), src2, dst2, n=n, e=e, d=64)
    sp2 = sp.reshape(NC, n // 2, 128)
    out2 = _tc_final(sp2, rdeg2, r2, n=n)
    return out2.reshape(n, 64)[:, :d_out]

# --- scband reference (transcript-rebuilt; emitter-appended) ---
"""Pipeline reference for scband-graph-cluster-18854906429737 (READ-ONLY COPY).

The authoritative reference and input builder live on the scoring server;
editing this copy changes nothing except your own understanding.
"""

import jax, jax.numpy as jnp
import numpy as np

N = 10000
E = 320000
D_IN = 128
D_H = 64
N_CLASS = 18
N_LAYERS = 7  # hidden SAGEConv layers; +1 output SAGEConv


def setup_inputs(seed: int = 0) -> dict:
    key = jax.random.key(seed)
    ks = jax.random.split(key, 2 + 2 * (N_LAYERS + 1))
    x = jax.random.normal(ks[0], (N, D_IN), dtype=jnp.float32)
    edge_index = jax.random.randint(ks[1], (2, E), 0, N, dtype=jnp.int32)
    dims = [D_IN] + [D_H] * N_LAYERS + [N_CLASS]
    Wl_list, Wr_list, b_list = [], [], []
    kidx = 2
    for i in range(N_LAYERS + 1):
        fin, fout = dims[i], dims[i + 1]
        Wl_list.append(jax.random.normal(ks[kidx], (fin, fout), dtype=jnp.float32) / np.sqrt(fin))
        kidx += 1
        Wr_list.append(jax.random.normal(ks[kidx], (fin, fout), dtype=jnp.float32) / np.sqrt(fin))
        kidx += 1
        b_list.append(jnp.zeros((fout,), dtype=jnp.float32))
    return {"x": x, "edge_index": edge_index, "Wl_list": Wl_list, "Wr_list": Wr_list, "b_list": b_list}


def reference(x, edge_index, Wl_list, Wr_list, b_list):
    # GraphCluster: stack of PyG-style SAGEConv (mean aggregation, normalize=False, bias=True)
    # out_i = mean_{j in N(i)} x_j @ Wl + x_i @ Wr + b
    src = edge_index[0]
    dst = edge_index[1]
    ones = jnp.ones((E,), dtype=jnp.float32)
    deg = jax.ops.segment_sum(ones, dst, num_segments=N)
    deg = jnp.clip(deg, 1.0)[:, None]

    def sage(h, Wl, Wr, b):
        msg = h[src]  # gather over source nodes
        agg = jax.ops.segment_sum(msg, dst, num_segments=N) / deg  # scatter-add mean
        return agg @ Wl + h @ Wr + b

    h = x
    for i in range(N_LAYERS):
        h = jax.nn.relu(sage(h, Wl_list[i], Wr_list[i], b_list[i]))
        # dropout(p=0.25) is identity in eval mode
    out = sage(h, Wl_list[N_LAYERS], Wr_list[N_LAYERS], b_list[N_LAYERS])
    return out

if __name__ == "__main__":
    import jax
    _d = setup_inputs()
    print(jax.jit(kernel)(*tuple(_d.values())))

</pallas_src>

<mosaic_0001>
#map = affine_map<(d0, d1) -> (0, 0)>
#map1 = affine_map<(d0, d1) -> (0)>
#map2 = affine_map<(d0, d1) -> (0, 0, 0)>
module attributes {stable_mosaic.version = 14 : i64} {
  func.func @k(%arg0: i32, %arg1: i32, %arg2: memref<10000x64xf32, #tpu.memory_space<hbm>>, %arg3: memref<320000xi32, #tpu.memory_space<hbm>>, %arg4: memref<320000xi32, #tpu.memory_space<hbm>>, %arg5: memref<2x10000x64xf32, #tpu.memory_space<hbm>>, %arg6: memref<2x10240xf32, #tpu.memory_space<hbm>>, %arg7: memref<10000x64xf32, #tpu.memory_space<vmem_shared>>, %arg8: memref<10000xi32, #tpu.memory_space<vmem>>, %arg9: memref<10000xi32, #tpu.memory_space<vmem>>, %arg10: memref<80x64xf32, #tpu.memory_space<vmem>>, %arg11: memref<80x64xf32, #tpu.memory_space<vmem>>, %arg12: memref<80x64xf32, #tpu.memory_space<vmem>>, %arg13: memref<80x64xf32, #tpu.memory_space<vmem>>, %arg14: memref<80x64xf32, #tpu.memory_space<vmem>>, %arg15: memref<80x64xf32, #tpu.memory_space<vmem>>, %arg16: memref<80x64xf32, #tpu.memory_space<vmem>>, %arg17: memref<80x64xf32, #tpu.memory_space<vmem>>, %arg18: memref<80x64xf32, #tpu.memory_space<vmem>>, %arg19: memref<80x64xf32, #tpu.memory_space<vmem>>, %arg20: memref<!tpu.dma_semaphore, #tpu.memory_space<semaphore_mem>>, %arg21: memref<!tpu.dma_semaphore, #tpu.memory_space<semaphore_mem>>, %arg22: memref<!tpu.dma_semaphore, #tpu.memory_space<semaphore_mem>>, %arg23: memref<!tpu.dma_semaphore, #tpu.memory_space<semaphore_mem>>, %arg24: memref<!tpu.dma_semaphore, #tpu.memory_space<semaphore_mem>>, %arg25: memref<!tpu.dma_semaphore, #tpu.memory_space<semaphore_mem>>, %arg26: memref<!tpu.dma_semaphore, #tpu.memory_space<semaphore_mem>>, %arg27: memref<!tpu.dma_semaphore, #tpu.memory_space<semaphore_mem>>, %arg28: memref<!tpu.dma_semaphore, #tpu.memory_space<semaphore_mem>>, %arg29: memref<!tpu.dma_semaphore, #tpu.memory_space<semaphore_mem>>, %arg30: memref<!tpu.dma_semaphore, #tpu.memory_space<semaphore_mem>>, %arg31: memref<!tpu.dma_semaphore, #tpu.memory_space<semaphore_mem>>, %arg32: memref<!tpu.dma_semaphore, #tpu.memory_space<semaphore_mem>>, %arg33: memref<!tpu.dma_semaphore, #tpu.memory_space<semaphore_mem>>, %arg34: memref<!tpu.dma_semaphore, #tpu.memory_space<semaphore_mem>>, %arg35: memref<!tpu.dma_semaphore, #tpu.memory_space<semaphore_mem>>, %arg36: memref<!tpu.dma_semaphore, #tpu.memory_space<semaphore_mem>>, %arg37: memref<!tpu.dma_semaphore, #tpu.memory_space<semaphore_mem>>, %arg38: memref<!tpu.dma_semaphore, #tpu.memory_space<semaphore_mem>>, %arg39: memref<!tpu.dma_semaphore, #tpu.memory_space<semaphore_mem>>, %arg40: memref<8xi32, #tpu.memory_space<vmem>>, %arg41: memref<8xi32, #tpu.memory_space<vmem>>, %arg42: memref<8x64xf32, #tpu.memory_space<vmem>>, %arg43: memref<10240xf32, #tpu.memory_space<vmem_shared>>, %arg44: memref<80xf32, #tpu.memory_space<vmem>>, %arg45: memref<640xf32, #tpu.memory_space<vmem>>) attributes {dimension_semantics = [#tpu.dimension_semantics<core_parallel>, #tpu.dimension_semantics<subcore_parallel>], iteration_bounds = array<i64: 2, 16>, scalar_prefetch = 0 : i64, scratch_operands = 39 : i64, tpu.core_type = #tpu.core_type<sc_vector_subcore>, window_params = [{transform_indices = #map}, {transform_indices = #map1}, {transform_indices = #map1}, {transform_indices = #map2}, {transform_indices = #map}]} {
    %mul3A = arith.constant 2 : i32
    %mul3A_0 = arith.muli %arg1, %mul3A : i32
    %add3A = arith.addi %mul3A_0, %arg0 : i32
    %mul3A_1 = arith.constant 10000 : i32
    %mul3A_2 = arith.muli %add3A, %mul3A_1 : i32
    %broadcast_in_dim3A = arith.constant 0.000000e+00 : f32
    %broadcast_in_dim3A_3 = vector.broadcast %broadcast_in_dim3A : f32 to vector<16xf32>
    %scan3A = arith.constant 0 : i32
    %scan3A_4 = arith.constant 0 : i32
    %scan3A_5 = arith.constant 80 : i32
    %scan3A_6 = arith.addi %scan3A_4, %scan3A_5 : i32
    %scan3A_7 = arith.constant 1 : i32
    scf.for %scan3A_233 = %scan3A_4 to %scan3A_6 step %scan3A_7  : i32 {
      %swap3A_234 = arith.index_cast %scan3A_233 : i32 to index
      %swap3A_235 = arith.constant 0 : index
      %swap3A_236 = tpu.vector_load %arg10[%swap3A_234, %swap3A_235] {strides = array<i32>} : memref<80x64xf32, #tpu.memory_space<vmem>>, vector<1x16xf32>,
      %swap3A_237 = vector.shape_cast %swap3A_236 : vector<1x16xf32> to vector<16xf32>
      %swap3A_238 = vector.shape_cast %broadcast_in_dim3A_3 : vector<16xf32> to vector<1x16xf32>
      tpu.vector_store %arg10[%swap3A_234, %swap3A_235], %swap3A_238 {strides = array<i32>} : memref<80x64xf32, #tpu.memory_space<vmem>>, vector<1x16xf32>,
      %swap3A_239 = arith.index_cast %scan3A_233 : i32 to index
      %swap3A_240 = arith.constant 16 : index
      %swap3A_241 = tpu.vector_load %arg10[%swap3A_239, %swap3A_240] {strides = array<i32>} : memref<80x64xf32, #tpu.memory_space<vmem>>, vector<1x16xf32>,
      %swap3A_242 = vector.shape_cast %swap3A_241 : vector<1x16xf32> to vector<16xf32>
      %swap3A_243 = vector.shape_cast %broadcast_in_dim3A_3 : vector<16xf32> to vector<1x16xf32>
      tpu.vector_store %arg10[%swap3A_239, %swap3A_240], %swap3A_243 {strides = array<i32>} : memref<80x64xf32, #tpu.memory_space<vmem>>, vector<1x16xf32>,
      %swap3A_244 = arith.index_cast %scan3A_233 : i32 to index
      %swap3A_245 = arith.constant 32 : index
      %swap3A_246 = tpu.vector_load %arg10[%swap3A_244, %swap3A_245] {strides = array<i32>} : memref<80x64xf32, #tpu.memory_space<vmem>>, vector<1x16xf32>,
      %swap3A_247 = vector.shape_cast %swap3A_246 : vector<1x16xf32> to vector<16xf32>
      %swap3A_248 = vector.shape_cast %broadcast_in_dim3A_3 : vector<16xf32> to vector<1x16xf32>
      tpu.vector_store %arg10[%swap3A_244, %swap3A_245], %swap3A_248 {strides = array<i32>} : memref<80x64xf32, #tpu.memory_space<vmem>>, vector<1x16xf32>,
      %swap3A_249 = arith.index_cast %scan3A_233 : i32 to index
      %swap3A_250 = arith.constant 48 : index
      %swap3A_251 = tpu.vector_load %arg10[%swap3A_249, %swap3A_250] {strides = array<i32>} : memref<80x64xf32, #tpu.memory_space<vmem>>, vector<1x16xf32>,
      %swap3A_252 = vector.shape_cast %swap3A_251 : vector<1x16xf32> to vector<16xf32>
      %swap3A_253 = vector.shape_cast %broadcast_in_dim3A_3 : vector<16xf32> to vector<1x16xf32>
      tpu.vector_store %arg10[%swap3A_249, %swap3A_250], %swap3A_253 {strides = array<i32>} : memref<80x64xf32, #tpu.memory_space<vmem>>, vector<1x16xf32>,
    }
    %scan3A_8 = arith.constant 80 : i32
    %mul3A_9 = arith.constant 624 : i32
    %mul3A_10 = arith.muli %arg1, %mul3A_9 : i32
    %add3A_11 = arith.constant 0 : i32
    %add3A_12 = arith.addi %mul3A_10, %add3A_11 : i32
    "tpu.region"() ({
      %run_scoped3A = tpu.sem_alloc : memref<!tpu.dma_semaphore, #tpu.memory_space<semaphore_mem>>
      %dma_start3A_233 = arith.constant 0 : i32
      %dma_start3A_234 = tpu.memref_slice %arg7[%add3A_12, %dma_start3A_233] : memref<10000x64xf32, #tpu.memory_space<vmem_shared>> -> memref<80x64xf32, #tpu.memory_space<vmem_shared>>
      %dma_start3A_235 = arith.constant 0 : i32
      %dma_start3A_236 = tpu.memref_slice %arg7[%add3A_12, %dma_start3A_235] : memref<10000x64xf32, #tpu.memory_space<vmem_shared>> -> memref<80x64xf32, #tpu.memory_space<vmem_shared>>
      tpu.enqueue_dma source(%arg10 : memref<80x64xf32, #tpu.memory_space<vmem>>) target(%dma_start3A_236 : memref<80x64xf32, #tpu.memory_space<vmem_shared>>) target_semaphore(%run_scoped3A : memref<!tpu.dma_semaphore, #tpu.memory_space<semaphore_mem>>)
      %dma_wait3A_237 = arith.constant 0 : i32
      %dma_wait3A_238 = tpu.memref_slice %arg7[%add3A_12, %dma_wait3A_237] : memref<10000x64xf32, #tpu.memory_space<vmem_shared>> -> memref<80x64xf32, #tpu.memory_space<vmem_shared>>
      %dma_wait3A_239 = arith.constant 0 : i32
      %dma_wait3A_240 = tpu.memref_slice %arg7[%add3A_12, %dma_wait3A_239] : memref<10000x64xf32, #tpu.memory_space<vmem_shared>> -> memref<80x64xf32, #tpu.memory_space<vmem_shared>>
      tpu.wait_dma2 semaphore(%run_scoped3A : memref<!tpu.dma_semaphore, #tpu.memory_space<semaphore_mem>>) src(%arg10 : memref<80x64xf32, #tpu.memory_space<vmem>>) dst(%dma_wait3A_240 : memref<80x64xf32, #tpu.memory_space<vmem_shared>>)
      tpu.yield
    }) : () -> ()
    %mul3A_13 = arith.constant 624 : i32
    %mul3A_14 = arith.muli %arg1, %mul3A_13 : i32
    %add3A_15 = arith.constant 80 : i32
    %add3A_16 = arith.addi %mul3A_14, %add3A_15 : i32
    "tpu.region"() ({
      %run_scoped3A = tpu.sem_alloc : memref<!tpu.dma_semaphore, #tpu.memory_space<semaphore_mem>>
      %dma_start3A_233 = arith.constant 0 : i32
      %dma_start3A_234 = tpu.memref_slice %arg7[%add3A_16, %dma_start3A_233] : memref<10000x64xf32, #tpu.memory_space<vmem_shared>> -> memref<80x64xf32, #tpu.memory_space<vmem_shared>>
      %dma_start3A_235 = arith.constant 0 : i32
      %dma_start3A_236 = tpu.memref_slice %arg7[%add3A_16, %dma_start3A_235] : memref<10000x64xf32, #tpu.memory_space<vmem_shared>> -> memref<80x64xf32, #tpu.memory_space<vmem_shared>>
      tpu.enqueue_dma source(%arg10 : memref<80x64xf32, #tpu.memory_space<vmem>>) target(%dma_start3A_236 : memref<80x64xf32, #tpu.memory_space<vmem_shared>>) target_semaphore(%run_scoped3A : memref<!tpu.dma_semaphore, #tpu.memory_space<semaphore_mem>>)
      %dma_wait3A_237 = arith.constant 0 : i32
      %dma_wait3A_238 = tpu.memref_slice %arg7[%add3A_16, %dma_wait3A_237] : memref<10000x64xf32, #tpu.memory_space<vmem_shared>> -> memref<80x64xf32, #tpu.memory_space<vmem_shared>>
      %dma_wait3A_239 = arith.constant 0 : i32
      %dma_wait3A_240 = tpu.memref_slice %arg7[%add3A_16, %dma_wait3A_239] : memref<10000x64xf32, #tpu.memory_space<vmem_shared>> -> memref<80x64xf32, #tpu.memory_space<vmem_shared>>
      tpu.wait_dma2 semaphore(%run_scoped3A : memref<!tpu.dma_semaphore, #tpu.memory_space<semaphore_mem>>) src(%arg10 : memref<80x64xf32, #tpu.memory_space<vmem>>) dst(%dma_wait3A_240 : memref<80x64xf32, #tpu.memory_space<vmem_shared>>)
      tpu.yield
    }) : () -> ()
    %mul3A_17 = arith.constant 624 : i32
    %mul3A_18 = arith.muli %arg1, %mul3A_17 : i32
    %add3A_19 = arith.constant 160 : i32
    %add3A_20 = arith.addi %mul3A_18, %add3A_19 : i32
    "tpu.region"() ({
      %run_scoped3A = tpu.sem_alloc : memref<!tpu.dma_semaphore, #tpu.memory_space<semaphore_mem>>
      %dma_start3A_233 = arith.constant 0 : i32
      %dma_start3A_234 = tpu.memref_slice %arg7[%add3A_20, %dma_start3A_233] : memref<10000x64xf32, #tpu.memory_space<vmem_shared>> -> memref<80x64xf32, #tpu.memory_space<vmem_shared>>
      %dma_start3A_235 = arith.constant 0 : i32
      %dma_start3A_236 = tpu.memref_slice %arg7[%add3A_20, %dma_start3A_235] : memref<10000x64xf32, #tpu.memory_space<vmem_shared>> -> memref<80x64xf32, #tpu.memory_space<vmem_shared>>
      tpu.enqueue_dma source(%arg10 : memref<80x64xf32, #tpu.memory_space<vmem>>) target(%dma_start3A_236 : memref<80x64xf32, #tpu.memory_space<vmem_shared>>) target_semaphore(%run_scoped3A : memref<!tpu.dma_semaphore, #tpu.memory_space<semaphore_mem>>)
      %dma_wait3A_237 = arith.constant 0 : i32
      %dma_wait3A_238 = tpu.memref_slice %arg7[%add3A_20, %dma_wait3A_237] : memref<10000x64xf32, #tpu.memory_space<vmem_shared>> -> memref<80x64xf32, #tpu.memory_space<vmem_shared>>
      %dma_wait3A_239 = arith.constant 0 : i32
      %dma_wait3A_240 = tpu.memref_slice %arg7[%add3A_20, %dma_wait3A_239] : memref<10000x64xf32, #tpu.memory_space<vmem_shared>> -> memref<80x64xf32, #tpu.memory_space<vmem_shared>>
      tpu.wait_dma2 semaphore(%run_scoped3A : memref<!tpu.dma_semaphore, #tpu.memory_space<semaphore_mem>>) src(%arg10 : memref<80x64xf32, #tpu.memory_space<vmem>>) dst(%dma_wait3A_240 : memref<80x64xf32, #tpu.memory_space<vmem_shared>>)
      tpu.yield
    }) : () -> ()
    %mul3A_21 = arith.constant 624 : i32
    %mul3A_22 = arith.muli %arg1, %mul3A_21 : i32
    %add3A_23 = arith.constant 240 : i32
    %add3A_24 = arith.addi %mul3A_22, %add3A_23 : i32
    "tpu.region"() ({
      %run_scoped3A = tpu.sem_alloc : memref<!tpu.dma_semaphore, #tpu.memory_space<semaphore_mem>>
      %dma_start3A_233 = arith.constant 0 : i32
      %dma_start3A_234 = tpu.memref_slice %arg7[%add3A_24, %dma_start3A_233] : memref<10000x64xf32, #tpu.memory_space<vmem_shared>> -> memref<80x64xf32, #tpu.memory_space<vmem_shared>>
      %dma_start3A_235 = arith.constant 0 : i32
      %dma_start3A_236 = tpu.memref_slice %arg7[%add3A_24, %dma_start3A_235] : memref<10000x64xf32, #tpu.memory_space<vmem_shared>> -> memref<80x64xf32, #tpu.memory_space<vmem_shared>>
      tpu.enqueue_dma source(%arg10 : memref<80x64xf32, #tpu.memory_space<vmem>>) target(%dma_start3A_236 : memref<80x64xf32, #tpu.memory_space<vmem_shared>>) target_semaphore(%run_scoped3A : memref<!tpu.dma_semaphore, #tpu.memory_space<semaphore_mem>>)
      %dma_wait3A_237 = arith.constant 0 : i32
      %dma_wait3A_238 = tpu.memref_slice %arg7[%add3A_24, %dma_wait3A_237] : memref<10000x64xf32, #tpu.memory_space<vmem_shared>> -> memref<80x64xf32, #tpu.memory_space<vmem_shared>>
      %dma_wait3A_239 = arith.constant 0 : i32
      %dma_wait3A_240 = tpu.memref_slice %arg7[%add3A_24, %dma_wait3A_239] : memref<10000x64xf32, #tpu.memory_space<vmem_shared>> -> memref<80x64xf32, #tpu.memory_space<vmem_shared>>
      tpu.wait_dma2 semaphore(%run_scoped3A : memref<!tpu.dma_semaphore, #tpu.memory_space<semaphore_mem>>) src(%arg10 : memref<80x64xf32, #tpu.memory_space<vmem>>) dst(%dma_wait3A_240 : memref<80x64xf32, #tpu.memory_space<vmem_shared>>)
      tpu.yield
    }) : () -> ()
    %mul3A_25 = arith.constant 624 : i32
    %mul3A_26 = arith.muli %arg1, %mul3A_25 : i32
    %add3A_27 = arith.constant 320 : i32
    %add3A_28 = arith.addi %mul3A_26, %add3A_27 : i32
    "tpu.region"() ({
      %run_scoped3A = tpu.sem_alloc : memref<!tpu.dma_semaphore, #tpu.memory_space<semaphore_mem>>
      %dma_start3A_233 = arith.constant 0 : i32
      %dma_start3A_234 = tpu.memref_slice %arg7[%add3A_28, %dma_start3A_233] : memref<10000x64xf32, #tpu.memory_space<vmem_shared>> -> memref<80x64xf32, #tpu.memory_space<vmem_shared>>
      %dma_start3A_235 = arith.constant 0 : i32
      %dma_start3A_236 = tpu.memref_slice %arg7[%add3A_28, %dma_start3A_235] : memref<10000x64xf32, #tpu.memory_space<vmem_shared>> -> memref<80x64xf32, #tpu.memory_space<vmem_shared>>
      tpu.enqueue_dma source(%arg10 : memref<80x64xf32, #tpu.memory_space<vmem>>) target(%dma_start3A_236 : memref<80x64xf32, #tpu.memory_space<vmem_shared>>) target_semaphore(%run_scoped3A : memref<!tpu.dma_semaphore, #tpu.memory_space<semaphore_mem>>)
      %dma_wait3A_237 = arith.constant 0 : i32
      %dma_wait3A_238 = tpu.memref_slice %arg7[%add3A_28, %dma_wait3A_237] : memref<10000x64xf32, #tpu.memory_space<vmem_shared>> -> memref<80x64xf32, #tpu.memory_space<vmem_shared>>
      %dma_wait3A_239 = arith.constant 0 : i32
      %dma_wait3A_240 = tpu.memref_slice %arg7[%add3A_28, %dma_wait3A_239] : memref<10000x64xf32, #tpu.memory_space<vmem_shared>> -> memref<80x64xf32, #tpu.memory_space<vmem_shared>>
      tpu.wait_dma2 semaphore(%run_scoped3A : memref<!tpu.dma_semaphore, #tpu.memory_space<semaphore_mem>>) src(%arg10 : memref<80x64xf32, #tpu.memory_space<vmem>>) dst(%dma_wait3A_240 : memref<80x64xf32, #tpu.memory_space<vmem_shared>>)
      tpu.yield
    }) : () -> ()
    %mul3A_29 = arith.constant 624 : i32
    %mul3A_30 = arith.muli %arg1, %mul3A_29 : i32
    %add3A_31 = arith.constant 400 : i32
    %add3A_32 = arith.addi %mul3A_30, %add3A_31 : i32
    "tpu.region"() ({
      %run_scoped3A = tpu.sem_alloc : memref<!tpu.dma_semaphore, #tpu.memory_space<semaphore_mem>>
      %dma_start3A_233 = arith.constant 0 : i32
      %dma_start3A_234 = tpu.memref_slice %arg7[%add3A_32, %dma_start3A_233] : memref<10000x64xf32, #tpu.memory_space<vmem_shared>> -> memref<80x64xf32, #tpu.memory_space<vmem_shared>>
      %dma_start3A_235 = arith.constant 0 : i32
      %dma_start3A_236 = tpu.memref_slice %arg7[%add3A_32, %dma_start3A_235] : memref<10000x64xf32, #tpu.memory_space<vmem_shared>> -> memref<80x64xf32, #tpu.memory_space<vmem_shared>>
      tpu.enqueue_dma source(%arg10 : memref<80x64xf32, #tpu.memory_space<vmem>>) target(%dma_start3A_236 : memref<80x64xf32, #tpu.memory_space<vmem_shared>>) target_semaphore(%run_scoped3A : memref<!tpu.dma_semaphore, #tpu.memory_space<semaphore_mem>>)
      %dma_wait3A_237 = arith.constant 0 : i32
      %dma_wait3A_238 = tpu.memref_slice %arg7[%add3A_32, %dma_wait3A_237] : memref<10000x64xf32, #tpu.memory_space<vmem_shared>> -> memref<80x64xf32, #tpu.memory_space<vmem_shared>>
      %dma_wait3A_239 = arith.constant 0 : i32
      %dma_wait3A_240 = tpu.memref_slice %arg7[%add3A_32, %dma_wait3A_239] : memref<10000x64xf32, #tpu.memory_space<vmem_shared>> -> memref<80x64xf32, #tpu.memory_space<vmem_shared>>
      tpu.wait_dma2 semaphore(%run_scoped3A : memref<!tpu.dma_semaphore, #tpu.memory_space<semaphore_mem>>) src(%arg10 : memref<80x64xf32, #tpu.memory_space<vmem>>) dst(%dma_wait3A_240 : memref<80x64xf32, #tpu.memory_space<vmem_shared>>)
      tpu.yield
    }) : () -> ()
    %mul3A_33 = arith.constant 624 : i32
    %mul3A_34 = arith.muli %arg1, %mul3A_33 : i32
    %add3A_35 = arith.constant 480 : i32
    %add3A_36 = arith.addi %mul3A_34, %add3A_35 : i32
    "tpu.region"() ({
      %run_scoped3A = tpu.sem_alloc : memref<!tpu.dma_semaphore, #tpu.memory_space<semaphore_mem>>
      %dma_start3A_233 = arith.constant 0 : i32
      %dma_start3A_234 = tpu.memref_slice %arg7[%add3A_36, %dma_start3A_233] : memref<10000x64xf32, #tpu.memory_space<vmem_shared>> -> memref<80x64xf32, #tpu.memory_space<vmem_shared>>
      %dma_start3A_235 = arith.constant 0 : i32
      %dma_start3A_236 = tpu.memref_slice %arg7[%add3A_36, %dma_start3A_235] : memref<10000x64xf32, #tpu.memory_space<vmem_shared>> -> memref<80x64xf32, #tpu.memory_space<vmem_shared>>
      tpu.enqueue_dma source(%arg10 : memref<80x64xf32, #tpu.memory_space<vmem>>) target(%dma_start3A_236 : memref<80x64xf32, #tpu.memory_space<vmem_shared>>) target_semaphore(%run_scoped3A : memref<!tpu.dma_semaphore, #tpu.memory_space<semaphore_mem>>)
      %dma_wait3A_237 = arith.constant 0 : i32
      %dma_wait3A_238 = tpu.memref_slice %arg7[%add3A_36, %dma_wait3A_237] : memref<10000x64xf32, #tpu.memory_space<vmem_shared>> -> memref<80x64xf32, #tpu.memory_space<vmem_shared>>
      %dma_wait3A_239 = arith.constant 0 : i32
      %dma_wait3A_240 = tpu.memref_slice %arg7[%add3A_36, %dma_wait3A_239] : memref<10000x64xf32, #tpu.memory_space<vmem_shared>> -> memref<80x64xf32, #tpu.memory_space<vmem_shared>>
      tpu.wait_dma2 semaphore(%run_scoped3A : memref<!tpu.dma_semaphore, #tpu.memory_space<semaphore_mem>>) src(%arg10 : memref<80x64xf32, #tpu.memory_space<vmem>>) dst(%dma_wait3A_240 : memref<80x64xf32, #tpu.memory_space<vmem_shared>>)
      tpu.yield
    }) : () -> ()
    %mul3A_37 = arith.constant 624 : i32
    %mul3A_38 = arith.muli %arg1, %mul3A_37 : i32
    %add3A_39 = arith.constant 560 : i32
    %add3A_40 = arith.addi %mul3A_38, %add3A_39 : i32
    "tpu.region"() ({
      %run_scoped3A = tpu.sem_alloc : memref<!tpu.dma_semaphore, #tpu.memory_space<semaphore_mem>>
      %dma_start3A_233 = arith.constant 0 : i32
      %dma_start3A_234 = tpu.memref_slice %arg7[%add3A_40, %dma_start3A_233] : memref<10000x64xf32, #tpu.memory_space<vmem_shared>> -> memref<80x64xf32, #tpu.memory_space<vmem_shared>>
      %dma_start3A_235 = arith.constant 0 : i32
      %dma_start3A_236 = tpu.memref_slice %arg7[%add3A_40, %dma_start3A_235] : memref<10000x64xf32, #tpu.memory_space<vmem_shared>> -> memref<80x64xf32, #tpu.memory_space<vmem_shared>>
      tpu.enqueue_dma source(%arg10 : memref<80x64xf32, #tpu.memory_space<vmem>>) target(%dma_start3A_236 : memref<80x64xf32, #tpu.memory_space<vmem_shared>>) target_semaphore(%run_scoped3A : memref<!tpu.dma_semaphore, #tpu.memory_space<semaphore_mem>>)
      %dma_wait3A_237 = arith.constant 0 : i32
      %dma_wait3A_238 = tpu.memref_slice %arg7[%add3A_40, %dma_wait3A_237] : memref<10000x64xf32, #tpu.memory_space<vmem_shared>> -> memref<80x64xf32, #tpu.memory_space<vmem_shared>>
      %dma_wait3A_239 = arith.constant 0 : i32
      %dma_wait3A_240 = tpu.memref_slice %arg7[%add3A_40, %dma_wait3A_239] : memref<10000x64xf32, #tpu.memory_space<vmem_shared>> -> memref<80x64xf32, #tpu.memory_space<vmem_shared>>
      tpu.wait_dma2 semaphore(%run_scoped3A : memref<!tpu.dma_semaphore, #tpu.memory_space<semaphore_mem>>) src(%arg10 : memref<80x64xf32, #tpu.memory_space<vmem>>) dst(%dma_wait3A_240 : memref<80x64xf32, #tpu.memory_space<vmem_shared>>)
      tpu.yield
    }) : () -> ()
    %scan3A_41 = arith.constant 0 : i32
    %scan3A_42 = arith.constant 0 : i32
    %scan3A_43 = arith.constant 40 : i32
    %scan3A_44 = arith.addi %scan3A_42, %scan3A_43 : i32
    %scan3A_45 = arith.constant 1 : i32
    scf.for %scan3A_233 = %scan3A_42 to %scan3A_44 step %scan3A_45  : i32 {
      %mul3A_234 = arith.constant 16 : i32
      %mul3A_235 = arith.muli %scan3A_233, %mul3A_234 : i32
      %swap3A_236 = arith.index_cast %mul3A_235 : i32 to index
      %swap3A_237 = tpu.vector_load %arg45[%swap3A_236] {strides = array<i32>} : memref<640xf32, #tpu.memory_space<vmem>>, vector<16xf32>,
      %swap3A_238 = vector.shape_cast %swap3A_237 : vector<16xf32> to vector<16xf32>
      %swap3A_239 = vector.shape_cast %broadcast_in_dim3A_3 : vector<16xf32> to vector<16xf32>
      tpu.vector_store %arg45[%swap3A_236], %swap3A_239 {strides = array<i32>} : memref<640xf32, #tpu.memory_space<vmem>>, vector<16xf32>,
    }
    %scan3A_46 = arith.constant 40 : i32
    %mul3A_47 = arith.constant 640 : i32
    %mul3A_48 = arith.muli %arg1, %mul3A_47 : i32
    "tpu.region"() ({
      %run_scoped3A = tpu.sem_alloc : memref<!tpu.dma_semaphore, #tpu.memory_space<semaphore_mem>>
      %dma_start3A_233 = tpu.memref_slice %arg43[%mul3A_48] : memref<10240xf32, #tpu.memory_space<vmem_shared>> -> memref<640xf32, #tpu.memory_space<vmem_shared>>
      %dma_start3A_234 = tpu.memref_slice %arg43[%mul3A_48] : memref<10240xf32, #tpu.memory_space<vmem_shared>> -> memref<640xf32, #tpu.memory_space<vmem_shared>>
      tpu.enqueue_dma source(%arg45 : memref<640xf32, #tpu.memory_space<vmem>>) target(%dma_start3A_234 : memref<640xf32, #tpu.memory_space<vmem_shared>>) target_semaphore(%run_scoped3A : memref<!tpu.dma_semaphore, #tpu.memory_space<semaphore_mem>>)
      %dma_wait3A_235 = tpu.memref_slice %arg43[%mul3A_48] : memref<10240xf32, #tpu.memory_space<vmem_shared>> -> memref<640xf32, #tpu.memory_space<vmem_shared>>
      %dma_wait3A_236 = tpu.memref_slice %arg43[%mul3A_48] : memref<10240xf32, #tpu.memory_space<vmem_shared>> -> memref<640xf32, #tpu.memory_space<vmem_shared>>
      tpu.wait_dma2 semaphore(%run_scoped3A : memref<!tpu.dma_semaphore, #tpu.memory_space<semaphore_mem>>) src(%arg45 : memref<640xf32, #tpu.memory_space<vmem>>) dst(%dma_wait3A_236 : memref<640xf32, #tpu.memory_space<vmem_shared>>)
      tpu.yield
    }) : () -> ()
    %broadcast_in_dim3A_49 = arith.constant 1.000000e+00 : f32
    %broadcast_in_dim3A_50 = vector.broadcast %broadcast_in_dim3A_49 : f32 to vector<16xf32>
    %swap3A = arith.constant 0 : index
    %swap3A_51 = tpu.vector_load %arg44[%swap3A] {strides = array<i32>} : memref<80xf32, #tpu.memory_space<vmem>>, vector<16xf32>,
    %swap3A_52 = vector.shape_cast %swap3A_51 : vector<16xf32> to vector<16xf32>
    %swap3A_53 = vector.shape_cast %broadcast_in_dim3A_50 : vector<16xf32> to vector<16xf32>
    tpu.vector_store %arg44[%swap3A], %swap3A_53 {strides = array<i32>} : memref<80xf32, #tpu.memory_space<vmem>>, vector<16xf32>,
    %swap3A_54 = arith.constant 16 : index
    %swap3A_55 = tpu.vector_load %arg44[%swap3A_54] {strides = array<i32>} : memref<80xf32, #tpu.memory_space<vmem>>, vector<16xf32>,
    %swap3A_56 = vector.shape_cast %swap3A_55 : vector<16xf32> to vector<16xf32>
    %swap3A_57 = vector.shape_cast %broadcast_in_dim3A_50 : vector<16xf32> to vector<16xf32>
    tpu.vector_store %arg44[%swap3A_54], %swap3A_57 {strides = array<i32>} : memref<80xf32, #tpu.memory_space<vmem>>, vector<16xf32>,
    %swap3A_58 = arith.constant 32 : index
    %swap3A_59 = tpu.vector_load %arg44[%swap3A_58] {strides = array<i32>} : memref<80xf32, #tpu.memory_space<vmem>>, vector<16xf32>,
    %swap3A_60 = vector.shape_cast %swap3A_59 : vector<16xf32> to vector<16xf32>
    %swap3A_61 = vector.shape_cast %broadcast_in_dim3A_50 : vector<16xf32> to vector<16xf32>
    tpu.vector_store %arg44[%swap3A_58], %swap3A_61 {strides = array<i32>} : memref<80xf32, #tpu.memory_space<vmem>>, vector<16xf32>,
    %swap3A_62 = arith.constant 48 : index
    %swap3A_63 = tpu.vector_load %arg44[%swap3A_62] {strides = array<i32>} : memref<80xf32, #tpu.memory_space<vmem>>, vector<16xf32>,
    %swap3A_64 = vector.shape_cast %swap3A_63 : vector<16xf32> to vector<16xf32>
    %swap3A_65 = vector.shape_cast %broadcast_in_dim3A_50 : vector<16xf32> to vector<16xf32>
    tpu.vector_store %arg44[%swap3A_62], %swap3A_65 {strides = array<i32>} : memref<80xf32, #tpu.memory_space<vmem>>, vector<16xf32>,
    %swap3A_66 = arith.constant 64 : index
    %swap3A_67 = tpu.vector_load %arg44[%swap3A_66] {strides = array<i32>} : memref<80xf32, #tpu.memory_space<vmem>>, vector<16xf32>,
    %swap3A_68 = vector.shape_cast %swap3A_67 : vector<16xf32> to vector<16xf32>
    %swap3A_69 = vector.shape_cast %broadcast_in_dim3A_50 : vector<16xf32> to vector<16xf32>
    tpu.vector_store %arg44[%swap3A_66], %swap3A_69 {strides = array<i32>} : memref<80xf32, #tpu.memory_space<vmem>>, vector<16xf32>,
    "tpu.region"() ({
      %run_scoped3A = tpu.sem_alloc : memref<!tpu.dma_semaphore, #tpu.memory_space<semaphore_mem>>
      %dma_start3A_233 = tpu.memref_slice %arg3[%mul3A_2] : memref<320000xi32, #tpu.memory_space<hbm>> -> memref<10000xi32, #tpu.memory_space<hbm>>
      %dma_start3A_234 = tpu.memref_slice %arg3[%mul3A_2] : memref<320000xi32, #tpu.memory_space<hbm>> -> memref<10000xi32, #tpu.memory_space<hbm>>
      tpu.enqueue_dma source(%dma_start3A_234 : memref<10000xi32, #tpu.memory_space<hbm>>) target(%arg8 : memref<10000xi32, #tpu.memory_space<vmem>>) target_semaphore(%run_scoped3A : memref<!tpu.dma_semaphore, #tpu.memory_space<semaphore_mem>>)
      %dma_wait3A_235 = tpu.memref_slice %arg3[%mul3A_2] : memref<320000xi32, #tpu.memory_space<hbm>> -> memref<10000xi32, #tpu.memory_space<hbm>>
      %dma_wait3A_236 = tpu.memref_slice %arg3[%mul3A_2] : memref<320000xi32, #tpu.memory_space<hbm>> -> memref<10000xi32, #tpu.memory_space<hbm>>
      tpu.wait_dma2 semaphore(%run_scoped3A : memref<!tpu.dma_semaphore, #tpu.memory_space<semaphore_mem>>) src(%dma_wait3A_236 : memref<10000xi32, #tpu.memory_space<hbm>>) dst(%arg8 : memref<10000xi32, #tpu.memory_space<vmem>>)
      tpu.yield
    }) : () -> ()
    "tpu.region"() ({
      %run_scoped3A = tpu.sem_alloc : memref<!tpu.dma_semaphore, #tpu.memory_space<semaphore_mem>>
      %dma_start3A_233 = tpu.memref_slice %arg4[%mul3A_2] : memref<320000xi32, #tpu.memory_space<hbm>> -> memref<10000xi32, #tpu.memory_space<hbm>>
      %dma_start3A_234 = tpu.memref_slice %arg4[%mul3A_2] : memref<320000xi32, #tpu.memory_space<hbm>> -> memref<10000xi32, #tpu.memory_space<hbm>>
      tpu.enqueue_dma source(%dma_start3A_234 : memref<10000xi32, #tpu.memory_space<hbm>>) target(%arg9 : memref<10000xi32, #tpu.memory_space<vmem>>) target_semaphore(%run_scoped3A : memref<!tpu.dma_semaphore, #tpu.memory_space<semaphore_mem>>)
      %dma_wait3A_235 = tpu.memref_slice %arg4[%mul3A_2] : memref<320000xi32, #tpu.memory_space<hbm>> -> memref<10000xi32, #tpu.memory_space<hbm>>
      %dma_wait3A_236 = tpu.memref_slice %arg4[%mul3A_2] : memref<320000xi32, #tpu.memory_space<hbm>> -> memref<10000xi32, #tpu.memory_space<hbm>>
      tpu.wait_dma2 semaphore(%run_scoped3A : memref<!tpu.dma_semaphore, #tpu.memory_space<semaphore_mem>>) src(%dma_wait3A_236 : memref<10000xi32, #tpu.memory_space<hbm>>) dst(%arg9 : memref<10000xi32, #tpu.memory_space<vmem>>)
      tpu.yield
    }) : () -> ()
    %barrier3A = arith.constant 0 : index
    tpu.barrier barrier_id(%barrier3A)
    %dma_start3A = arith.constant 0 : i32
    %dma_start3A_70 = tpu.memref_slice %arg8[%dma_start3A] : memref<10000xi32, #tpu.memory_space<vmem>> -> memref<80xi32, #tpu.memory_space<vmem>>
    %dma_start3A_71 = arith.constant 0 : i32
    %dma_start3A_72 = arith.constant 0 : i32
    %dma_start3A_73 = tpu.memref_slice %arg2[%dma_start3A_71, %dma_start3A_72] : memref<10000x64xf32, #tpu.memory_space<hbm>> -> memref<10000x64xf32, #tpu.memory_space<hbm>>
    tpu.enqueue_indirect_dma source(%dma_start3A_73 : memref<10000x64xf32, #tpu.memory_space<hbm>>) target(%arg10 : memref<80x64xf32, #tpu.memory_space<vmem>>) offsets(%dma_start3A_70 : memref<80xi32, #tpu.memory_space<vmem>>) semaphore(%arg20 : memref<!tpu.dma_semaphore, #tpu.memory_space<semaphore_mem>>)
    %dma_start3A_74 = arith.constant 80 : i32
    %dma_start3A_75 = tpu.memref_slice %arg8[%dma_start3A_74] : memref<10000xi32, #tpu.memory_space<vmem>> -> memref<80xi32, #tpu.memory_space<vmem>>
    %dma_start3A_76 = arith.constant 0 : i32
    %dma_start3A_77 = arith.constant 0 : i32
    %dma_start3A_78 = tpu.memref_slice %arg2[%dma_start3A_76, %dma_start3A_77] : memref<10000x64xf32, #tpu.memory_space<hbm>> -> memref<10000x64xf32, #tpu.memory_space<hbm>>
    tpu.enqueue_indirect_dma source(%dma_start3A_78 : memref<10000x64xf32, #tpu.memory_space<hbm>>) target(%arg11 : memref<80x64xf32, #tpu.memory_space<vmem>>) offsets(%dma_start3A_75 : memref<80xi32, #tpu.memory_space<vmem>>) semaphore(%arg21 : memref<!tpu.dma_semaphore, #tpu.memory_space<semaphore_mem>>)
    %dma_start3A_79 = arith.constant 160 : i32
    %dma_start3A_80 = tpu.memref_slice %arg8[%dma_start3A_79] : memref<10000xi32, #tpu.memory_space<vmem>> -> memref<80xi32, #tpu.memory_space<vmem>>
    %dma_start3A_81 = arith.constant 0 : i32
    %dma_start3A_82 = arith.constant 0 : i32
    %dma_start3A_83 = tpu.memref_slice %arg2[%dma_start3A_81, %dma_start3A_82] : memref<10000x64xf32, #tpu.memory_space<hbm>> -> memref<10000x64xf32, #tpu.memory_space<hbm>>
    tpu.enqueue_indirect_dma source(%dma_start3A_83 : memref<10000x64xf32, #tpu.memory_space<hbm>>) target(%arg12 : memref<80x64xf32, #tpu.memory_space<vmem>>) offsets(%dma_start3A_80 : memref<80xi32, #tpu.memory_space<vmem>>) semaphore(%arg22 : memref<!tpu.dma_semaphore, #tpu.memory_space<semaphore_mem>>)
    %dma_start3A_84 = arith.constant 240 : i32
    %dma_start3A_85 = tpu.memref_slice %arg8[%dma_start3A_84] : memref<10000xi32, #tpu.memory_space<vmem>> -> memref<80xi32, #tpu.memory_space<vmem>>
    %dma_start3A_86 = arith.constant 0 : i32
    %dma_start3A_87 = arith.constant 0 : i32
    %dma_start3A_88 = tpu.memref_slice %arg2[%dma_start3A_86, %dma_start3A_87] : memref<10000x64xf32, #tpu.memory_space<hbm>> -> memref<10000x64xf32, #tpu.memory_space<hbm>>
    tpu.enqueue_indirect_dma source(%dma_start3A_88 : memref<10000x64xf32, #tpu.memory_space<hbm>>) target(%arg13 : memref<80x64xf32, #tpu.memory_space<vmem>>) offsets(%dma_start3A_85 : memref<80xi32, #tpu.memory_space<vmem>>) semaphore(%arg23 : memref<!tpu.dma_semaphore, #tpu.memory_space<semaphore_mem>>)
    %dma_start3A_89 = arith.constant 320 : i32
    %dma_start3A_90 = tpu.memref_slice %arg8[%dma_start3A_89] : memref<10000xi32, #tpu.memory_space<vmem>> -> memref<80xi32, #tpu.memory_space<vmem>>
    %dma_start3A_91 = arith.constant 0 : i32
    %dma_start3A_92 = arith.constant 0 : i32
    %dma_start3A_93 = tpu.memref_slice %arg2[%dma_start3A_91, %dma_start3A_92] : memref<10000x64xf32, #tpu.memory_space<hbm>> -> memref<10000x64xf32, #tpu.memory_space<hbm>>
    tpu.enqueue_indirect_dma source(%dma_start3A_93 : memref<10000x64xf32, #tpu.memory_space<hbm>>) target(%arg14 : memref<80x64xf32, #tpu.memory_space<vmem>>) offsets(%dma_start3A_90 : memref<80xi32, #tpu.memory_space<vmem>>) semaphore(%arg24 : memref<!tpu.dma_semaphore, #tpu.memory_space<semaphore_mem>>)
    %dma_wait3A = arith.constant 0 : i32
    %dma_wait3A_94 = tpu.memref_slice %arg8[%dma_wait3A] : memref<10000xi32, #tpu.memory_space<vmem>> -> memref<80xi32, #tpu.memory_space<vmem>>
    %dma_wait3A_95 = arith.constant 0 : i32
    %dma_wait3A_96 = arith.constant 0 : i32
    %dma_wait3A_97 = tpu.memref_slice %arg2[%dma_wait3A_95, %dma_wait3A_96] : memref<10000x64xf32, #tpu.memory_space<hbm>> -> memref<10000x64xf32, #tpu.memory_space<hbm>>
    tpu.wait_indirect_dma semaphore(%arg20 : memref<!tpu.dma_semaphore, #tpu.memory_space<semaphore_mem>>) src(%dma_wait3A_97 : memref<10000x64xf32, #tpu.memory_space<hbm>>) dst(%arg10 : memref<80x64xf32, #tpu.memory_space<vmem>>)
    "tpu.region"() ({
      %run_scoped3A = tpu.sem_alloc : memref<!tpu.dma_semaphore, #tpu.memory_space<semaphore_mem>>
      %dma_start3A_233 = arith.constant 0 : i32
      %dma_start3A_234 = tpu.memref_slice %arg9[%dma_start3A_233] : memref<10000xi32, #tpu.memory_space<vmem>> -> memref<80xi32, #tpu.memory_space<vmem>>
      %dma_start3A_235 = arith.constant 0 : i32
      %dma_start3A_236 = arith.constant 0 : i32
      %dma_start3A_237 = tpu.memref_slice %arg7[%dma_start3A_235, %dma_start3A_236] : memref<10000x64xf32, #tpu.memory_space<vmem_shared>> -> memref<10000x64xf32, #tpu.memory_space<vmem_shared>>
      tpu.enqueue_indirect_dma source(%arg10 : memref<80x64xf32, #tpu.memory_space<vmem>>) target(%dma_start3A_237 : memref<10000x64xf32, #tpu.memory_space<vmem_shared>>) offsets(%dma_start3A_234 : memref<80xi32, #tpu.memory_space<vmem>>) semaphore(%run_scoped3A : memref<!tpu.dma_semaphore, #tpu.memory_space<semaphore_mem>>) {add = true}
      %dma_wait3A_238 = arith.constant 0 : i32
      %dma_wait3A_239 = tpu.memref_slice %arg9[%dma_wait3A_238] : memref<10000xi32, #tpu.memory_space<vmem>> -> memref<80xi32, #tpu.memory_space<vmem>>
      %dma_wait3A_240 = arith.constant 0 : i32
      %dma_wait3A_241 = arith.constant 0 : i32
      %dma_wait3A_242 = tpu.memref_slice %arg7[%dma_wait3A_240, %dma_wait3A_241] : memref<10000x64xf32, #tpu.memory_space<vmem_shared>> -> memref<10000x64xf32, #tpu.memory_space<vmem_shared>>
      tpu.wait_indirect_dma semaphore(%run_scoped3A : memref<!tpu.dma_semaphore, #tpu.memory_space<semaphore_mem>>) src(%arg10 : memref<80x64xf32, #tpu.memory_space<vmem>>) dst(%dma_wait3A_242 : memref<10000x64xf32, #tpu.memory_space<vmem_shared>>)
      tpu.yield
    }) : () -> ()
    "tpu.region"() ({
      %run_scoped3A = tpu.sem_alloc : memref<!tpu.dma_semaphore, #tpu.memory_space<semaphore_mem>>
      %dma_start3A_233 = arith.constant 0 : i32
      %dma_start3A_234 = tpu.memref_slice %arg9[%dma_start3A_233] : memref<10000xi32, #tpu.memory_space<vmem>> -> memref<80xi32, #tpu.memory_space<vmem>>
      %dma_start3A_235 = arith.constant 0 : i32
      %dma_start3A_236 = tpu.memref_slice %arg43[%dma_start3A_235] : memref<10240xf32, #tpu.memory_space<vmem_shared>> -> memref<10240xf32, #tpu.memory_space<vmem_shared>>
      tpu.enqueue_indirect_dma source(%arg44 : memref<80xf32, #tpu.memory_space<vmem>>) target(%dma_start3A_236 : memref<10240xf32, #tpu.memory_space<vmem_shared>>) offsets(%dma_start3A_234 : memref<80xi32, #tpu.memory_space<vmem>>) semaphore(%run_scoped3A : memref<!tpu.dma_semaphore, #tpu.memory_space<semaphore_mem>>) {add = true}
      %dma_wait3A_237 = arith.constant 0 : i32
      %dma_wait3A_238 = tpu.memref_slice %arg9[%dma_wait3A_237] : memref<10000xi32, #tpu.memory_space<vmem>> -> memref<80xi32, #tpu.memory_space<vmem>>
      %dma_wait3A_239 = arith.constant 0 : i32
      %dma_wait3A_240 = tpu.memref_slice %arg43[%dma_wait3A_239] : memref<10240xf32, #tpu.memory_space<vmem_shared>> -> memref<10240xf32, #tpu.memory_space<vmem_shared>>
      tpu.wait_indirect_dma semaphore(%run_scoped3A : memref<!tpu.dma_semaphore, #tpu.memory_space<semaphore_mem>>) src(%arg44 : memref<80xf32, #tpu.memory_space<vmem>>) dst(%dma_wait3A_240 : memref<10240xf32, #tpu.memory_space<vmem_shared>>)
      tpu.yield
    }) : () -> ()
    %dma_start3A_98 = arith.constant 400 : i32
    %dma_start3A_99 = tpu.memref_slice %arg8[%dma_start3A_98] : memref<10000xi32, #tpu.memory_space<vmem>> -> memref<80xi32, #tpu.memory_space<vmem>>
    %dma_start3A_100 = arith.constant 0 : i32
    %dma_start3A_101 = arith.constant 0 : i32
    %dma_start3A_102 = tpu.memref_slice %arg2[%dma_start3A_100, %dma_start3A_101] : memref<10000x64xf32, #tpu.memory_space<hbm>> -> memref<10000x64xf32, #tpu.memory_space<hbm>>
    tpu.enqueue_indirect_dma source(%dma_start3A_102 : memref<10000x64xf32, #tpu.memory_space<hbm>>) target(%arg15 : memref<80x64xf32, #tpu.memory_space<vmem>>) offsets(%dma_start3A_99 : memref<80xi32, #tpu.memory_space<vmem>>) semaphore(%arg25 : memref<!tpu.dma_semaphore, #tpu.memory_space<semaphore_mem>>)
    %dma_wait3A_103 = arith.constant 0 : i32
    %dma_wait3A_104 = tpu.memref_slice %arg8[%dma_wait3A_103] : memref<10000xi32, #tpu.memory_space<vmem>> -> memref<80xi32, #tpu.memory_space<vmem>>
    %dma_wait3A_105 = arith.constant 0 : i32
    %dma_wait3A_106 = arith.constant 0 : i32
    %dma_wait3A_107 = tpu.memref_slice %arg2[%dma_wait3A_105, %dma_wait3A_106] : memref<10000x64xf32, #tpu.memory_space<hbm>> -> memref<10000x64xf32, #tpu.memory_space<hbm>>
    tpu.wait_indirect_dma semaphore(%arg21 : memref<!tpu.dma_semaphore, #tpu.memory_space<semaphore_mem>>) src(%dma_wait3A_107 : memref<10000x64xf32, #tpu.memory_space<hbm>>) dst(%arg11 : memref<80x64xf32, #tpu.memory_space<vmem>>)
    "tpu.region"() ({
      %run_scoped3A = tpu.sem_alloc : memref<!tpu.dma_semaphore, #tpu.memory_space<semaphore_mem>>
      %dma_start3A_233 = arith.constant 80 : i32
      %dma_start3A_234 = tpu.memref_slice %arg9[%dma_start3A_233] : memref<10000xi32, #tpu.memory_space<vmem>> -> memref<80xi32, #tpu.memory_space<vmem>>
      %dma_start3A_235 = arith.constant 0 : i32
      %dma_start3A_236 = arith.constant 0 : i32
      %dma_start3A_237 = tpu.memref_slice %arg7[%dma_start3A_235, %dma_start3A_236] : memref<10000x64xf32, #tpu.memory_space<vmem_shared>> -> memref<10000x64xf32, #tpu.memory_space<vmem_shared>>
      tpu.enqueue_indirect_dma source(%arg11 : memref<80x64xf32, #tpu.memory_space<vmem>>) target(%dma_start3A_237 : memref<10000x64xf32, #tpu.memory_space<vmem_shared>>) offsets(%dma_start3A_234 : memref<80xi32, #tpu.memory_space<vmem>>) semaphore(%run_scoped3A : memref<!tpu.dma_semaphore, #tpu.memory_space<semaphore_mem>>) {add = true}
      %dma_wait3A_238 = arith.constant 80 : i32
      %dma_wait3A_239 = tpu.memref_slice %arg9[%dma_wait3A_238] : memref<10000xi32, #tpu.memory_space<vmem>> -> memref<80xi32, #tpu.memory_space<vmem>>
      %dma_wait3A_240 = arith.constant 0 : i32
      %dma_wait3A_241 = arith.constant 0 : i32
      %dma_wait3A_242 = tpu.memref_slice %arg7[%dma_wait3A_240, %dma_wait3A_241] : memref<10000x64xf32, #tpu.memory_space<vmem_shared>> -> memref<10000x64xf32, #tpu.memory_space<vmem_shared>>
      tpu.wait_indirect_dma semaphore(%run_scoped3A : memref<!tpu.dma_semaphore, #tpu.memory_space<semaphore_mem>>) src(%arg11 : memref<80x64xf32, #tpu.memory_space<vmem>>) dst(%dma_wait3A_242 : memref<10000x64xf32, #tpu.memory_space<vmem_shared>>)
      tpu.yield
    }) : () -> ()
    "tpu.region"() ({
      %run_scoped3A = tpu.sem_alloc : memref<!tpu.dma_semaphore, #tpu.memory_space<semaphore_mem>>
      %dma_start3A_233 = arith.constant 80 : i32
      %dma_start3A_234 = tpu.memref_slice %arg9[%dma_start3A_233] : memref<10000xi32, #tpu.memory_space<vmem>> -> memref<80xi32, #tpu.memory_space<vmem>>
      %dma_start3A_235 = arith.constant 0 : i32
      %dma_start3A_236 = tpu.memref_slice %arg43[%dma_start3A_235] : memref<10240xf32, #tpu.memory_space<vmem_shared>> -> memref<10240xf32, #tpu.memory_space<vmem_shared>>
      tpu.enqueue_indirect_dma source(%arg44 : memref<80xf32, #tpu.memory_space<vmem>>) target(%dma_start3A_236 : memref<10240xf32, #tpu.memory_space<vmem_shared>>) offsets(%dma_start3A_234 : memref<80xi32, #tpu.memory_space<vmem>>) semaphore(%run_scoped3A : memref<!tpu.dma_semaphore, #tpu.memory_space<semaphore_mem>>) {add = true}
      %dma_wait3A_237 = arith.constant 80 : i32
      %dma_wait3A_238 = tpu.memref_slice %arg9[%dma_wait3A_237] : memref<10000xi32, #tpu.memory_space<vmem>> -> memref<80xi32, #tpu.memory_space<vmem>>
      %dma_wait3A_239 = arith.constant 0 : i32
      %dma_wait3A_240 = tpu.memref_slice %arg43[%dma_wait3A_239] : memref<10240xf32, #tpu.memory_space<vmem_shared>> -> memref<10240xf32, #tpu.memory_space<vmem_shared>>
      tpu.wait_indirect_dma semaphore(%run_scoped3A : memref<!tpu.dma_semaphore, #tpu.memory_space<semaphore_mem>>) src(%arg44 : memref<80xf32, #tpu.memory_space<vmem>>) dst(%dma_wait3A_240 : memref<10240xf32, #tpu.memory_space<vmem_shared>>)
      tpu.yield
    }) : () -> ()
    %dma_start3A_108 = arith.constant 480 : i32
    %dma_start3A_109 = tpu.memref_slice %arg8[%dma_start3A_108] : memref<10000xi32, #tpu.memory_space<vmem>> -> memref<80xi32, #tpu.memory_space<vmem>>
    %dma_start3A_110 = arith.constant 0 : i32
    %dma_start3A_111 = arith.constant 0 : i32
    %dma_start3A_112 = tpu.memref_slice %arg2[%dma_start3A_110, %dma_start3A_111] : memref<10000x64xf32, #tpu.memory_space<hbm>> -> memref<10000x64xf32, #tpu.memory_space<hbm>>
    tpu.enqueue_indirect_dma source(%dma_start3A_112 : memref<10000x64xf32, #tpu.memory_space<hbm>>) target(%arg16 : memref<80x64xf32, #tpu.memory_space<vmem>>) offsets(%dma_start3A_109 : memref<80xi32, #tpu.memory_space<vmem>>) semaphore(%arg26 : memref<!tpu.dma_semaphore, #tpu.memory_space<semaphore_mem>>)
    %dma_wait3A_113 = arith.constant 0 : i32
    %dma_wait3A_114 = tpu.memref_slice %arg8[%dma_wait3A_113] : memref<10000xi32, #tpu.memory_space<vmem>> -> memref<80xi32, #tpu.memory_space<vmem>>
    %dma_wait3A_115 = arith.constant 0 : i32
    %dma_wait3A_116 = arith.constant 0 : i32
    %dma_wait3A_117 = tpu.memref_slice %arg2[%dma_wait3A_115, %dma_wait3A_116] : memref<10000x64xf32, #tpu.memory_space<hbm>> -> memref<10000x64xf32, #tpu.memory_space<hbm>>
    tpu.wait_indirect_dma semaphore(%arg22 : memref<!tpu.dma_semaphore, #tpu.memory_space<semaphore_mem>>) src(%dma_wait3A_117 : memref<10000x64xf32, #tpu.memory_space<hbm>>) dst(%arg12 : memref<80x64xf32, #tpu.memory_space<vmem>>)
    "tpu.region"() ({
      %run_scoped3A = tpu.sem_alloc : memref<!tpu.dma_semaphore, #tpu.memory_space<semaphore_mem>>
      %dma_start3A_233 = arith.constant 160 : i32
      %dma_start3A_234 = tpu.memref_slice %arg9[%dma_start3A_233] : memref<10000xi32, #tpu.memory_space<vmem>> -> memref<80xi32, #tpu.memory_space<vmem>>
      %dma_start3A_235 = arith.constant 0 : i32
      %dma_start3A_236 = arith.constant 0 : i32
      %dma_start3A_237 = tpu.memref_slice %arg7[%dma_start3A_235, %dma_start3A_236] : memref<10000x64xf32, #tpu.memory_space<vmem_shared>> -> memref<10000x64xf32, #tpu.memory_space<vmem_shared>>
      tpu.enqueue_indirect_dma source(%arg12 : memref<80x64xf32, #tpu.memory_space<vmem>>) target(%dma_start3A_237 : memref<10000x64xf32, #tpu.memory_space<vmem_shared>>) offsets(%dma_start3A_234 : memref<80xi32, #tpu.memory_space<vmem>>) semaphore(%run_scoped3A : memref<!tpu.dma_semaphore, #tpu.memory_space<semaphore_mem>>) {add = true}
      %dma_wait3A_238 = arith.constant 160 : i32
      %dma_wait3A_239 = tpu.memref_slice %arg9[%dma_wait3A_238] : memref<10000xi32, #tpu.memory_space<vmem>> -> memref<80xi32, #tpu.memory_space<vmem>>
      %dma_wait3A_240 = arith.constant 0 : i32
      %dma_wait3A_241 = arith.constant 0 : i32
      %dma_wait3A_242 = tpu.memref_slice %arg7[%dma_wait3A_240, %dma_wait3A_241] : memref<10000x64xf32, #tpu.memory_space<vmem_shared>> -> memref<10000x64xf32, #tpu.memory_space<vmem_shared>>
      tpu.wait_indirect_dma semaphore(%run_scoped3A : memref<!tpu.dma_semaphore, #tpu.memory_space<semaphore_mem>>) src(%arg12 : memref<80x64xf32, #tpu.memory_space<vmem>>) dst(%dma_wait3A_242 : memref<10000x64xf32, #tpu.memory_space<vmem_shared>>)
      tpu.yield
    }) : () -> ()
    "tpu.region"() ({
      %run_scoped3A = tpu.sem_alloc : memref<!tpu.dma_semaphore, #tpu.memory_space<semaphore_mem>>
      %dma_start3A_233 = arith.constant 160 : i32
      %dma_start3A_234 = tpu.memref_slice %arg9[%dma_start3A_233] : memref<10000xi32, #tpu.memory_space<vmem>> -> memref<80xi32, #tpu.memory_space<vmem>>
      %dma_start3A_235 = arith.constant 0 : i32
      %dma_start3A_236 = tpu.memref_slice %arg43[%dma_start3A_235] : memref<10240xf32, #tpu.memory_space<vmem_shared>> -> memref<10240xf32, #tpu.memory_space<vmem_shared>>
      tpu.enqueue_indirect_dma source(%arg44 : memref<80xf32, #tpu.memory_space<vmem>>) target(%dma_start3A_236 : memref<10240xf32, #tpu.memory_space<vmem_shared>>) offsets(%dma_start3A_234 : memref<80xi32, #tpu.memory_space<vmem>>) semaphore(%run_scoped3A : memref<!tpu.dma_semaphore, #tpu.memory_space<semaphore_mem>>) {add = true}
      %dma_wait3A_237 = arith.constant 160 : i32
      %dma_wait3A_238 = tpu.memref_slice %arg9[%dma_wait3A_237] : memref<10000xi32, #tpu.memory_space<vmem>> -> memref<80xi32, #tpu.memory_space<vmem>>
      %dma_wait3A_239 = arith.constant 0 : i32
      %dma_wait3A_240 = tpu.memref_slice %arg43[%dma_wait3A_239] : memref<10240xf32, #tpu.memory_space<vmem_shared>> -> memref<10240xf32, #tpu.memory_space<vmem_shared>>
      tpu.wait_indirect_dma semaphore(%run_scoped3A : memref<!tpu.dma_semaphore, #tpu.memory_space<semaphore_mem>>) src(%arg44 : memref<80xf32, #tpu.memory_space<vmem>>) dst(%dma_wait3A_240 : memref<10240xf32, #tpu.memory_space<vmem_shared>>)
      tpu.yield
    }) : () -> ()
    %dma_start3A_118 = arith.constant 560 : i32
    %dma_start3A_119 = tpu.memref_slice %arg8[%dma_start3A_118] : memref<10000xi32, #tpu.memory_space<vmem>> -> memref<80xi32, #tpu.memory_space<vmem>>
    %dma_start3A_120 = arith.constant 0 : i32
    %dma_start3A_121 = arith.constant 0 : i32
    %dma_start3A_122 = tpu.memref_slice %arg2[%dma_start3A_120, %dma_start3A_121] : memref<10000x64xf32, #tpu.memory_space<hbm>> -> memref<10000x64xf32, #tpu.memory_space<hbm>>
    tpu.enqueue_indirect_dma source(%dma_start3A_122 : memref<10000x64xf32, #tpu.memory_space<hbm>>) target(%arg17 : memref<80x64xf32, #tpu.memory_space<vmem>>) offsets(%dma_start3A_119 : memref<80xi32, #tpu.memory_space<vmem>>) semaphore(%arg27 : memref<!tpu.dma_semaphore, #tpu.memory_space<semaphore_mem>>)
    %dma_wait3A_123 = arith.constant 0 : i32
    %dma_wait3A_124 = tpu.memref_slice %arg8[%dma_wait3A_123] : memref<10000xi32, #tpu.memory_space<vmem>> -> memref<80xi32, #tpu.memory_space<vmem>>
    %dma_wait3A_125 = arith.constant 0 : i32
    %dma_wait3A_126 = arith.constant 0 : i32
    %dma_wait3A_127 = tpu.memref_slice %arg2[%dma_wait3A_125, %dma_wait3A_126] : memref<10000x64xf32, #tpu.memory_space<hbm>> -> memref<10000x64xf32, #tpu.memory_space<hbm>>
    tpu.wait_indirect_dma semaphore(%arg23 : memref<!tpu.dma_semaphore, #tpu.memory_space<semaphore_mem>>) src(%dma_wait3A_127 : memref<10000x64xf32, #tpu.memory_space<hbm>>) dst(%arg13 : memref<80x64xf32, #tpu.memory_space<vmem>>)
    "tpu.region"() ({
      %run_scoped3A = tpu.sem_alloc : memref<!tpu.dma_semaphore, #tpu.memory_space<semaphore_mem>>
      %dma_start3A_233 = arith.constant 240 : i32
      %dma_start3A_234 = tpu.memref_slice %arg9[%dma_start3A_233] : memref<10000xi32, #tpu.memory_space<vmem>> -> memref<80xi32, #tpu.memory_space<vmem>>
      %dma_start3A_235 = arith.constant 0 : i32
      %dma_start3A_236 = arith.constant 0 : i32
      %dma_start3A_237 = tpu.memref_slice %arg7[%dma_start3A_235, %dma_start3A_236] : memref<10000x64xf32, #tpu.memory_space<vmem_shared>> -> memref<10000x64xf32, #tpu.memory_space<vmem_shared>>
      tpu.enqueue_indirect_dma source(%arg13 : memref<80x64xf32, #tpu.memory_space<vmem>>) target(%dma_start3A_237 : memref<10000x64xf32, #tpu.memory_space<vmem_shared>>) offsets(%dma_start3A_234 : memref<80xi32, #tpu.memory_space<vmem>>) semaphore(%run_scoped3A : memref<!tpu.dma_semaphore, #tpu.memory_space<semaphore_mem>>) {add = true}
      %dma_wait3A_238 = arith.constant 240 : i32
      %dma_wait3A_239 = tpu.memref_slice %arg9[%dma_wait3A_238] : memref<10000xi32, #tpu.memory_space<vmem>> -> memref<80xi32, #tpu.memory_space<vmem>>
      %dma_wait3A_240 = arith.constant 0 : i32
      %dma_wait3A_241 = arith.constant 0 : i32
      %dma_wait3A_242 = tpu.memref_slice %arg7[%dma_wait3A_240, %dma_wait3A_241] : memref<10000x64xf32, #tpu.memory_space<vmem_shared>> -> memref<10000x64xf32, #tpu.memory_space<vmem_shared>>
      tpu.wait_indirect_dma semaphore(%run_scoped3A : memref<!tpu.dma_semaphore, #tpu.memory_space<semaphore_mem>>) src(%arg13 : memref<80x64xf32, #tpu.memory_space<vmem>>) dst(%dma_wait3A_242 : memref<10000x64xf32, #tpu.memory_space<vmem_shared>>)
      tpu.yield
    }) : () -> ()
    "tpu.region"() ({
      %run_scoped3A = tpu.sem_alloc : memref<!tpu.dma_semaphore, #tpu.memory_space<semaphore_mem>>
      %dma_start3A_233 = arith.constant 240 : i32
      %dma_start3A_234 = tpu.memref_slice %arg9[%dma_start3A_233] : memref<10000xi32, #tpu.memory_space<vmem>> -> memref<80xi32, #tpu.memory_space<vmem>>
      %dma_start3A_235 = arith.constant 0 : i32
      %dma_start3A_236 = tpu.memref_slice %arg43[%dma_start3A_235] : memref<10240xf32, #tpu.memory_space<vmem_shared>> -> memref<10240xf32, #tpu.memory_space<vmem_shared>>
      tpu.enqueue_indirect_dma source(%arg44 : memref<80xf32, #tpu.memory_space<vmem>>) target(%dma_start3A_236 : memref<10240xf32, #tpu.memory_space<vmem_shared>>) offsets(%dma_start3A_234 : memref<80xi32, #tpu.memory_space<vmem>>) semaphore(%run_scoped3A : memref<!tpu.dma_semaphore, #tpu.memory_space<semaphore_mem>>) {add = true}
      %dma_wait3A_237 = arith.constant 240 : i32
      %dma_wait3A_238 = tpu.memref_slice %arg9[%dma_wait3A_237] : memref<10000xi32, #tpu.memory_space<vmem>> -> memref<80xi32, #tpu.memory_space<vmem>>
      %dma_wait3A_239 = arith.constant 0 : i32
      %dma_wait3A_240 = tpu.memref_slice %arg43[%dma_wait3A_239] : memref<10240xf32, #tpu.memory_space<vmem_shared>> -> memref<10240xf32, #tpu.memory_space<vmem_shared>>
      tpu.wait_indirect_dma semaphore(%run_scoped3A : memref<!tpu.dma_semaphore, #tpu.memory_space<semaphore_mem>>) src(%arg44 : memref<80xf32, #tpu.memory_space<vmem>>) dst(%dma_wait3A_240 : memref<10240xf32, #tpu.memory_space<vmem_shared>>)
      tpu.yield
    }) : () -> ()
    %dma_start3A_128 = arith.constant 640 : i32
    %dma_start3A_129 = tpu.memref_slice %arg8[%dma_start3A_128] : memref<10000xi32, #tpu.memory_space<vmem>> -> memref<80xi32, #tpu.memory_space<vmem>>
    %dma_start3A_130 = arith.constant 0 : i32
    %dma_start3A_131 = arith.constant 0 : i32
    %dma_start3A_132 = tpu.memref_slice %arg2[%dma_start3A_130, %dma_start3A_131] : memref<10000x64xf32, #tpu.memory_space<hbm>> -> memref<10000x64xf32, #tpu.memory_space<hbm>>
    tpu.enqueue_indirect_dma source(%dma_start3A_132 : memref<10000x64xf32, #tpu.memory_space<hbm>>) target(%arg18 : memref<80x64xf32, #tpu.memory_space<vmem>>) offsets(%dma_start3A_129 : memref<80xi32, #tpu.memory_space<vmem>>) semaphore(%arg28 : memref<!tpu.dma_semaphore, #tpu.memory_space<semaphore_mem>>)
    %dma_wait3A_133 = arith.constant 0 : i32
    %dma_wait3A_134 = tpu.memref_slice %arg8[%dma_wait3A_133] : memref<10000xi32, #tpu.memory_space<vmem>> -> memref<80xi32, #tpu.memory_space<vmem>>
    %dma_wait3A_135 = arith.constant 0 : i32
    %dma_wait3A_136 = arith.constant 0 : i32
    %dma_wait3A_137 = tpu.memref_slice %arg2[%dma_wait3A_135, %dma_wait3A_136] : memref<10000x64xf32, #tpu.memory_space<hbm>> -> memref<10000x64xf32, #tpu.memory_space<hbm>>
    tpu.wait_indirect_dma semaphore(%arg24 : memref<!tpu.dma_semaphore, #tpu.memory_space<semaphore_mem>>) src(%dma_wait3A_137 : memref<10000x64xf32, #tpu.memory_space<hbm>>) dst(%arg14 : memref<80x64xf32, #tpu.memory_space<vmem>>)
    "tpu.region"() ({
      %run_scoped3A = tpu.sem_alloc : memref<!tpu.dma_semaphore, #tpu.memory_space<semaphore_mem>>
      %dma_start3A_233 = arith.constant 320 : i32
      %dma_start3A_234 = tpu.memref_slice %arg9[%dma_start3A_233] : memref<10000xi32, #tpu.memory_space<vmem>> -> memref<80xi32, #tpu.memory_space<vmem>>
      %dma_start3A_235 = arith.constant 0 : i32
      %dma_start3A_236 = arith.constant 0 : i32
      %dma_start3A_237 = tpu.memref_slice %arg7[%dma_start3A_235, %dma_start3A_236] : memref<10000x64xf32, #tpu.memory_space<vmem_shared>> -> memref<10000x64xf32, #tpu.memory_space<vmem_shared>>
      tpu.enqueue_indirect_dma source(%arg14 : memref<80x64xf32, #tpu.memory_space<vmem>>) target(%dma_start3A_237 : memref<10000x64xf32, #tpu.memory_space<vmem_shared>>) offsets(%dma_start3A_234 : memref<80xi32, #tpu.memory_space<vmem>>) semaphore(%run_scoped3A : memref<!tpu.dma_semaphore, #tpu.memory_space<semaphore_mem>>) {add = true}
      %dma_wait3A_238 = arith.constant 320 : i32
      %dma_wait3A_239 = tpu.memref_slice %arg9[%dma_wait3A_238] : memref<10000xi32, #tpu.memory_space<vmem>> -> memref<80xi32, #tpu.memory_space<vmem>>
      %dma_wait3A_240 = arith.constant 0 : i32
      %dma_wait3A_241 = arith.constant 0 : i32
      %dma_wait3A_242 = tpu.memref_slice %arg7[%dma_wait3A_240, %dma_wait3A_241] : memref<10000x64xf32, #tpu.memory_space<vmem_shared>> -> memref<10000x64xf32, #tpu.memory_space<vmem_shared>>
      tpu.wait_indirect_dma semaphore(%run_scoped3A : memref<!tpu.dma_semaphore, #tpu.memory_space<semaphore_mem>>) src(%arg14 : memref<80x64xf32, #tpu.memory_space<vmem>>) dst(%dma_wait3A_242 : memref<10000x64xf32, #tpu.memory_space<vmem_shared>>)
      tpu.yield
    }) : () -> ()
    "tpu.region"() ({
      %run_scoped3A = tpu.sem_alloc : memref<!tpu.dma_semaphore, #tpu.memory_space<semaphore_mem>>
      %dma_start3A_233 = arith.constant 320 : i32
      %dma_start3A_234 = tpu.memref_slice %arg9[%dma_start3A_233] : memref<10000xi32, #tpu.memory_space<vmem>> -> memref<80xi32, #tpu.memory_space<vmem>>
      %dma_start3A_235 = arith.constant 0 : i32
      %dma_start3A_236 = tpu.memref_slice %arg43[%dma_start3A_235] : memref<10240xf32, #tpu.memory_space<vmem_shared>> -> memref<10240xf32, #tpu.memory_space<vmem_shared>>
      tpu.enqueue_indirect_dma source(%arg44 : memref<80xf32, #tpu.memory_space<vmem>>) target(%dma_start3A_236 : memref<10240xf32, #tpu.memory_space<vmem_shared>>) offsets(%dma_start3A_234 : memref<80xi32, #tpu.memory_space<vmem>>) semaphore(%run_scoped3A : memref<!tpu.dma_semaphore, #tpu.memory_space<semaphore_mem>>) {add = true}
      %dma_wait3A_237 = arith.constant 320 : i32
      %dma_wait3A_238 = tpu.memref_slice %arg9[%dma_wait3A_237] : memref<10000xi32, #tpu.memory_space<vmem>> -> memref<80xi32, #tpu.memory_space<vmem>>
      %dma_wait3A_239 = arith.constant 0 : i32
      %dma_wait3A_240 = tpu.memref_slice %arg43[%dma_wait3A_239] : memref<10240xf32, #tpu.memory_space<vmem_shared>> -> memref<10240xf32, #tpu.memory_space<vmem_shared>>
      tpu.wait_indirect_dma semaphore(%run_scoped3A : memref<!tpu.dma_semaphore, #tpu.memory_space<semaphore_mem>>) src(%arg44 : memref<80xf32, #tpu.memory_space<vmem>>) dst(%dma_wait3A_240 : memref<10240xf32, #tpu.memory_space<vmem_shared>>)
      tpu.yield
    }) : () -> ()
    %dma_start3A_138 = arith.constant 720 : i32
    %dma_start3A_139 = tpu.memref_slice %arg8[%dma_start3A_138] : memref<10000xi32, #tpu.memory_space<vmem>> -> memref<80xi32, #tpu.memory_space<vmem>>
    %dma_start3A_140 = arith.constant 0 : i32
    %dma_start3A_141 = arith.constant 0 : i32
    %dma_start3A_142 = tpu.memref_slice %arg2[%dma_start3A_140, %dma_start3A_141] : memref<10000x64xf32, #tpu.memory_space<hbm>> -> memref<10000x64xf32, #tpu.memory_space<hbm>>
    tpu.enqueue_indirect_dma source(%dma_start3A_142 : memref<10000x64xf32, #tpu.memory_space<hbm>>) target(%arg19 : memref<80x64xf32, #tpu.memory_space<vmem>>) offsets(%dma_start3A_139 : memref<80xi32, #tpu.memory_space<vmem>>) semaphore(%arg29 : memref<!tpu.dma_semaphore, #tpu.memory_space<semaphore_mem>>)
    %scan3A_143 = arith.constant 0 : i32
    %scan3A_144 = arith.constant 0 : i32
    %scan3A_145 = arith.constant 11 : i32
    %scan3A_146 = arith.addi %scan3A_144, %scan3A_145 : i32
    %scan3A_147 = arith.constant 1 : i32
    scf.for %scan3A_233 = %scan3A_144 to %scan3A_146 step %scan3A_147  : i32 {
      %mul3A_234 = arith.constant 10 : i32
      %mul3A_235 = arith.muli %scan3A_233, %mul3A_234 : i32
      %add3A_236 = arith.constant 5 : i32
      %add3A_237 = arith.addi %add3A_236, %mul3A_235 : i32
      %add3A_238 = arith.constant 0 : i32
      %add3A_239 = arith.addi %add3A_237, %add3A_238 : i32
      %dma_wait3A_240 = arith.constant 0 : i32
      %dma_wait3A_241 = tpu.memref_slice %arg8[%dma_wait3A_240] : memref<10000xi32, #tpu.memory_space<vmem>> -> memref<80xi32, #tpu.memory_space<vmem>>
      %dma_wait3A_242 = arith.constant 0 : i32
      %dma_wait3A_243 = arith.constant 0 : i32
      %dma_wait3A_244 = tpu.memref_slice %arg2[%dma_wait3A_242, %dma_wait3A_243] : memref<10000x64xf32, #tpu.memory_space<hbm>> -> memref<10000x64xf32, #tpu.memory_space<hbm>>
      tpu.wait_indirect_dma semaphore(%arg25 : memref<!tpu.dma_semaphore, #tpu.memory_space<semaphore_mem>>) src(%dma_wait3A_244 : memref<10000x64xf32, #tpu.memory_space<hbm>>) dst(%arg15 : memref<80x64xf32, #tpu.memory_space<vmem>>)
      %mul3A_245 = arith.constant 80 : i32
      %mul3A_246 = arith.muli %add3A_239, %mul3A_245 : i32
      "tpu.region"() ({
        %run_scoped3A = tpu.sem_alloc : memref<!tpu.dma_semaphore, #tpu.memory_space<semaphore_mem>>
        %dma_start3A_464 = tpu.memref_slice %arg9[%mul3A_246] : memref<10000xi32, #tpu.memory_space<vmem>> -> memref<80xi32, #tpu.memory_space<vmem>>
        %dma_start3A_465 = arith.constant 0 : i32
        %dma_start3A_466 = arith.constant 0 : i32
        %dma_start3A_467 = tpu.memref_slice %arg7[%dma_start3A_465, %dma_start3A_466] : memref<10000x64xf32, #tpu.memory_space<vmem_shared>> -> memref<10000x64xf32, #tpu.memory_space<vmem_shared>>
        tpu.enqueue_indirect_dma source(%arg15 : memref<80x64xf32, #tpu.memory_space<vmem>>) target(%dma_start3A_467 : memref<10000x64xf32, #tpu.memory_space<vmem_shared>>) offsets(%dma_start3A_464 : memref<80xi32, #tpu.memory_space<vmem>>) semaphore(%run_scoped3A : memref<!tpu.dma_semaphore, #tpu.memory_space<semaphore_mem>>) {add = true}
        %dma_wait3A_468 = tpu.memref_slice %arg9[%mul3A_246] : memref<10000xi32, #tpu.memory_space<vmem>> -> memref<80xi32, #tpu.memory_space<vmem>>
        %dma_wait3A_469 = arith.constant 0 : i32
        %dma_wait3A_470 = arith.constant 0 : i32
        %dma_wait3A_471 = tpu.memref_slice %arg7[%dma_wait3A_469, %dma_wait3A_470] : memref<10000x64xf32, #tpu.memory_space<vmem_shared>> -> memref<10000x64xf32, #tpu.memory_space<vmem_shared>>
        tpu.wait_indirect_dma semaphore(%run_scoped3A : memref<!tpu.dma_semaphore, #tpu.memory_space<semaphore_mem>>) src(%arg15 : memref<80x64xf32, #tpu.memory_space<vmem>>) dst(%dma_wait3A_471 : memref<10000x64xf32, #tpu.memory_space<vmem_shared>>)
        tpu.yield
      }) : () -> ()
      %mul3A_247 = arith.constant 80 : i32
      %mul3A_248 = arith.muli %add3A_239, %mul3A_247 : i32
      "tpu.region"() ({
        %run_scoped3A = tpu.sem_alloc : memref<!tpu.dma_semaphore, #tpu.memory_space<semaphore_mem>>
        %dma_start3A_464 = tpu.memref_slice %arg9[%mul3A_248] : memref<10000xi32, #tpu.memory_space<vmem>> -> memref<80xi32, #tpu.memory_space<vmem>>
        %dma_start3A_465 = arith.constant 0 : i32
        %dma_start3A_466 = tpu.memref_slice %arg43[%dma_start3A_465] : memref<10240xf32, #tpu.memory_space<vmem_shared>> -> memref<10240xf32, #tpu.memory_space<vmem_shared>>
        tpu.enqueue_indirect_dma source(%arg44 : memref<80xf32, #tpu.memory_space<vmem>>) target(%dma_start3A_466 : memref<10240xf32, #tpu.memory_space<vmem_shared>>) offsets(%dma_start3A_464 : memref<80xi32, #tpu.memory_space<vmem>>) semaphore(%run_scoped3A : memref<!tpu.dma_semaphore, #tpu.memory_space<semaphore_mem>>) {add = true}
        %dma_wait3A_467 = tpu.memref_slice %arg9[%mul3A_248] : memref<10000xi32, #tpu.memory_space<vmem>> -> memref<80xi32, #tpu.memory_space<vmem>>
        %dma_wait3A_468 = arith.constant 0 : i32
        %dma_wait3A_469 = tpu.memref_slice %arg43[%dma_wait3A_468] : memref<10240xf32, #tpu.memory_space<vmem_shared>> -> memref<10240xf32, #tpu.memory_space<vmem_shared>>
        tpu.wait_indirect_dma semaphore(%run_scoped3A : memref<!tpu.dma_semaphore, #tpu.memory_space<semaphore_mem>>) src(%arg44 : memref<80xf32, #tpu.memory_space<vmem>>) dst(%dma_wait3A_469 : memref<10240xf32, #tpu.memory_space<vmem_shared>>)
        tpu.yield
      }) : () -> ()
      %add3A_249 = arith.constant 5 : i32
      %add3A_250 = arith.addi %add3A_239, %add3A_249 : i32
      %mul3A_251 = arith.constant 80 : i32
      %mul3A_252 = arith.muli %add3A_250, %mul3A_251 : i32
      %dma_start3A_253 = tpu.memref_slice %arg8[%mul3A_252] : memref<10000xi32, #tpu.memory_space<vmem>> -> memref<80xi32, #tpu.memory_space<vmem>>
      %dma_start3A_254 = arith.constant 0 : i32
      %dma_start3A_255 = arith.constant 0 : i32
      %dma_start3A_256 = tpu.memref_slice %arg2[%dma_start3A_254, %dma_start3A_255] : memref<10000x64xf32, #tpu.memory_space<hbm>> -> memref<10000x64xf32, #tpu.memory_space<hbm>>
      tpu.enqueue_indirect_dma source(%dma_start3A_256 : memref<10000x64xf32, #tpu.memory_space<hbm>>) target(%arg10 : memref<80x64xf32, #tpu.memory_space<vmem>>) offsets(%dma_start3A_253 : memref<80xi32, #tpu.memory_space<vmem>>) semaphore(%arg20 : memref<!tpu.dma_semaphore, #tpu.memory_space<semaphore_mem>>)
      %mul3A_257 = arith.constant 10 : i32
      %mul3A_258 = arith.muli %scan3A_233, %mul3A_257 : i32
      %add3A_259 = arith.constant 5 : i32
      %add3A_260 = arith.addi %add3A_259, %mul3A_258 : i32
      %add3A_261 = arith.constant 1 : i32
      %add3A_262 = arith.addi %add3A_260, %add3A_261 : i32
      %dma_wait3A_263 = arith.constant 0 : i32
      %dma_wait3A_264 = tpu.memref_slice %arg8[%dma_wait3A_263] : memref<10000xi32, #tpu.memory_space<vmem>> -> memref<80xi32, #tpu.memory_space<vmem>>
      %dma_wait3A_265 = arith.constant 0 : i32
      %dma_wait3A_266 = arith.constant 0 : i32
      %dma_wait3A_267 = tpu.memref_slice %arg2[%dma_wait3A_265, %dma_wait3A_266] : memref<10000x64xf32, #tpu.memory_space<hbm>> -> memref<10000x64xf32, #tpu.memory_space<hbm>>
      tpu.wait_indirect_dma semaphore(%arg26 : memref<!tpu.dma_semaphore, #tpu.memory_space<semaphore_mem>>) src(%dma_wait3A_267 : memref<10000x64xf32, #tpu.memory_space<hbm>>) dst(%arg16 : memref<80x64xf32, #tpu.memory_space<vmem>>)
      %mul3A_268 = arith.constant 80 : i32
      %mul3A_269 = arith.muli %add3A_262, %mul3A_268 : i32
      "tpu.region"() ({
        %run_scoped3A = tpu.sem_alloc : memref<!tpu.dma_semaphore, #tpu.memory_space<semaphore_mem>>
        %dma_start3A_464 = tpu.memref_slice %arg9[%mul3A_269] : memref<10000xi32, #tpu.memory_space<vmem>> -> memref<80xi32, #tpu.memory_space<vmem>>
        %dma_start3A_465 = arith.constant 0 : i32
        %dma_start3A_466 = arith.constant 0 : i32
        %dma_start3A_467 = tpu.memref_slice %arg7[%dma_start3A_465, %dma_start3A_466] : memref<10000x64xf32, #tpu.memory_space<vmem_shared>> -> memref<10000x64xf32, #tpu.memory_space<vmem_shared>>
        tpu.enqueue_indirect_dma source(%arg16 : memref<80x64xf32, #tpu.memory_space<vmem>>) target(%dma_start3A_467 : memref<10000x64xf32, #tpu.memory_space<vmem_shared>>) offsets(%dma_start3A_464 : memref<80xi32, #tpu.memory_space<vmem>>) semaphore(%run_scoped3A : memref<!tpu.dma_semaphore, #tpu.memory_space<semaphore_mem>>) {add = true}
        %dma_wait3A_468 = tpu.memref_slice %arg9[%mul3A_269] : memref<10000xi32, #tpu.memory_space<vmem>> -> memref<80xi32, #tpu.memory_space<vmem>>
        %dma_wait3A_469 = arith.constant 0 : i32
        %dma_wait3A_470 = arith.constant 0 : i32
        %dma_wait3A_471 = tpu.memref_slice %arg7[%dma_wait3A_469, %dma_wait3A_470] : memref<10000x64xf32, #tpu.memory_space<vmem_shared>> -> memref<10000x64xf32, #tpu.memory_space<vmem_shared>>
        tpu.wait_indirect_dma semaphore(%run_scoped3A : memref<!tpu.dma_semaphore, #tpu.memory_space<semaphore_mem>>) src(%arg16 : memref<80x64xf32, #tpu.memory_space<vmem>>) dst(%dma_wait3A_471 : memref<10000x64xf32, #tpu.memory_space<vmem_shared>>)
        tpu.yield
      }) : () -> ()
      %mul3A_270 = arith.constant 80 : i32
      %mul3A_271 = arith.muli %add3A_262, %mul3A_270 : i32
      "tpu.region"() ({
        %run_scoped3A = tpu.sem_alloc : memref<!tpu.dma_semaphore, #tpu.memory_space<semaphore_mem>>
        %dma_start3A_464 = tpu.memref_slice %arg9[%mul3A_271] : memref<10000xi32, #tpu.memory_space<vmem>> -> memref<80xi32, #tpu.memory_space<vmem>>
        %dma_start3A_465 = arith.constant 0 : i32
        %dma_start3A_466 = tpu.memref_slice %arg43[%dma_start3A_465] : memref<10240xf32, #tpu.memory_space<vmem_shared>> -> memref<10240xf32, #tpu.memory_space<vmem_shared>>
        tpu.enqueue_indirect_dma source(%arg44 : memref<80xf32, #tpu.memory_space<vmem>>) target(%dma_start3A_466 : memref<10240xf32, #tpu.memory_space<vmem_shared>>) offsets(%dma_start3A_464 : memref<80xi32, #tpu.memory_space<vmem>>) semaphore(%run_scoped3A : memref<!tpu.dma_semaphore, #tpu.memory_space<semaphore_mem>>) {add = true}
        %dma_wait3A_467 = tpu.memref_slice %arg9[%mul3A_271] : memref<10000xi32, #tpu.memory_space<vmem>> -> memref<80xi32, #tpu.memory_space<vmem>>
        %dma_wait3A_468 = arith.constant 0 : i32
        %dma_wait3A_469 = tpu.memref_slice %arg43[%dma_wait3A_468] : memref<10240xf32, #tpu.memory_space<vmem_shared>> -> memref<10240xf32, #tpu.memory_space<vmem_shared>>
        tpu.wait_indirect_dma semaphore(%run_scoped3A : memref<!tpu.dma_semaphore, #tpu.memory_space<semaphore_mem>>) src(%arg44 : memref<80xf32, #tpu.memory_space<vmem>>) dst(%dma_wait3A_469 : memref<10240xf32, #tpu.memory_space<vmem_shared>>)
        tpu.yield
      }) : () -> ()
      %add3A_272 = arith.constant 5 : i32
      %add3A_273 = arith.addi %add3A_262, %add3A_272 : i32
      %mul3A_274 = arith.constant 80 : i32
      %mul3A_275 = arith.muli %add3A_273, %mul3A_274 : i32
      %dma_start3A_276 = tpu.memref_slice %arg8[%mul3A_275] : memref<10000xi32, #tpu.memory_space<vmem>> -> memref<80xi32, #tpu.memory_space<vmem>>
      %dma_start3A_277 = arith.constant 0 : i32
      %dma_start3A_278 = arith.constant 0 : i32
      %dma_start3A_279 = tpu.memref_slice %arg2[%dma_start3A_277, %dma_start3A_278] : memref<10000x64xf32, #tpu.memory_space<hbm>> -> memref<10000x64xf32, #tpu.memory_space<hbm>>
      tpu.enqueue_indirect_dma source(%dma_start3A_279 : memref<10000x64xf32, #tpu.memory_space<hbm>>) target(%arg11 : memref<80x64xf32, #tpu.memory_space<vmem>>) offsets(%dma_start3A_276 : memref<80xi32, #tpu.memory_space<vmem>>) semaphore(%arg21 : memref<!tpu.dma_semaphore, #tpu.memory_space<semaphore_mem>>)
      %mul3A_280 = arith.constant 10 : i32
      %mul3A_281 = arith.muli %scan3A_233, %mul3A_280 : i32
      %add3A_282 = arith.constant 5 : i32
      %add3A_283 = arith.addi %add3A_282, %mul3A_281 : i32
      %add3A_284 = arith.constant 2 : i32
      %add3A_285 = arith.addi %add3A_283, %add3A_284 : i32
      %dma_wait3A_286 = arith.constant 0 : i32
      %dma_wait3A_287 = tpu.memref_slice %arg8[%dma_wait3A_286] : memref<10000xi32, #tpu.memory_space<vmem>> -> memref<80xi32, #tpu.memory_space<vmem>>
      %dma_wait3A_288 = arith.constant 0 : i32
      %dma_wait3A_289 = arith.constant 0 : i32
      %dma_wait3A_290 = tpu.memref_slice %arg2[%dma_wait3A_288, %dma_wait3A_289] : memref<10000x64xf32, #tpu.memory_space<hbm>> -> memref<10000x64xf32, #tpu.memory_space<hbm>>
      tpu.wait_indirect_dma semaphore(%arg27 : memref<!tpu.dma_semaphore, #tpu.memory_space<semaphore_mem>>) src(%dma_wait3A_290 : memref<10000x64xf32, #tpu.memory_space<hbm>>) dst(%arg17 : memref<80x64xf32, #tpu.memory_space<vmem>>)
      %mul3A_291 = arith.constant 80 : i32
      %mul3A_292 = arith.muli %add3A_285, %mul3A_291 : i32
      "tpu.region"() ({
        %run_scoped3A = tpu.sem_alloc : memref<!tpu.dma_semaphore, #tpu.memory_space<semaphore_mem>>
        %dma_start3A_464 = tpu.memref_slice %arg9[%mul3A_292] : memref<10000xi32, #tpu.memory_space<vmem>> -> memref<80xi32, #tpu.memory_space<vmem>>
        %dma_start3A_465 = arith.constant 0 : i32
        %dma_start3A_466 = arith.constant 0 : i32
        %dma_start3A_467 = tpu.memref_slice %arg7[%dma_start3A_465, %dma_start3A_466] : memref<10000x64xf32, #tpu.memory_space<vmem_shared>> -> memref<10000x64xf32, #tpu.memory_space<vmem_shared>>
        tpu.enqueue_indirect_dma source(%arg17 : memref<80x64xf32, #tpu.memory_space<vmem>>) target(%dma_start3A_467 : memref<10000x64xf32, #tpu.memory_space<vmem_shared>>) offsets(%dma_start3A_464 : memref<80xi32, #tpu.memory_space<vmem>>) semaphore(%run_scoped3A : memref<!tpu.dma_semaphore, #tpu.memory_space<semaphore_mem>>) {add = true}
        %dma_wait3A_468 = tpu.memref_slice %arg9[%mul3A_292] : memref<10000xi32, #tpu.memory_space<vmem>> -> memref<80xi32, #tpu.memory_space<vmem>>
        %dma_wait3A_469 = arith.constant 0 : i32
        %dma_wait3A_470 = arith.constant 0 : i32
        %dma_wait3A_471 = tpu.memref_slice %arg7[%dma_wait3A_469, %dma_wait3A_470] : memref<10000x64xf32, #tpu.memory_space<vmem_shared>> -> memref<10000x64xf32, #tpu.memory_space<vmem_shared>>
        tpu.wait_indirect_dma semaphore(%run_scoped3A : memref<!tpu.dma_semaphore, #tpu.memory_space<semaphore_mem>>) src(%arg17 : memref<80x64xf32, #tpu.memory_space<vmem>>) dst(%dma_wait3A_471 : memref<10000x64xf32, #tpu.memory_space<vmem_shared>>)
        tpu.yield
      }) : () -> ()
      %mul3A_293 = arith.constant 80 : i32
      %mul3A_294 = arith.muli %add3A_285, %mul3A_293 : i32
      "tpu.region"() ({
        %run_scoped3A = tpu.sem_alloc : memref<!tpu.dma_semaphore, #tpu.memory_space<semaphore_mem>>
        %dma_start3A_464 = tpu.memref_slice %arg9[%mul3A_294] : memref<10000xi32, #tpu.memory_space<vmem>> -> memref<80xi32, #tpu.memory_space<vmem>>
        %dma_start3A_465 = arith.constant 0 : i32
        %dma_start3A_466 = tpu.memref_slice %arg43[%dma_start3A_465] : memref<10240xf32, #tpu.memory_space<vmem_shared>> -> memref<10240xf32, #tpu.memory_space<vmem_shared>>
        tpu.enqueue_indirect_dma source(%arg44 : memref<80xf32, #tpu.memory_space<vmem>>) target(%dma_start3A_466 : memref<10240xf32, #tpu.memory_space<vmem_shared>>) offsets(%dma_start3A_464 : memref<80xi32, #tpu.memory_space<vmem>>) semaphore(%run_scoped3A : memref<!tpu.dma_semaphore, #tpu.memory_space<semaphore_mem>>) {add = true}
        %dma_wait3A_467 = tpu.memref_slice %arg9[%mul3A_294] : memref<10000xi32, #tpu.memory_space<vmem>> -> memref<80xi32, #tpu.memory_space<vmem>>
        %dma_wait3A_468 = arith.constant 0 : i32
        %dma_wait3A_469 = tpu.memref_slice %arg43[%dma_wait3A_468] : memref<10240xf32, #tpu.memory_space<vmem_shared>> -> memref<10240xf32, #tpu.memory_space<vmem_shared>>
        tpu.wait_indirect_dma semaphore(%run_scoped3A : memref<!tpu.dma_semaphore, #tpu.memory_space<semaphore_mem>>) src(%arg44 : memref<80xf32, #tpu.memory_space<vmem>>) dst(%dma_wait3A_469 : memref<10240xf32, #tpu.memory_space<vmem_shared>>)
        tpu.yield
      }) : () -> ()
      %add3A_295 = arith.constant 5 : i32
      %add3A_296 = arith.addi %add3A_285, %add3A_295 : i32
      %mul3A_297 = arith.constant 80 : i32
      %mul3A_298 = arith.muli %add3A_296, %mul3A_297 : i32
      %dma_start3A_299 = tpu.memref_slice %arg8[%mul3A_298] : memref<10000xi32, #tpu.memory_space<vmem>> -> memref<80xi32, #tpu.memory_space<vmem>>
      %dma_start3A_300 = arith.constant 0 : i32
      %dma_start3A_301 = arith.constant 0 : i32
      %dma_start3A_302 = tpu.memref_slice %arg2[%dma_start3A_300, %dma_start3A_301] : memref<10000x64xf32, #tpu.memory_space<hbm>> -> memref<10000x64xf32, #tpu.memory_space<hbm>>
      tpu.enqueue_indirect_dma source(%dma_start3A_302 : memref<10000x64xf32, #tpu.memory_space<hbm>>) target(%arg12 : memref<80x64xf32, #tpu.memory_space<vmem>>) offsets(%dma_start3A_299 : memref<80xi32, #tpu.memory_space<vmem>>) semaphore(%arg22 : memref<!tpu.dma_semaphore, #tpu.memory_space<semaphore_mem>>)
      %mul3A_303 = arith.constant 10 : i32
      %mul3A_304 = arith.muli %scan3A_233, %mul3A_303 : i32
      %add3A_305 = arith.constant 5 : i32
      %add3A_306 = arith.addi %add3A_305, %mul3A_304 : i32
      %add3A_307 = arith.constant 3 : i32
      %add3A_308 = arith.addi %add3A_306, %add3A_307 : i32
      %dma_wait3A_309 = arith.constant 0 : i32
      %dma_wait3A_310 = tpu.memref_slice %arg8[%dma_wait3A_309] : memref<10000xi32, #tpu.memory_space<vmem>> -> memref<80xi32, #tpu.memory_space<vmem>>
      %dma_wait3A_311 = arith.constant 0 : i32
      %dma_wait3A_312 = arith.constant 0 : i32
      %dma_wait3A_313 = tpu.memref_slice %arg2[%dma_wait3A_311, %dma_wait3A_312] : memref<10000x64xf32, #tpu.memory_space<hbm>> -> memref<10000x64xf32, #tpu.memory_space<hbm>>
      tpu.wait_indirect_dma semaphore(%arg28 : memref<!tpu.dma_semaphore, #tpu.memory_space<semaphore_mem>>) src(%dma_wait3A_313 : memref<10000x64xf32, #tpu.memory_space<hbm>>) dst(%arg18 : memref<80x64xf32, #tpu.memory_space<vmem>>)
      %mul3A_314 = arith.constant 80 : i32
      %mul3A_315 = arith.muli %add3A_308, %mul3A_314 : i32
      "tpu.region"() ({
        %run_scoped3A = tpu.sem_alloc : memref<!tpu.dma_semaphore, #tpu.memory_space<semaphore_mem>>
        %dma_start3A_464 = tpu.memref_slice %arg9[%mul3A_315] : memref<10000xi32, #tpu.memory_space<vmem>> -> memref<80xi32, #tpu.memory_space<vmem>>
        %dma_start3A_465 = arith.constant 0 : i32
        %dma_start3A_466 = arith.constant 0 : i32
        %dma_start3A_467 = tpu.memref_slice %arg7[%dma_start3A_465, %dma_start3A_466] : memref<10000x64xf32, #tpu.memory_space<vmem_shared>> -> memref<10000x64xf32, #tpu.memory_space<vmem_shared>>
        tpu.enqueue_indirect_dma source(%arg18 : memref<80x64xf32, #tpu.memory_space<vmem>>) target(%dma_start3A_467 : memref<10000x64xf32, #tpu.memory_space<vmem_shared>>) offsets(%dma_start3A_464 : memref<80xi32, #tpu.memory_space<vmem>>) semaphore(%run_scoped3A : memref<!tpu.dma_semaphore, #tpu.memory_space<semaphore_mem>>) {add = true}
        %dma_wait3A_468 = tpu.memref_slice %arg9[%mul3A_315] : memref<10000xi32, #tpu.memory_space<vmem>> -> memref<80xi32, #tpu.memory_space<vmem>>
        %dma_wait3A_469 = arith.constant 0 : i32
        %dma_wait3A_470 = arith.constant 0 : i32
        %dma_wait3A_471 = tpu.memref_slice %arg7[%dma_wait3A_469, %dma_wait3A_470] : memref<10000x64xf32, #tpu.memory_space<vmem_shared>> -> memref<10000x64xf32, #tpu.memory_space<vmem_shared>>
        tpu.wait_indirect_dma semaphore(%run_scoped3A : memref<!tpu.dma_semaphore, #tpu.memory_space<semaphore_mem>>) src(%arg18 : memref<80x64xf32, #tpu.memory_space<vmem>>) dst(%dma_wait3A_471 : memref<10000x64xf32, #tpu.memory_space<vmem_shared>>)
        tpu.yield
      }) : () -> ()
      %mul3A_316 = arith.constant 80 : i32
      %mul3A_317 = arith.muli %add3A_308, %mul3A_316 : i32
      "tpu.region"() ({
        %run_scoped3A = tpu.sem_alloc : memref<!tpu.dma_semaphore, #tpu.memory_space<semaphore_mem>>
        %dma_start3A_464 = tpu.memref_slice %arg9[%mul3A_317] : memref<10000xi32, #tpu.memory_space<vmem>> -> memref<80xi32, #tpu.memory_space<vmem>>
        %dma_start3A_465 = arith.constant 0 : i32
        %dma_start3A_466 = tpu.memref_slice %arg43[%dma_start3A_465] : memref<10240xf32, #tpu.memory_space<vmem_shared>> -> memref<10240xf32, #tpu.memory_space<vmem_shared>>
        tpu.enqueue_indirect_dma source(%arg44 : memref<80xf32, #tpu.memory_space<vmem>>) target(%dma_start3A_466 : memref<10240xf32, #tpu.memory_space<vmem_shared>>) offsets(%dma_start3A_464 : memref<80xi32, #tpu.memory_space<vmem>>) semaphore(%run_scoped3A : memref<!tpu.dma_semaphore, #tpu.memory_space<semaphore_mem>>) {add = true}
        %dma_wait3A_467 = tpu.memref_slice %arg9[%mul3A_317] : memref<10000xi32, #tpu.memory_space<vmem>> -> memref<80xi32, #tpu.memory_space<vmem>>
        %dma_wait3A_468 = arith.constant 0 : i32
        %dma_wait3A_469 = tpu.memref_slice %arg43[%dma_wait3A_468] : memref<10240xf32, #tpu.memory_space<vmem_shared>> -> memref<10240xf32, #tpu.memory_space<vmem_shared>>
        tpu.wait_indirect_dma semaphore(%run_scoped3A : memref<!tpu.dma_semaphore, #tpu.memory_space<semaphore_mem>>) src(%arg44 : memref<80xf32, #tpu.memory_space<vmem>>) dst(%dma_wait3A_469 : memref<10240xf32, #tpu.memory_space<vmem_shared>>)
        tpu.yield
      }) : () -> ()
      %add3A_318 = arith.constant 5 : i32
      %add3A_319 = arith.addi %add3A_308, %add3A_318 : i32
      %mul3A_320 = arith.constant 80 : i32
      %mul3A_321 = arith.muli %add3A_319, %mul3A_320 : i32
      %dma_start3A_322 = tpu.memref_slice %arg8[%mul3A_321] : memref<10000xi32, #tpu.memory_space<vmem>> -> memref<80xi32, #tpu.memory_space<vmem>>
      %dma_start3A_323 = arith.constant 0 : i32
      %dma_start3A_324 = arith.constant 0 : i32
      %dma_start3A_325 = tpu.memref_slice %arg2[%dma_start3A_323, %dma_start3A_324] : memref<10000x64xf32, #tpu.memory_space<hbm>> -> memref<10000x64xf32, #tpu.memory_space<hbm>>
      tpu.enqueue_indirect_dma source(%dma_start3A_325 : memref<10000x64xf32, #tpu.memory_space<hbm>>) target(%arg13 : memref<80x64xf32, #tpu.memory_space<vmem>>) offsets(%dma_start3A_322 : memref<80xi32, #tpu.memory_space<vmem>>) semaphore(%arg23 : memref<!tpu.dma_semaphore, #tpu.memory_space<semaphore_mem>>)
      %mul3A_326 = arith.constant 10 : i32
      %mul3A_327 = arith.muli %scan3A_233, %mul3A_326 : i32
      %add3A_328 = arith.constant 5 : i32
      %add3A_329 = arith.addi %add3A_328, %mul3A_327 : i32
      %add3A_330 = arith.constant 4 : i32
      %add3A_331 = arith.addi %add3A_329, %add3A_330 : i32
      %dma_wait3A_332 = arith.constant 0 : i32
      %dma_wait3A_333 = tpu.memref_slice %arg8[%dma_wait3A_332] : memref<10000xi32, #tpu.memory_space<vmem>> -> memref<80xi32, #tpu.memory_space<vmem>>
      %dma_wait3A_334 = arith.constant 0 : i32
      %dma_wait3A_335 = arith.constant 0 : i32
      %dma_wait3A_336 = tpu.memref_slice %arg2[%dma_wait3A_334, %dma_wait3A_335] : memref<10000x64xf32, #tpu.memory_space<hbm>> -> memref<10000x64xf32, #tpu.memory_space<hbm>>
      tpu.wait_indirect_dma semaphore(%arg29 : memref<!tpu.dma_semaphore, #tpu.memory_space<semaphore_mem>>) src(%dma_wait3A_336 : memref<10000x64xf32, #tpu.memory_space<hbm>>) dst(%arg19 : memref<80x64xf32, #tpu.memory_space<vmem>>)
      %mul3A_337 = arith.constant 80 : i32
      %mul3A_338 = arith.muli %add3A_331, %mul3A_337 : i32
      "tpu.region"() ({
        %run_scoped3A = tpu.sem_alloc : memref<!tpu.dma_semaphore, #tpu.memory_space<semaphore_mem>>
        %dma_start3A_464 = tpu.memref_slice %arg9[%mul3A_338] : memref<10000xi32, #tpu.memory_space<vmem>> -> memref<80xi32, #tpu.memory_space<vmem>>
        %dma_start3A_465 = arith.constant 0 : i32
        %dma_start3A_466 = arith.constant 0 : i32
        %dma_start3A_467 = tpu.memref_slice %arg7[%dma_start3A_465, %dma_start3A_466] : memref<10000x64xf32, #tpu.memory_space<vmem_shared>> -> memref<10000x64xf32, #tpu.memory_space<vmem_shared>>
        tpu.enqueue_indirect_dma source(%arg19 : memref<80x64xf32, #tpu.memory_space<vmem>>) target(%dma_start3A_467 : memref<10000x64xf32, #tpu.memory_space<vmem_shared>>) offsets(%dma_start3A_464 : memref<80xi32, #tpu.memory_space<vmem>>) semaphore(%run_scoped3A : memref<!tpu.dma_semaphore, #tpu.memory_space<semaphore_mem>>) {add = true}
        %dma_wait3A_468 = tpu.memref_slice %arg9[%mul3A_338] : memref<10000xi32, #tpu.memory_space<vmem>> -> memref<80xi32, #tpu.memory_space<vmem>>
        %dma_wait3A_469 = arith.constant 0 : i32
        %dma_wait3A_470 = arith.constant 0 : i32
        %dma_wait3A_471 = tpu.memref_slice %arg7[%dma_wait3A_469, %dma_wait3A_470] : memref<10000x64xf32, #tpu.memory_space<vmem_shared>> -> memref<10000x64xf32, #tpu.memory_space<vmem_shared>>
        tpu.wait_indirect_dma semaphore(%run_scoped3A : memref<!tpu.dma_semaphore, #tpu.memory_space<semaphore_mem>>) src(%arg19 : memref<80x64xf32, #tpu.memory_space<vmem>>) dst(%dma_wait3A_471 : memref<10000x64xf32, #tpu.memory_space<vmem_shared>>)
        tpu.yield
      }) : () -> ()
      %mul3A_339 = arith.constant 80 : i32
      %mul3A_340 = arith.muli %add3A_331, %mul3A_339 : i32
      "tpu.region"() ({
        %run_scoped3A = tpu.sem_alloc : memref<!tpu.dma_semaphore, #tpu.memory_space<semaphore_mem>>
        %dma_start3A_464 = tpu.memref_slice %arg9[%mul3A_340] : memref<10000xi32, #tpu.memory_space<vmem>> -> memref<80xi32, #tpu.memory_space<vmem>>
        %dma_start3A_465 = arith.constant 0 : i32
        %dma_start3A_466 = tpu.memref_slice %arg43[%dma_start3A_465] : memref<10240xf32, #tpu.memory_space<vmem_shared>> -> memref<10240xf32, #tpu.memory_space<vmem_shared>>
        tpu.enqueue_indirect_dma source(%arg44 : memref<80xf32, #tpu.memory_space<vmem>>) target(%dma_start3A_466 : memref<10240xf32, #tpu.memory_space<vmem_shared>>) offsets(%dma_start3A_464 : memref<80xi32, #tpu.memory_space<vmem>>) semaphore(%run_scoped3A : memref<!tpu.dma_semaphore, #tpu.memory_space<semaphore_mem>>) {add = true}
        %dma_wait3A_467 = tpu.memref_slice %arg9[%mul3A_340] : memref<10000xi32, #tpu.memory_space<vmem>> -> memref<80xi32, #tpu.memory_space<vmem>>
        %dma_wait3A_468 = arith.constant 0 : i32
        %dma_wait3A_469 = tpu.memref_slice %arg43[%dma_wait3A_468] : memref<10240xf32, #tpu.memory_space<vmem_shared>> -> memref<10240xf32, #tpu.memory_space<vmem_shared>>
        tpu.wait_indirect_dma semaphore(%run_scoped3A : memref<!tpu.dma_semaphore, #tpu.memory_space<semaphore_mem>>) src(%arg44 : memref<80xf32, #tpu.memory_space<vmem>>) dst(%dma_wait3A_469 : memref<10240xf32, #tpu.memory_space<vmem_shared>>)
        tpu.yield
      }) : () -> ()
      %add3A_341 = arith.constant 5 : i32
      %add3A_342 = arith.addi %add3A_331, %add3A_341 : i32
      %mul3A_343 = arith.constant 80 : i32
      %mul3A_344 = arith.muli %add3A_342, %mul3A_343 : i32
      %dma_start3A_345 = tpu.memref_slice %arg8[%mul3A_344] : memref<10000xi32, #tpu.memory_space<vmem>> -> memref<80xi32, #tpu.memory_space<vmem>>
      %dma_start3A_346 = arith.constant 0 : i32
      %dma_start3A_347 = arith.constant 0 : i32
      %dma_start3A_348 = tpu.memref_slice %arg2[%dma_start3A_346, %dma_start3A_347] : memref<10000x64xf32, #tpu.memory_space<hbm>> -> memref<10000x64xf32, #tpu.memory_space<hbm>>
      tpu.enqueue_indirect_dma source(%dma_start3A_348 : memref<10000x64xf32, #tpu.memory_space<hbm>>) target(%arg14 : memref<80x64xf32, #tpu.memory_space<vmem>>) offsets(%dma_start3A_345 : memref<80xi32, #tpu.memory_space<vmem>>) semaphore(%arg24 : memref<!tpu.dma_semaphore, #tpu.memory_space<semaphore_mem>>)
      %mul3A_349 = arith.constant 10 : i32
      %mul3A_350 = arith.muli %scan3A_233, %mul3A_349 : i32
      %add3A_351 = arith.constant 5 : i32
      %add3A_352 = arith.addi %add3A_351, %mul3A_350 : i32
      %add3A_353 = arith.constant 5 : i32
      %add3A_354 = arith.addi %add3A_352, %add3A_353 : i32
      %dma_wait3A_355 = arith.constant 0 : i32
      %dma_wait3A_356 = tpu.memref_slice %arg8[%dma_wait3A_355] : memref<10000xi32, #tpu.memory_space<vmem>> -> memref<80xi32, #tpu.memory_space<vmem>>
      %dma_wait3A_357 = arith.constant 0 : i32
      %dma_wait3A_358 = arith.constant 0 : i32
      %dma_wait3A_359 = tpu.memref_slice %arg2[%dma_wait3A_357, %dma_wait3A_358] : memref<10000x64xf32, #tpu.memory_space<hbm>> -> memref<10000x64xf32, #tpu.memory_space<hbm>>
      tpu.wait_indirect_dma semaphore(%arg20 : memref<!tpu.dma_semaphore, #tpu.memory_space<semaphore_mem>>) src(%dma_wait3A_359 : memref<10000x64xf32, #tpu.memory_space<hbm>>) dst(%arg10 : memref<80x64xf32, #tpu.memory_space<vmem>>)
      %mul3A_360 = arith.constant 80 : i32
      %mul3A_361 = arith.muli %add3A_354, %mul3A_360 : i32
      "tpu.region"() ({
        %run_scoped3A = tpu.sem_alloc : memref<!tpu.dma_semaphore, #tpu.memory_space<semaphore_mem>>
        %dma_start3A_464 = tpu.memref_slice %arg9[%mul3A_361] : memref<10000xi32, #tpu.memory_space<vmem>> -> memref<80xi32, #tpu.memory_space<vmem>>
        %dma_start3A_465 = arith.constant 0 : i32
        %dma_start3A_466 = arith.constant 0 : i32
        %dma_start3A_467 = tpu.memref_slice %arg7[%dma_start3A_465, %dma_start3A_466] : memref<10000x64xf32, #tpu.memory_space<vmem_shared>> -> memref<10000x64xf32, #tpu.memory_space<vmem_shared>>
        tpu.enqueue_indirect_dma source(%arg10 : memref<80x64xf32, #tpu.memory_space<vmem>>) target(%dma_start3A_467 : memref<10000x64xf32, #tpu.memory_space<vmem_shared>>) offsets(%dma_start3A_464 : memref<80xi32, #tpu.memory_space<vmem>>) semaphore(%run_scoped3A : memref<!tpu.dma_semaphore, #tpu.memory_space<semaphore_mem>>) {add = true}
        %dma_wait3A_468 = tpu.memref_slice %arg9[%mul3A_361] : memref<10000xi32, #tpu.memory_space<vmem>> -> memref<80xi32, #tpu.memory_space<vmem>>
        %dma_wait3A_469 = arith.constant 0 : i32
        %dma_wait3A_470 = arith.constant 0 : i32
        %dma_wait3A_471 = tpu.memref_slice %arg7[%dma_wait3A_469, %dma_wait3A_470] : memref<10000x64xf32, #tpu.memory_space<vmem_shared>> -> memref<10000x64xf32, #tpu.memory_space<vmem_shared>>
        tpu.wait_indirect_dma semaphore(%run_scoped3A : memref<!tpu.dma_semaphore, #tpu.memory_space<semaphore_mem>>) src(%arg10 : memref<80x64xf32, #tpu.memory_space<vmem>>) dst(%dma_wait3A_471 : memref<10000x64xf32, #tpu.memory_space<vmem_shared>>)
        tpu.yield
      }) : () -> ()
      %mul3A_362 = arith.constant 80 : i32
      %mul3A_363 = arith.muli %add3A_354, %mul3A_362 : i32
      "tpu.region"() ({
        %run_scoped3A = tpu.sem_alloc : memref<!tpu.dma_semaphore, #tpu.memory_space<semaphore_mem>>
        %dma_start3A_464 = tpu.memref_slice %arg9[%mul3A_363] : memref<10000xi32, #tpu.memory_space<vmem>> -> memref<80xi32, #tpu.memory_space<vmem>>
        %dma_start3A_465 = arith.constant 0 : i32
        %dma_start3A_466 = tpu.memref_slice %arg43[%dma_start3A_465] : memref<10240xf32, #tpu.memory_space<vmem_shared>> -> memref<10240xf32, #tpu.memory_space<vmem_shared>>
        tpu.enqueue_indirect_dma source(%arg44 : memref<80xf32, #tpu.memory_space<vmem>>) target(%dma_start3A_466 : memref<10240xf32, #tpu.memory_space<vmem_shared>>) offsets(%dma_start3A_464 : memref<80xi32, #tpu.memory_space<vmem>>) semaphore(%run_scoped3A : memref<!tpu.dma_semaphore, #tpu.memory_space<semaphore_mem>>) {add = true}
        %dma_wait3A_467 = tpu.memref_slice %arg9[%mul3A_363] : memref<10000xi32, #tpu.memory_space<vmem>> -> memref<80xi32, #tpu.memory_space<vmem>>
        %dma_wait3A_468 = arith.constant 0 : i32
        %dma_wait3A_469 = tpu.memref_slice %arg43[%dma_wait3A_468] : memref<10240xf32, #tpu.memory_space<vmem_shared>> -> memref<10240xf32, #tpu.memory_space<vmem_shared>>
        tpu.wait_indirect_dma semaphore(%run_scoped3A : memref<!tpu.dma_semaphore, #tpu.memory_space<semaphore_mem>>) src(%arg44 : memref<80xf32, #tpu.memory_space<vmem>>) dst(%dma_wait3A_469 : memref<10240xf32, #tpu.memory_space<vmem_shared>>)
        tpu.yield
      }) : () -> ()
      %add3A_364 = arith.constant 5 : i32
      %add3A_365 = arith.addi %add3A_354, %add3A_364 : i32
      %mul3A_366 = arith.constant 80 : i32
      %mul3A_367 = arith.muli %add3A_365, %mul3A_366 : i32
      %dma_start3A_368 = tpu.memref_slice %arg8[%mul3A_367] : memref<10000xi32, #tpu.memory_space<vmem>> -> memref<80xi32, #tpu.memory_space<vmem>>
      %dma_start3A_369 = arith.constant 0 : i32
      %dma_start3A_370 = arith.constant 0 : i32
      %dma_start3A_371 = tpu.memref_slice %arg2[%dma_start3A_369, %dma_start3A_370] : memref<10000x64xf32, #tpu.memory_space<hbm>> -> memref<10000x64xf32, #tpu.memory_space<hbm>>
      tpu.enqueue_indirect_dma source(%dma_start3A_371 : memref<10000x64xf32, #tpu.memory_space<hbm>>) target(%arg15 : memref<80x64xf32, #tpu.memory_space<vmem>>) offsets(%dma_start3A_368 : memref<80xi32, #tpu.memory_space<vmem>>) semaphore(%arg25 : memref<!tpu.dma_semaphore, #tpu.memory_space<semaphore_mem>>)
      %mul3A_372 = arith.constant 10 : i32
      %mul3A_373 = arith.muli %scan3A_233, %mul3A_372 : i32
      %add3A_374 = arith.constant 5 : i32
      %add3A_375 = arith.addi %add3A_374, %mul3A_373 : i32
      %add3A_376 = arith.constant 6 : i32
      %add3A_377 = arith.addi %add3A_375, %add3A_376 : i32
      %dma_wait3A_378 = arith.constant 0 : i32
      %dma_wait3A_379 = tpu.memref_slice %arg8[%dma_wait3A_378] : memref<10000xi32, #tpu.memory_space<vmem>> -> memref<80xi32, #tpu.memory_space<vmem>>
      %dma_wait3A_380 = arith.constant 0 : i32
      %dma_wait3A_381 = arith.constant 0 : i32
      %dma_wait3A_382 = tpu.memref_slice %arg2[%dma_wait3A_380, %dma_wait3A_381] : memref<10000x64xf32, #tpu.memory_space<hbm>> -> memref<10000x64xf32, #tpu.memory_space<hbm>>
      tpu.wait_indirect_dma semaphore(%arg21 : memref<!tpu.dma_semaphore, #tpu.memory_space<semaphore_mem>>) src(%dma_wait3A_382 : memref<10000x64xf32, #tpu.memory_space<hbm>>) dst(%arg11 : memref<80x64xf32, #tpu.memory_space<vmem>>)
      %mul3A_383 = arith.constant 80 : i32
      %mul3A_384 = arith.muli %add3A_377, %mul3A_383 : i32
      "tpu.region"() ({
        %run_scoped3A = tpu.sem_alloc : memref<!tpu.dma_semaphore, #tpu.memory_space<semaphore_mem>>
        %dma_start3A_464 = tpu.memref_slice %arg9[%mul3A_384] : memref<10000xi32, #tpu.memory_space<vmem>> -> memref<80xi32, #tpu.memory_space<vmem>>
        %dma_start3A_465 = arith.constant 0 : i32
        %dma_start3A_466 = arith.constant 0 : i32
        %dma_start3A_467 = tpu.memref_slice %arg7[%dma_start3A_465, %dma_start3A_466] : memref<10000x64xf32, #tpu.memory_space<vmem_shared>> -> memref<10000x64xf32, #tpu.memory_space<vmem_shared>>
        tpu.enqueue_indirect_dma source(%arg11 : memref<80x64xf32, #tpu.memory_space<vmem>>) target(%dma_start3A_467 : memref<10000x64xf32, #tpu.memory_space<vmem_shared>>) offsets(%dma_start3A_464 : memref<80xi32, #tpu.memory_space<vmem>>) semaphore(%run_scoped3A : memref<!tpu.dma_semaphore, #tpu.memory_space<semaphore_mem>>) {add = true}
        %dma_wait3A_468 = tpu.memref_slice %arg9[%mul3A_384] : memref<10000xi32, #tpu.memory_space<vmem>> -> memref<80xi32, #tpu.memory_space<vmem>>
        %dma_wait3A_469 = arith.constant 0 : i32
        %dma_wait3A_470 = arith.constant 0 : i32
        %dma_wait3A_471 = tpu.memref_slice %arg7[%dma_wait3A_469, %dma_wait3A_470] : memref<10000x64xf32, #tpu.memory_space<vmem_shared>> -> memref<10000x64xf32, #tpu.memory_space<vmem_shared>>
        tpu.wait_indirect_dma semaphore(%run_scoped3A : memref<!tpu.dma_semaphore, #tpu.memory_space<semaphore_mem>>) src(%arg11 : memref<80x64xf32, #tpu.memory_space<vmem>>) dst(%dma_wait3A_471 : memref<10000x64xf32, #tpu.memory_space<vmem_shared>>)
        tpu.yield
      }) : () -> ()
      %mul3A_385 = arith.constant 80 : i32
      %mul3A_386 = arith.muli %add3A_377, %mul3A_385 : i32
      "tpu.region"() ({
        %run_scoped3A = tpu.sem_alloc : memref<!tpu.dma_semaphore, #tpu.memory_space<semaphore_mem>>
        %dma_start3A_464 = tpu.memref_slice %arg9[%mul3A_386] : memref<10000xi32, #tpu.memory_space<vmem>> -> memref<80xi32, #tpu.memory_space<vmem>>
        %dma_start3A_465 = arith.constant 0 : i32
        %dma_start3A_466 = tpu.memref_slice %arg43[%dma_start3A_465] : memref<10240xf32, #tpu.memory_space<vmem_shared>> -> memref<10240xf32, #tpu.memory_space<vmem_shared>>
        tpu.enqueue_indirect_dma source(%arg44 : memref<80xf32, #tpu.memory_space<vmem>>) target(%dma_start3A_466 : memref<10240xf32, #tpu.memory_space<vmem_shared>>) offsets(%dma_start3A_464 : memref<80xi32, #tpu.memory_space<vmem>>) semaphore(%run_scoped3A : memref<!tpu.dma_semaphore, #tpu.memory_space<semaphore_mem>>) {add = true}
        %dma_wait3A_467 = tpu.memref_slice %arg9[%mul3A_386] : memref<10000xi32, #tpu.memory_space<vmem>> -> memref<80xi32, #tpu.memory_space<vmem>>
        %dma_wait3A_468 = arith.constant 0 : i32
        %dma_wait3A_469 = tpu.memref_slice %arg43[%dma_wait3A_468] : memref<10240xf32, #tpu.memory_space<vmem_shared>> -> memref<10240xf32, #tpu.memory_space<vmem_shared>>
        tpu.wait_indirect_dma semaphore(%run_scoped3A : memref<!tpu.dma_semaphore, #tpu.memory_space<semaphore_mem>>) src(%arg44 : memref<80xf32, #tpu.memory_space<vmem>>) dst(%dma_wait3A_469 : memref<10240xf32, #tpu.memory_space<vmem_shared>>)
        tpu.yield
      }) : () -> ()
      %add3A_387 = arith.constant 5 : i32
      %add3A_388 = arith.addi %add3A_377, %add3A_387 : i32
      %mul3A_389 = arith.constant 80 : i32
      %mul3A_390 = arith.muli %add3A_388, %mul3A_389 : i32
      %dma_start3A_391 = tpu.memref_slice %arg8[%mul3A_390] : memref<10000xi32, #tpu.memory_space<vmem>> -> memref<80xi32, #tpu.memory_space<vmem>>
      %dma_start3A_392 = arith.constant 0 : i32
      %dma_start3A_393 = arith.constant 0 : i32
      %dma_start3A_394 = tpu.memref_slice %arg2[%dma_start3A_392, %dma_start3A_393] : memref<10000x64xf32, #tpu.memory_space<hbm>> -> memref<10000x64xf32, #tpu.memory_space<hbm>>
      tpu.enqueue_indirect_dma source(%dma_start3A_394 : memref<10000x64xf32, #tpu.memory_space<hbm>>) target(%arg16 : memref<80x64xf32, #tpu.memory_space<vmem>>) offsets(%dma_start3A_391 : memref<80xi32, #tpu.memory_space<vmem>>) semaphore(%arg26 : memref<!tpu.dma_semaphore, #tpu.memory_space<semaphore_mem>>)
      %mul3A_395 = arith.constant 10 : i32
      %mul3A_396 = arith.muli %scan3A_233, %mul3A_395 : i32
      %add3A_397 = arith.constant 5 : i32
      %add3A_398 = arith.addi %add3A_397, %mul3A_396 : i32
      %add3A_399 = arith.constant 7 : i32
      %add3A_400 = arith.addi %add3A_398, %add3A_399 : i32
      %dma_wait3A_401 = arith.constant 0 : i32
      %dma_wait3A_402 = tpu.memref_slice %arg8[%dma_wait3A_401] : memref<10000xi32, #tpu.memory_space<vmem>> -> memref<80xi32, #tpu.memory_space<vmem>>
      %dma_wait3A_403 = arith.constant 0 : i32
      %dma_wait3A_404 = arith.constant 0 : i32
      %dma_wait3A_405 = tpu.memref_slice %arg2[%dma_wait3A_403, %dma_wait3A_404] : memref<10000x64xf32, #tpu.memory_space<hbm>> -> memref<10000x64xf32, #tpu.memory_space<hbm>>
      tpu.wait_indirect_dma semaphore(%arg22 : memref<!tpu.dma_semaphore, #tpu.memory_space<semaphore_mem>>) src(%dma_wait3A_405 : memref<10000x64xf32, #tpu.memory_space<hbm>>) dst(%arg12 : memref<80x64xf32, #tpu.memory_space<vmem>>)
      %mul3A_406 = arith.constant 80 : i32
      %mul3A_407 = arith.muli %add3A_400, %mul3A_406 : i32
      "tpu.region"() ({
        %run_scoped3A = tpu.sem_alloc : memref<!tpu.dma_semaphore, #tpu.memory_space<semaphore_mem>>
        %dma_start3A_464 = tpu.memref_slice %arg9[%mul3A_407] : memref<10000xi32, #tpu.memory_space<vmem>> -> memref<80xi32, #tpu.memory_space<vmem>>
        %dma_start3A_465 = arith.constant 0 : i32
        %dma_start3A_466 = arith.constant 0 : i32
        %dma_start3A_467 = tpu.memref_slice %arg7[%dma_start3A_465, %dma_start3A_466] : memref<10000x64xf32, #tpu.memory_space<vmem_shared>> -> memref<10000x64xf32, #tpu.memory_space<vmem_shared>>
        tpu.enqueue_indirect_dma source(%arg12 : memref<80x64xf32, #tpu.memory_space<vmem>>) target(%dma_start3A_467 : memref<10000x64xf32, #tpu.memory_space<vmem_shared>>) offsets(%dma_start3A_464 : memref<80xi32, #tpu.memory_space<vmem>>) semaphore(%run_scoped3A : memref<!tpu.dma_semaphore, #tpu.memory_space<semaphore_mem>>) {add = true}
        %dma_wait3A_468 = tpu.memref_slice %arg9[%mul3A_407] : memref<10000xi32, #tpu.memory_space<vmem>> -> memref<80xi32, #tpu.memory_space<vmem>>
        %dma_wait3A_469 = arith.constant 0 : i32
        %dma_wait3A_470 = arith.constant 0 : i32
        %dma_wait3A_471 = tpu.memref_slice %arg7[%dma_wait3A_469, %dma_wait3A_470] : memref<10000x64xf32, #tpu.memory_space<vmem_shared>> -> memref<10000x64xf32, #tpu.memory_space<vmem_shared>>
        tpu.wait_indirect_dma semaphore(%run_scoped3A : memref<!tpu.dma_semaphore, #tpu.memory_space<semaphore_mem>>) src(%arg12 : memref<80x64xf32, #tpu.memory_space<vmem>>) dst(%dma_wait3A_471 : memref<10000x64xf32, #tpu.memory_space<vmem_shared>>)
        tpu.yield
      }) : () -> ()
      %mul3A_408 = arith.constant 80 : i32
      %mul3A_409 = arith.muli %add3A_400, %mul3A_408 : i32
      "tpu.region"() ({
        %run_scoped3A = tpu.sem_alloc : memref<!tpu.dma_semaphore, #tpu.memory_space<semaphore_mem>>
        %dma_start3A_464 = tpu.memref_slice %arg9[%mul3A_409] : memref<10000xi32, #tpu.memory_space<vmem>> -> memref<80xi32, #tpu.memory_space<vmem>>
        %dma_start3A_465 = arith.constant 0 : i32
        %dma_start3A_466 = tpu.memref_slice %arg43[%dma_start3A_465] : memref<10240xf32, #tpu.memory_space<vmem_shared>> -> memref<10240xf32, #tpu.memory_space<vmem_shared>>
        tpu.enqueue_indirect_dma source(%arg44 : memref<80xf32, #tpu.memory_space<vmem>>) target(%dma_start3A_466 : memref<10240xf32, #tpu.memory_space<vmem_shared>>) offsets(%dma_start3A_464 : memref<80xi32, #tpu.memory_space<vmem>>) semaphore(%run_scoped3A : memref<!tpu.dma_semaphore, #tpu.memory_space<semaphore_mem>>) {add = true}
        %dma_wait3A_467 = tpu.memref_slice %arg9[%mul3A_409] : memref<10000xi32, #tpu.memory_space<vmem>> -> memref<80xi32, #tpu.memory_space<vmem>>
        %dma_wait3A_468 = arith.constant 0 : i32
        %dma_wait3A_469 = tpu.memref_slice %arg43[%dma_wait3A_468] : memref<10240xf32, #tpu.memory_space<vmem_shared>> -> memref<10240xf32, #tpu.memory_space<vmem_shared>>
        tpu.wait_indirect_dma semaphore(%run_scoped3A : memref<!tpu.dma_semaphore, #tpu.memory_space<semaphore_mem>>) src(%arg44 : memref<80xf32, #tpu.memory_space<vmem>>) dst(%dma_wait3A_469 : memref<10240xf32, #tpu.memory_space<vmem_shared>>)
        tpu.yield
      }) : () -> ()
      %add3A_410 = arith.constant 5 : i32
      %add3A_411 = arith.addi %add3A_400, %add3A_410 : i32
      %mul3A_412 = arith.constant 80 : i32
      %mul3A_413 = arith.muli %add3A_411, %mul3A_412 : i32
      %dma_start3A_414 = tpu.memref_slice %arg8[%mul3A_413] : memref<10000xi32, #tpu.memory_space<vmem>> -> memref<80xi32, #tpu.memory_space<vmem>>
      %dma_start3A_415 = arith.constant 0 : i32
      %dma_start3A_416 = arith.constant 0 : i32
      %dma_start3A_417 = tpu.memref_slice %arg2[%dma_start3A_415, %dma_start3A_416] : memref<10000x64xf32, #tpu.memory_space<hbm>> -> memref<10000x64xf32, #tpu.memory_space<hbm>>
      tpu.enqueue_indirect_dma source(%dma_start3A_417 : memref<10000x64xf32, #tpu.memory_space<hbm>>) target(%arg17 : memref<80x64xf32, #tpu.memory_space<vmem>>) offsets(%dma_start3A_414 : memref<80xi32, #tpu.memory_space<vmem>>) semaphore(%arg27 : memref<!tpu.dma_semaphore, #tpu.memory_space<semaphore_mem>>)
      %mul3A_418 = arith.constant 10 : i32
      %mul3A_419 = arith.muli %scan3A_233, %mul3A_418 : i32
      %add3A_420 = arith.constant 5 : i32
      %add3A_421 = arith.addi %add3A_420, %mul3A_419 : i32
      %add3A_422 = arith.constant 8 : i32
      %add3A_423 = arith.addi %add3A_421, %add3A_422 : i32
      %dma_wait3A_424 = arith.constant 0 : i32
      %dma_wait3A_425 = tpu.memref_slice %arg8[%dma_wait3A_424] : memref<10000xi32, #tpu.memory_space<vmem>> -> memref<80xi32, #tpu.memory_space<vmem>>
      %dma_wait3A_426 = arith.constant 0 : i32
      %dma_wait3A_427 = arith.constant 0 : i32
      %dma_wait3A_428 = tpu.memref_slice %arg2[%dma_wait3A_426, %dma_wait3A_427] : memref<10000x64xf32, #tpu.memory_space<hbm>> -> memref<10000x64xf32, #tpu.memory_space<hbm>>
      tpu.wait_indirect_dma semaphore(%arg23 : memref<!tpu.dma_semaphore, #tpu.memory_space<semaphore_mem>>) src(%dma_wait3A_428 : memref<10000x64xf32, #tpu.memory_space<hbm>>) dst(%arg13 : memref<80x64xf32, #tpu.memory_space<vmem>>)
      %mul3A_429 = arith.constant 80 : i32
      %mul3A_430 = arith.muli %add3A_423, %mul3A_429 : i32
      "tpu.region"() ({
        %run_scoped3A = tpu.sem_alloc : memref<!tpu.dma_semaphore, #tpu.memory_space<semaphore_mem>>
        %dma_start3A_464 = tpu.memref_slice %arg9[%mul3A_430] : memref<10000xi32, #tpu.memory_space<vmem>> -> memref<80xi32, #tpu.memory_space<vmem>>
        %dma_start3A_465 = arith.constant 0 : i32
        %dma_start3A_466 = arith.constant 0 : i32
        %dma_start3A_467 = tpu.memref_slice %arg7[%dma_start3A_465, %dma_start3A_466] : memref<10000x64xf32, #tpu.memory_space<vmem_shared>> -> memref<10000x64xf32, #tpu.memory_space<vmem_shared>>
        tpu.enqueue_indirect_dma source(%arg13 : memref<80x64xf32, #tpu.memory_space<vmem>>) target(%dma_start3A_467 : memref<10000x64xf32, #tpu.memory_space<vmem_shared>>) offsets(%dma_start3A_464 : memref<80xi32, #tpu.memory_space<vmem>>) semaphore(%run_scoped3A : memref<!tpu.dma_semaphore, #tpu.memory_space<semaphore_mem>>) {add = true}
        %dma_wait3A_468 = tpu.memref_slice %arg9[%mul3A_430] : memref<10000xi32, #tpu.memory_space<vmem>> -> memref<80xi32, #tpu.memory_space<vmem>>
        %dma_wait3A_469 = arith.constant 0 : i32
        %dma_wait3A_470 = arith.constant 0 : i32
        %dma_wait3A_471 = tpu.memref_slice %arg7[%dma_wait3A_469, %dma_wait3A_470] : memref<10000x64xf32, #tpu.memory_space<vmem_shared>> -> memref<10000x64xf32, #tpu.memory_space<vmem_shared>>
        tpu.wait_indirect_dma semaphore(%run_scoped3A : memref<!tpu.dma_semaphore, #tpu.memory_space<semaphore_mem>>) src(%arg13 : memref<80x64xf32, #tpu.memory_space<vmem>>) dst(%dma_wait3A_471 : memref<10000x64xf32, #tpu.memory_space<vmem_shared>>)
        tpu.yield
      }) : () -> ()
      %mul3A_431 = arith.constant 80 : i32
      %mul3A_432 = arith.muli %add3A_423, %mul3A_431 : i32
      "tpu.region"() ({
        %run_scoped3A = tpu.sem_alloc : memref<!tpu.dma_semaphore, #tpu.memory_space<semaphore_mem>>
        %dma_start3A_464 = tpu.memref_slice %arg9[%mul3A_432] : memref<10000xi32, #tpu.memory_space<vmem>> -> memref<80xi32, #tpu.memory_space<vmem>>
        %dma_start3A_465 = arith.constant 0 : i32
        %dma_start3A_466 = tpu.memref_slice %arg43[%dma_start3A_465] : memref<10240xf32, #tpu.memory_space<vmem_shared>> -> memref<10240xf32, #tpu.memory_space<vmem_shared>>
        tpu.enqueue_indirect_dma source(%arg44 : memref<80xf32, #tpu.memory_space<vmem>>) target(%dma_start3A_466 : memref<10240xf32, #tpu.memory_space<vmem_shared>>) offsets(%dma_start3A_464 : memref<80xi32, #tpu.memory_space<vmem>>) semaphore(%run_scoped3A : memref<!tpu.dma_semaphore, #tpu.memory_space<semaphore_mem>>) {add = true}
        %dma_wait3A_467 = tpu.memref_slice %arg9[%mul3A_432] : memref<10000xi32, #tpu.memory_space<vmem>> -> memref<80xi32, #tpu.memory_space<vmem>>
        %dma_wait3A_468 = arith.constant 0 : i32
        %dma_wait3A_469 = tpu.memref_slice %arg43[%dma_wait3A_468] : memref<10240xf32, #tpu.memory_space<vmem_shared>> -> memref<10240xf32, #tpu.memory_space<vmem_shared>>
        tpu.wait_indirect_dma semaphore(%run_scoped3A : memref<!tpu.dma_semaphore, #tpu.memory_space<semaphore_mem>>) src(%arg44 : memref<80xf32, #tpu.memory_space<vmem>>) dst(%dma_wait3A_469 : memref<10240xf32, #tpu.memory_space<vmem_shared>>)
        tpu.yield
      }) : () -> ()
      %add3A_433 = arith.constant 5 : i32
      %add3A_434 = arith.addi %add3A_423, %add3A_433 : i32
      %mul3A_435 = arith.constant 80 : i32
      %mul3A_436 = arith.muli %add3A_434, %mul3A_435 : i32
      %dma_start3A_437 = tpu.memref_slice %arg8[%mul3A_436] : memref<10000xi32, #tpu.memory_space<vmem>> -> memref<80xi32, #tpu.memory_space<vmem>>
      %dma_start3A_438 = arith.constant 0 : i32
      %dma_start3A_439 = arith.constant 0 : i32
      %dma_start3A_440 = tpu.memref_slice %arg2[%dma_start3A_438, %dma_start3A_439] : memref<10000x64xf32, #tpu.memory_space<hbm>> -> memref<10000x64xf32, #tpu.memory_space<hbm>>
      tpu.enqueue_indirect_dma source(%dma_start3A_440 : memref<10000x64xf32, #tpu.memory_space<hbm>>) target(%arg18 : memref<80x64xf32, #tpu.memory_space<vmem>>) offsets(%dma_start3A_437 : memref<80xi32, #tpu.memory_space<vmem>>) semaphore(%arg28 : memref<!tpu.dma_semaphore, #tpu.memory_space<semaphore_mem>>)
      %mul3A_441 = arith.constant 10 : i32
      %mul3A_442 = arith.muli %scan3A_233, %mul3A_441 : i32
      %add3A_443 = arith.constant 5 : i32
      %add3A_444 = arith.addi %add3A_443, %mul3A_442 : i32
      %add3A_445 = arith.constant 9 : i32
      %add3A_446 = arith.addi %add3A_444, %add3A_445 : i32
      %dma_wait3A_447 = arith.constant 0 : i32
      %dma_wait3A_448 = tpu.memref_slice %arg8[%dma_wait3A_447] : memref<10000xi32, #tpu.memory_space<vmem>> -> memref<80xi32, #tpu.memory_space<vmem>>
      %dma_wait3A_449 = arith.constant 0 : i32
      %dma_wait3A_450 = arith.constant 0 : i32
      %dma_wait3A_451 = tpu.memref_slice %arg2[%dma_wait3A_449, %dma_wait3A_450] : memref<10000x64xf32, #tpu.memory_space<hbm>> -> memref<10000x64xf32, #tpu.memory_space<hbm>>
      tpu.wait_indirect_dma semaphore(%arg24 : memref<!tpu.dma_semaphore, #tpu.memory_space<semaphore_mem>>) src(%dma_wait3A_451 : memref<10000x64xf32, #tpu.memory_space<hbm>>) dst(%arg14 : memref<80x64xf32, #tpu.memory_space<vmem>>)
      %mul3A_452 = arith.constant 80 : i32
      %mul3A_453 = arith.muli %add3A_446, %mul3A_452 : i32
      "tpu.region"() ({
        %run_scoped3A = tpu.sem_alloc : memref<!tpu.dma_semaphore, #tpu.memory_space<semaphore_mem>>
        %dma_start3A_464 = tpu.memref_slice %arg9[%mul3A_453] : memref<10000xi32, #tpu.memory_space<vmem>> -> memref<80xi32, #tpu.memory_space<vmem>>
        %dma_start3A_465 = arith.constant 0 : i32
        %dma_start3A_466 = arith.constant 0 : i32
        %dma_start3A_467 = tpu.memref_slice %arg7[%dma_start3A_465, %dma_start3A_466] : memref<10000x64xf32, #tpu.memory_space<vmem_shared>> -> memref<10000x64xf32, #tpu.memory_space<vmem_shared>>
        tpu.enqueue_indirect_dma source(%arg14 : memref<80x64xf32, #tpu.memory_space<vmem>>) target(%dma_start3A_467 : memref<10000x64xf32, #tpu.memory_space<vmem_shared>>) offsets(%dma_start3A_464 : memref<80xi32, #tpu.memory_space<vmem>>) semaphore(%run_scoped3A : memref<!tpu.dma_semaphore, #tpu.memory_space<semaphore_mem>>) {add = true}
        %dma_wait3A_468 = tpu.memref_slice %arg9[%mul3A_453] : memref<10000xi32, #tpu.memory_space<vmem>> -> memref<80xi32, #tpu.memory_space<vmem>>
        %dma_wait3A_469 = arith.constant 0 : i32
        %dma_wait3A_470 = arith.constant 0 : i32
        %dma_wait3A_471 = tpu.memref_slice %arg7[%dma_wait3A_469, %dma_wait3A_470] : memref<10000x64xf32, #tpu.memory_space<vmem_shared>> -> memref<10000x64xf32, #tpu.memory_space<vmem_shared>>
        tpu.wait_indirect_dma semaphore(%run_scoped3A : memref<!tpu.dma_semaphore, #tpu.memory_space<semaphore_mem>>) src(%arg14 : memref<80x64xf32, #tpu.memory_space<vmem>>) dst(%dma_wait3A_471 : memref<10000x64xf32, #tpu.memory_space<vmem_shared>>)
        tpu.yield
      }) : () -> ()
      %mul3A_454 = arith.constant 80 : i32
      %mul3A_455 = arith.muli %add3A_446, %mul3A_454 : i32
      "tpu.region"() ({
        %run_scoped3A = tpu.sem_alloc : memref<!tpu.dma_semaphore, #tpu.memory_space<semaphore_mem>>
        %dma_start3A_464 = tpu.memref_slice %arg9[%mul3A_455] : memref<10000xi32, #tpu.memory_space<vmem>> -> memref<80xi32, #tpu.memory_space<vmem>>
        %dma_start3A_465 = arith.constant 0 : i32
        %dma_start3A_466 = tpu.memref_slice %arg43[%dma_start3A_465] : memref<10240xf32, #tpu.memory_space<vmem_shared>> -> memref<10240xf32, #tpu.memory_space<vmem_shared>>
        tpu.enqueue_indirect_dma source(%arg44 : memref<80xf32, #tpu.memory_space<vmem>>) target(%dma_start3A_466 : memref<10240xf32, #tpu.memory_space<vmem_shared>>) offsets(%dma_start3A_464 : memref<80xi32, #tpu.memory_space<vmem>>) semaphore(%run_scoped3A : memref<!tpu.dma_semaphore, #tpu.memory_space<semaphore_mem>>) {add = true}
        %dma_wait3A_467 = tpu.memref_slice %arg9[%mul3A_455] : memref<10000xi32, #tpu.memory_space<vmem>> -> memref<80xi32, #tpu.memory_space<vmem>>
        %dma_wait3A_468 = arith.constant 0 : i32
        %dma_wait3A_469 = tpu.memref_slice %arg43[%dma_wait3A_468] : memref<10240xf32, #tpu.memory_space<vmem_shared>> -> memref<10240xf32, #tpu.memory_space<vmem_shared>>
        tpu.wait_indirect_dma semaphore(%run_scoped3A : memref<!tpu.dma_semaphore, #tpu.memory_space<semaphore_mem>>) src(%arg44 : memref<80xf32, #tpu.memory_space<vmem>>) dst(%dma_wait3A_469 : memref<10240xf32, #tpu.memory_space<vmem_shared>>)
        tpu.yield
      }) : () -> ()
      %add3A_456 = arith.constant 5 : i32
      %add3A_457 = arith.addi %add3A_446, %add3A_456 : i32
      %mul3A_458 = arith.constant 80 : i32
      %mul3A_459 = arith.muli %add3A_457, %mul3A_458 : i32
      %dma_start3A_460 = tpu.memref_slice %arg8[%mul3A_459] : memref<10000xi32, #tpu.memory_space<vmem>> -> memref<80xi32, #tpu.memory_space<vmem>>
      %dma_start3A_461 = arith.constant 0 : i32
      %dma_start3A_462 = arith.constant 0 : i32
      %dma_start3A_463 = tpu.memref_slice %arg2[%dma_start3A_461, %dma_start3A_462] : memref<10000x64xf32, #tpu.memory_space<hbm>> -> memref<10000x64xf32, #tpu.memory_space<hbm>>
      tpu.enqueue_indirect_dma source(%dma_start3A_463 : memref<10000x64xf32, #tpu.memory_space<hbm>>) target(%arg19 : memref<80x64xf32, #tpu.memory_space<vmem>>) offsets(%dma_start3A_460 : memref<80xi32, #tpu.memory_space<vmem>>) semaphore(%arg29 : memref<!tpu.dma_semaphore, #tpu.memory_space<semaphore_mem>>)
    }
    %scan3A_148 = arith.constant 11 : i32
    %dma_wait3A_149 = arith.constant 0 : i32
    %dma_wait3A_150 = tpu.memref_slice %arg8[%dma_wait3A_149] : memref<10000xi32, #tpu.memory_space<vmem>> -> memref<80xi32, #tpu.memory_space<vmem>>
    %dma_wait3A_151 = arith.constant 0 : i32
    %dma_wait3A_152 = arith.constant 0 : i32
    %dma_wait3A_153 = tpu.memref_slice %arg2[%dma_wait3A_151, %dma_wait3A_152] : memref<10000x64xf32, #tpu.memory_space<hbm>> -> memref<10000x64xf32, #tpu.memory_space<hbm>>
    tpu.wait_indirect_dma semaphore(%arg25 : memref<!tpu.dma_semaphore, #tpu.memory_space<semaphore_mem>>) src(%dma_wait3A_153 : memref<10000x64xf32, #tpu.memory_space<hbm>>) dst(%arg15 : memref<80x64xf32, #tpu.memory_space<vmem>>)
    "tpu.region"() ({
      %run_scoped3A = tpu.sem_alloc : memref<!tpu.dma_semaphore, #tpu.memory_space<semaphore_mem>>
      %dma_start3A_233 = arith.constant 9200 : i32
      %dma_start3A_234 = tpu.memref_slice %arg9[%dma_start3A_233] : memref<10000xi32, #tpu.memory_space<vmem>> -> memref<80xi32, #tpu.memory_space<vmem>>
      %dma_start3A_235 = arith.constant 0 : i32
      %dma_start3A_236 = arith.constant 0 : i32
      %dma_start3A_237 = tpu.memref_slice %arg7[%dma_start3A_235, %dma_start3A_236] : memref<10000x64xf32, #tpu.memory_space<vmem_shared>> -> memref<10000x64xf32, #tpu.memory_space<vmem_shared>>
      tpu.enqueue_indirect_dma source(%arg15 : memref<80x64xf32, #tpu.memory_space<vmem>>) target(%dma_start3A_237 : memref<10000x64xf32, #tpu.memory_space<vmem_shared>>) offsets(%dma_start3A_234 : memref<80xi32, #tpu.memory_space<vmem>>) semaphore(%run_scoped3A : memref<!tpu.dma_semaphore, #tpu.memory_space<semaphore_mem>>) {add = true}
      %dma_wait3A_238 = arith.constant 9200 : i32
      %dma_wait3A_239 = tpu.memref_slice %arg9[%dma_wait3A_238] : memref<10000xi32, #tpu.memory_space<vmem>> -> memref<80xi32, #tpu.memory_space<vmem>>
      %dma_wait3A_240 = arith.constant 0 : i32
      %dma_wait3A_241 = arith.constant 0 : i32
      %dma_wait3A_242 = tpu.memref_slice %arg7[%dma_wait3A_240, %dma_wait3A_241] : memref<10000x64xf32, #tpu.memory_space<vmem_shared>> -> memref<10000x64xf32, #tpu.memory_space<vmem_shared>>
      tpu.wait_indirect_dma semaphore(%run_scoped3A : memref<!tpu.dma_semaphore, #tpu.memory_space<semaphore_mem>>) src(%arg15 : memref<80x64xf32, #tpu.memory_space<vmem>>) dst(%dma_wait3A_242 : memref<10000x64xf32, #tpu.memory_space<vmem_shared>>)
      tpu.yield
    }) : () -> ()
    "tpu.region"() ({
      %run_scoped3A = tpu.sem_alloc : memref<!tpu.dma_semaphore, #tpu.memory_space<semaphore_mem>>
      %dma_start3A_233 = arith.constant 9200 : i32
      %dma_start3A_234 = tpu.memref_slice %arg9[%dma_start3A_233] : memref<10000xi32, #tpu.memory_space<vmem>> -> memref<80xi32, #tpu.memory_space<vmem>>
      %dma_start3A_235 = arith.constant 0 : i32
      %dma_start3A_236 = tpu.memref_slice %arg43[%dma_start3A_235] : memref<10240xf32, #tpu.memory_space<vmem_shared>> -> memref<10240xf32, #tpu.memory_space<vmem_shared>>
      tpu.enqueue_indirect_dma source(%arg44 : memref<80xf32, #tpu.memory_space<vmem>>) target(%dma_start3A_236 : memref<10240xf32, #tpu.memory_space<vmem_shared>>) offsets(%dma_start3A_234 : memref<80xi32, #tpu.memory_space<vmem>>) semaphore(%run_scoped3A : memref<!tpu.dma_semaphore, #tpu.memory_space<semaphore_mem>>) {add = true}
      %dma_wait3A_237 = arith.constant 9200 : i32
      %dma_wait3A_238 = tpu.memref_slice %arg9[%dma_wait3A_237] : memref<10000xi32, #tpu.memory_space<vmem>> -> memref<80xi32, #tpu.memory_space<vmem>>
      %dma_wait3A_239 = arith.constant 0 : i32
      %dma_wait3A_240 = tpu.memref_slice %arg43[%dma_wait3A_239] : memref<10240xf32, #tpu.memory_space<vmem_shared>> -> memref<10240xf32, #tpu.memory_space<vmem_shared>>
      tpu.wait_indirect_dma semaphore(%run_scoped3A : memref<!tpu.dma_semaphore, #tpu.memory_space<semaphore_mem>>) src(%arg44 : memref<80xf32, #tpu.memory_space<vmem>>) dst(%dma_wait3A_240 : memref<10240xf32, #tpu.memory_space<vmem_shared>>)
      tpu.yield
    }) : () -> ()
    %dma_start3A_154 = arith.constant 9600 : i32
    %dma_start3A_155 = tpu.memref_slice %arg8[%dma_start3A_154] : memref<10000xi32, #tpu.memory_space<vmem>> -> memref<80xi32, #tpu.memory_space<vmem>>
    %dma_start3A_156 = arith.constant 0 : i32
    %dma_start3A_157 = arith.constant 0 : i32
    %dma_start3A_158 = tpu.memref_slice %arg2[%dma_start3A_156, %dma_start3A_157] : memref<10000x64xf32, #tpu.memory_space<hbm>> -> memref<10000x64xf32, #tpu.memory_space<hbm>>
    tpu.enqueue_indirect_dma source(%dma_start3A_158 : memref<10000x64xf32, #tpu.memory_space<hbm>>) target(%arg10 : memref<80x64xf32, #tpu.memory_space<vmem>>) offsets(%dma_start3A_155 : memref<80xi32, #tpu.memory_space<vmem>>) semaphore(%arg20 : memref<!tpu.dma_semaphore, #tpu.memory_space<semaphore_mem>>)
    %dma_wait3A_159 = arith.constant 0 : i32
    %dma_wait3A_160 = tpu.memref_slice %arg8[%dma_wait3A_159] : memref<10000xi32, #tpu.memory_space<vmem>> -> memref<80xi32, #tpu.memory_space<vmem>>
    %dma_wait3A_161 = arith.constant 0 : i32
    %dma_wait3A_162 = arith.constant 0 : i32
    %dma_wait3A_163 = tpu.memref_slice %arg2[%dma_wait3A_161, %dma_wait3A_162] : memref<10000x64xf32, #tpu.memory_space<hbm>> -> memref<10000x64xf32, #tpu.memory_space<hbm>>
    tpu.wait_indirect_dma semaphore(%arg26 : memref<!tpu.dma_semaphore, #tpu.memory_space<semaphore_mem>>) src(%dma_wait3A_163 : memref<10000x64xf32, #tpu.memory_space<hbm>>) dst(%arg16 : memref<80x64xf32, #tpu.memory_space<vmem>>)
    "tpu.region"() ({
      %run_scoped3A = tpu.sem_alloc : memref<!tpu.dma_semaphore, #tpu.memory_space<semaphore_mem>>
      %dma_start3A_233 = arith.constant 9280 : i32
      %dma_start3A_234 = tpu.memref_slice %arg9[%dma_start3A_233] : memref<10000xi32, #tpu.memory_space<vmem>> -> memref<80xi32, #tpu.memory_space<vmem>>
      %dma_start3A_235 = arith.constant 0 : i32
      %dma_start3A_236 = arith.constant 0 : i32
      %dma_start3A_237 = tpu.memref_slice %arg7[%dma_start3A_235, %dma_start3A_236] : memref<10000x64xf32, #tpu.memory_space<vmem_shared>> -> memref<10000x64xf32, #tpu.memory_space<vmem_shared>>
      tpu.enqueue_indirect_dma source(%arg16 : memref<80x64xf32, #tpu.memory_space<vmem>>) target(%dma_start3A_237 : memref<10000x64xf32, #tpu.memory_space<vmem_shared>>) offsets(%dma_start3A_234 : memref<80xi32, #tpu.memory_space<vmem>>) semaphore(%run_scoped3A : memref<!tpu.dma_semaphore, #tpu.memory_space<semaphore_mem>>) {add = true}
      %dma_wait3A_238 = arith.constant 9280 : i32
      %dma_wait3A_239 = tpu.memref_slice %arg9[%dma_wait3A_238] : memref<10000xi32, #tpu.memory_space<vmem>> -> memref<80xi32, #tpu.memory_space<vmem>>
      %dma_wait3A_240 = arith.constant 0 : i32
      %dma_wait3A_241 = arith.constant 0 : i32
      %dma_wait3A_242 = tpu.memref_slice %arg7[%dma_wait3A_240, %dma_wait3A_241] : memref<10000x64xf32, #tpu.memory_space<vmem_shared>> -> memref<10000x64xf32, #tpu.memory_space<vmem_shared>>
      tpu.wait_indirect_dma semaphore(%run_scoped3A : memref<!tpu.dma_semaphore, #tpu.memory_space<semaphore_mem>>) src(%arg16 : memref<80x64xf32, #tpu.memory_space<vmem>>) dst(%dma_wait3A_242 : memref<10000x64xf32, #tpu.memory_space<vmem_shared>>)
      tpu.yield
    }) : () -> ()
    "tpu.region"() ({
      %run_scoped3A = tpu.sem_alloc : memref<!tpu.dma_semaphore, #tpu.memory_space<semaphore_mem>>
      %dma_start3A_233 = arith.constant 9280 : i32
      %dma_start3A_234 = tpu.memref_slice %arg9[%dma_start3A_233] : memref<10000xi32, #tpu.memory_space<vmem>> -> memref<80xi32, #tpu.memory_space<vmem>>
      %dma_start3A_235 = arith.constant 0 : i32
      %dma_start3A_236 = tpu.memref_slice %arg43[%dma_start3A_235] : memref<10240xf32, #tpu.memory_space<vmem_shared>> -> memref<10240xf32, #tpu.memory_space<vmem_shared>>
      tpu.enqueue_indirect_dma source(%arg44 : memref<80xf32, #tpu.memory_space<vmem>>) target(%dma_start3A_236 : memref<10240xf32, #tpu.memory_space<vmem_shared>>) offsets(%dma_start3A_234 : memref<80xi32, #tpu.memory_space<vmem>>) semaphore(%run_scoped3A : memref<!tpu.dma_semaphore, #tpu.memory_space<semaphore_mem>>) {add = true}
      %dma_wait3A_237 = arith.constant 9280 : i32
      %dma_wait3A_238 = tpu.memref_slice %arg9[%dma_wait3A_237] : memref<10000xi32, #tpu.memory_space<vmem>> -> memref<80xi32, #tpu.memory_space<vmem>>
      %dma_wait3A_239 = arith.constant 0 : i32
      %dma_wait3A_240 = tpu.memref_slice %arg43[%dma_wait3A_239] : memref<10240xf32, #tpu.memory_space<vmem_shared>> -> memref<10240xf32, #tpu.memory_space<vmem_shared>>
      tpu.wait_indirect_dma semaphore(%run_scoped3A : memref<!tpu.dma_semaphore, #tpu.memory_space<semaphore_mem>>) src(%arg44 : memref<80xf32, #tpu.memory_space<vmem>>) dst(%dma_wait3A_240 : memref<10240xf32, #tpu.memory_space<vmem_shared>>)
      tpu.yield
    }) : () -> ()
    %dma_start3A_164 = arith.constant 9680 : i32
    %dma_start3A_165 = tpu.memref_slice %arg8[%dma_start3A_164] : memref<10000xi32, #tpu.memory_space<vmem>> -> memref<80xi32, #tpu.memory_space<vmem>>
    %dma_start3A_166 = arith.constant 0 : i32
    %dma_start3A_167 = arith.constant 0 : i32
    %dma_start3A_168 = tpu.memref_slice %arg2[%dma_start3A_166, %dma_start3A_167] : memref<10000x64xf32, #tpu.memory_space<hbm>> -> memref<10000x64xf32, #tpu.memory_space<hbm>>
    tpu.enqueue_indirect_dma source(%dma_start3A_168 : memref<10000x64xf32, #tpu.memory_space<hbm>>) target(%arg11 : memref<80x64xf32, #tpu.memory_space<vmem>>) offsets(%dma_start3A_165 : memref<80xi32, #tpu.memory_space<vmem>>) semaphore(%arg21 : memref<!tpu.dma_semaphore, #tpu.memory_space<semaphore_mem>>)
    %dma_wait3A_169 = arith.constant 0 : i32
    %dma_wait3A_170 = tpu.memref_slice %arg8[%dma_wait3A_169] : memref<10000xi32, #tpu.memory_space<vmem>> -> memref<80xi32, #tpu.memory_space<vmem>>
    %dma_wait3A_171 = arith.constant 0 : i32
    %dma_wait3A_172 = arith.constant 0 : i32
    %dma_wait3A_173 = tpu.memref_slice %arg2[%dma_wait3A_171, %dma_wait3A_172] : memref<10000x64xf32, #tpu.memory_space<hbm>> -> memref<10000x64xf32, #tpu.memory_space<hbm>>
    tpu.wait_indirect_dma semaphore(%arg27 : memref<!tpu.dma_semaphore, #tpu.memory_space<semaphore_mem>>) src(%dma_wait3A_173 : memref<10000x64xf32, #tpu.memory_space<hbm>>) dst(%arg17 : memref<80x64xf32, #tpu.memory_space<vmem>>)
    "tpu.region"() ({
      %run_scoped3A = tpu.sem_alloc : memref<!tpu.dma_semaphore, #tpu.memory_space<semaphore_mem>>
      %dma_start3A_233 = arith.constant 9360 : i32
      %dma_start3A_234 = tpu.memref_slice %arg9[%dma_start3A_233] : memref<10000xi32, #tpu.memory_space<vmem>> -> memref<80xi32, #tpu.memory_space<vmem>>
      %dma_start3A_235 = arith.constant 0 : i32
      %dma_start3A_236 = arith.constant 0 : i32
      %dma_start3A_237 = tpu.memref_slice %arg7[%dma_start3A_235, %dma_start3A_236] : memref<10000x64xf32, #tpu.memory_space<vmem_shared>> -> memref<10000x64xf32, #tpu.memory_space<vmem_shared>>
      tpu.enqueue_indirect_dma source(%arg17 : memref<80x64xf32, #tpu.memory_space<vmem>>) target(%dma_start3A_237 : memref<10000x64xf32, #tpu.memory_space<vmem_shared>>) offsets(%dma_start3A_234 : memref<80xi32, #tpu.memory_space<vmem>>) semaphore(%run_scoped3A : memref<!tpu.dma_semaphore, #tpu.memory_space<semaphore_mem>>) {add = true}
      %dma_wait3A_238 = arith.constant 9360 : i32
      %dma_wait3A_239 = tpu.memref_slice %arg9[%dma_wait3A_238] : memref<10000xi32, #tpu.memory_space<vmem>> -> memref<80xi32, #tpu.memory_space<vmem>>
      %dma_wait3A_240 = arith.constant 0 : i32
      %dma_wait3A_241 = arith.constant 0 : i32
      %dma_wait3A_242 = tpu.memref_slice %arg7[%dma_wait3A_240, %dma_wait3A_241] : memref<10000x64xf32, #tpu.memory_space<vmem_shared>> -> memref<10000x64xf32, #tpu.memory_space<vmem_shared>>
      tpu.wait_indirect_dma semaphore(%run_scoped3A : memref<!tpu.dma_semaphore, #tpu.memory_space<semaphore_mem>>) src(%arg17 : memref<80x64xf32, #tpu.memory_space<vmem>>) dst(%dma_wait3A_242 : memref<10000x64xf32, #tpu.memory_space<vmem_shared>>)
      tpu.yield
    }) : () -> ()
    "tpu.region"() ({
      %run_scoped3A = tpu.sem_alloc : memref<!tpu.dma_semaphore, #tpu.memory_space<semaphore_mem>>
      %dma_start3A_233 = arith.constant 9360 : i32
      %dma_start3A_234 = tpu.memref_slice %arg9[%dma_start3A_233] : memref<10000xi32, #tpu.memory_space<vmem>> -> memref<80xi32, #tpu.memory_space<vmem>>
      %dma_start3A_235 = arith.constant 0 : i32
      %dma_start3A_236 = tpu.memref_slice %arg43[%dma_start3A_235] : memref<10240xf32, #tpu.memory_space<vmem_shared>> -> memref<10240xf32, #tpu.memory_space<vmem_shared>>
      tpu.enqueue_indirect_dma source(%arg44 : memref<80xf32, #tpu.memory_space<vmem>>) target(%dma_start3A_236 : memref<10240xf32, #tpu.memory_space<vmem_shared>>) offsets(%dma_start3A_234 : memref<80xi32, #tpu.memory_space<vmem>>) semaphore(%run_scoped3A : memref<!tpu.dma_semaphore, #tpu.memory_space<semaphore_mem>>) {add = true}
      %dma_wait3A_237 = arith.constant 9360 : i32
      %dma_wait3A_238 = tpu.memref_slice %arg9[%dma_wait3A_237] : memref<10000xi32, #tpu.memory_space<vmem>> -> memref<80xi32, #tpu.memory_space<vmem>>
      %dma_wait3A_239 = arith.constant 0 : i32
      %dma_wait3A_240 = tpu.memref_slice %arg43[%dma_wait3A_239] : memref<10240xf32, #tpu.memory_space<vmem_shared>> -> memref<10240xf32, #tpu.memory_space<vmem_shared>>
      tpu.wait_indirect_dma semaphore(%run_scoped3A : memref<!tpu.dma_semaphore, #tpu.memory_space<semaphore_mem>>) src(%arg44 : memref<80xf32, #tpu.memory_space<vmem>>) dst(%dma_wait3A_240 : memref<10240xf32, #tpu.memory_space<vmem_shared>>)
      tpu.yield
    }) : () -> ()
    %dma_start3A_174 = arith.constant 9760 : i32
    %dma_start3A_175 = tpu.memref_slice %arg8[%dma_start3A_174] : memref<10000xi32, #tpu.memory_space<vmem>> -> memref<80xi32, #tpu.memory_space<vmem>>
    %dma_start3A_176 = arith.constant 0 : i32
    %dma_start3A_177 = arith.constant 0 : i32
    %dma_start3A_178 = tpu.memref_slice %arg2[%dma_start3A_176, %dma_start3A_177] : memref<10000x64xf32, #tpu.memory_space<hbm>> -> memref<10000x64xf32, #tpu.memory_space<hbm>>
    tpu.enqueue_indirect_dma source(%dma_start3A_178 : memref<10000x64xf32, #tpu.memory_space<hbm>>) target(%arg12 : memref<80x64xf32, #tpu.memory_space<vmem>>) offsets(%dma_start3A_175 : memref<80xi32, #tpu.memory_space<vmem>>) semaphore(%arg22 : memref<!tpu.dma_semaphore, #tpu.memory_space<semaphore_mem>>)
    %dma_wait3A_179 = arith.constant 0 : i32
    %dma_wait3A_180 = tpu.memref_slice %arg8[%dma_wait3A_179] : memref<10000xi32, #tpu.memory_space<vmem>> -> memref<80xi32, #tpu.memory_space<vmem>>
    %dma_wait3A_181 = arith.constant 0 : i32
    %dma_wait3A_182 = arith.constant 0 : i32
    %dma_wait3A_183 = tpu.memref_slice %arg2[%dma_wait3A_181, %dma_wait3A_182] : memref<10000x64xf32, #tpu.memory_space<hbm>> -> memref<10000x64xf32, #tpu.memory_space<hbm>>
    tpu.wait_indirect_dma semaphore(%arg28 : memref<!tpu.dma_semaphore, #tpu.memory_space<semaphore_mem>>) src(%dma_wait3A_183 : memref<10000x64xf32, #tpu.memory_space<hbm>>) dst(%arg18 : memref<80x64xf32, #tpu.memory_space<vmem>>)
    "tpu.region"() ({
      %run_scoped3A = tpu.sem_alloc : memref<!tpu.dma_semaphore, #tpu.memory_space<semaphore_mem>>
      %dma_start3A_233 = arith.constant 9440 : i32
      %dma_start3A_234 = tpu.memref_slice %arg9[%dma_start3A_233] : memref<10000xi32, #tpu.memory_space<vmem>> -> memref<80xi32, #tpu.memory_space<vmem>>
      %dma_start3A_235 = arith.constant 0 : i32
      %dma_start3A_236 = arith.constant 0 : i32
      %dma_start3A_237 = tpu.memref_slice %arg7[%dma_start3A_235, %dma_start3A_236] : memref<10000x64xf32, #tpu.memory_space<vmem_shared>> -> memref<10000x64xf32, #tpu.memory_space<vmem_shared>>
      tpu.enqueue_indirect_dma source(%arg18 : memref<80x64xf32, #tpu.memory_space<vmem>>) target(%dma_start3A_237 : memref<10000x64xf32, #tpu.memory_space<vmem_shared>>) offsets(%dma_start3A_234 : memref<80xi32, #tpu.memory_space<vmem>>) semaphore(%run_scoped3A : memref<!tpu.dma_semaphore, #tpu.memory_space<semaphore_mem>>) {add = true}
      %dma_wait3A_238 = arith.constant 9440 : i32
      %dma_wait3A_239 = tpu.memref_slice %arg9[%dma_wait3A_238] : memref<10000xi32, #tpu.memory_space<vmem>> -> memref<80xi32, #tpu.memory_space<vmem>>
      %dma_wait3A_240 = arith.constant 0 : i32
      %dma_wait3A_241 = arith.constant 0 : i32
      %dma_wait3A_242 = tpu.memref_slice %arg7[%dma_wait3A_240, %dma_wait3A_241] : memref<10000x64xf32, #tpu.memory_space<vmem_shared>> -> memref<10000x64xf32, #tpu.memory_space<vmem_shared>>
      tpu.wait_indirect_dma semaphore(%run_scoped3A : memref<!tpu.dma_semaphore, #tpu.memory_space<semaphore_mem>>) src(%arg18 : memref<80x64xf32, #tpu.memory_space<vmem>>) dst(%dma_wait3A_242 : memref<10000x64xf32, #tpu.memory_space<vmem_shared>>)
      tpu.yield
    }) : () -> ()
    "tpu.region"() ({
      %run_scoped3A = tpu.sem_alloc : memref<!tpu.dma_semaphore, #tpu.memory_space<semaphore_mem>>
      %dma_start3A_233 = arith.constant 9440 : i32
      %dma_start3A_234 = tpu.memref_slice %arg9[%dma_start3A_233] : memref<10000xi32, #tpu.memory_space<vmem>> -> memref<80xi32, #tpu.memory_space<vmem>>
      %dma_start3A_235 = arith.constant 0 : i32
      %dma_start3A_236 = tpu.memref_slice %arg43[%dma_start3A_235] : memref<10240xf32, #tpu.memory_space<vmem_shared>> -> memref<10240xf32, #tpu.memory_space<vmem_shared>>
      tpu.enqueue_indirect_dma source(%arg44 : memref<80xf32, #tpu.memory_space<vmem>>) target(%dma_start3A_236 : memref<10240xf32, #tpu.memory_space<vmem_shared>>) offsets(%dma_start3A_234 : memref<80xi32, #tpu.memory_space<vmem>>) semaphore(%run_scoped3A : memref<!tpu.dma_semaphore, #tpu.memory_space<semaphore_mem>>) {add = true}
      %dma_wait3A_237 = arith.constant 9440 : i32
      %dma_wait3A_238 = tpu.memref_slice %arg9[%dma_wait3A_237] : memref<10000xi32, #tpu.memory_space<vmem>> -> memref<80xi32, #tpu.memory_space<vmem>>
      %dma_wait3A_239 = arith.constant 0 : i32
      %dma_wait3A_240 = tpu.memref_slice %arg43[%dma_wait3A_239] : memref<10240xf32, #tpu.memory_space<vmem_shared>> -> memref<10240xf32, #tpu.memory_space<vmem_shared>>
      tpu.wait_indirect_dma semaphore(%run_scoped3A : memref<!tpu.dma_semaphore, #tpu.memory_space<semaphore_mem>>) src(%arg44 : memref<80xf32, #tpu.memory_space<vmem>>) dst(%dma_wait3A_240 : memref<10240xf32, #tpu.memory_space<vmem_shared>>)
      tpu.yield
    }) : () -> ()
    %dma_start3A_184 = arith.constant 9840 : i32
    %dma_start3A_185 = tpu.memref_slice %arg8[%dma_start3A_184] : memref<10000xi32, #tpu.memory_space<vmem>> -> memref<80xi32, #tpu.memory_space<vmem>>
    %dma_start3A_186 = arith.constant 0 : i32
    %dma_start3A_187 = arith.constant 0 : i32
    %dma_start3A_188 = tpu.memref_slice %arg2[%dma_start3A_186, %dma_start3A_187] : memref<10000x64xf32, #tpu.memory_space<hbm>> -> memref<10000x64xf32, #tpu.memory_space<hbm>>
    tpu.enqueue_indirect_dma source(%dma_start3A_188 : memref<10000x64xf32, #tpu.memory_space<hbm>>) target(%arg13 : memref<80x64xf32, #tpu.memory_space<vmem>>) offsets(%dma_start3A_185 : memref<80xi32, #tpu.memory_space<vmem>>) semaphore(%arg23 : memref<!tpu.dma_semaphore, #tpu.memory_space<semaphore_mem>>)
    %dma_wait3A_189 = arith.constant 0 : i32
    %dma_wait3A_190 = tpu.memref_slice %arg8[%dma_wait3A_189] : memref<10000xi32, #tpu.memory_space<vmem>> -> memref<80xi32, #tpu.memory_space<vmem>>
    %dma_wait3A_191 = arith.constant 0 : i32
    %dma_wait3A_192 = arith.constant 0 : i32
    %dma_wait3A_193 = tpu.memref_slice %arg2[%dma_wait3A_191, %dma_wait3A_192] : memref<10000x64xf32, #tpu.memory_space<hbm>> -> memref<10000x64xf32, #tpu.memory_space<hbm>>
    tpu.wait_indirect_dma semaphore(%arg29 : memref<!tpu.dma_semaphore, #tpu.memory_space<semaphore_mem>>) src(%dma_wait3A_193 : memref<10000x64xf32, #tpu.memory_space<hbm>>) dst(%arg19 : memref<80x64xf32, #tpu.memory_space<vmem>>)
    "tpu.region"() ({
      %run_scoped3A = tpu.sem_alloc : memref<!tpu.dma_semaphore, #tpu.memory_space<semaphore_mem>>
      %dma_start3A_233 = arith.constant 9520 : i32
      %dma_start3A_234 = tpu.memref_slice %arg9[%dma_start3A_233] : memref<10000xi32, #tpu.memory_space<vmem>> -> memref<80xi32, #tpu.memory_space<vmem>>
      %dma_start3A_235 = arith.constant 0 : i32
      %dma_start3A_236 = arith.constant 0 : i32
      %dma_start3A_237 = tpu.memref_slice %arg7[%dma_start3A_235, %dma_start3A_236] : memref<10000x64xf32, #tpu.memory_space<vmem_shared>> -> memref<10000x64xf32, #tpu.memory_space<vmem_shared>>
      tpu.enqueue_indirect_dma source(%arg19 : memref<80x64xf32, #tpu.memory_space<vmem>>) target(%dma_start3A_237 : memref<10000x64xf32, #tpu.memory_space<vmem_shared>>) offsets(%dma_start3A_234 : memref<80xi32, #tpu.memory_space<vmem>>) semaphore(%run_scoped3A : memref<!tpu.dma_semaphore, #tpu.memory_space<semaphore_mem>>) {add = true}
      %dma_wait3A_238 = arith.constant 9520 : i32
      %dma_wait3A_239 = tpu.memref_slice %arg9[%dma_wait3A_238] : memref<10000xi32, #tpu.memory_space<vmem>> -> memref<80xi32, #tpu.memory_space<vmem>>
      %dma_wait3A_240 = arith.constant 0 : i32
      %dma_wait3A_241 = arith.constant 0 : i32
      %dma_wait3A_242 = tpu.memref_slice %arg7[%dma_wait3A_240, %dma_wait3A_241] : memref<10000x64xf32, #tpu.memory_space<vmem_shared>> -> memref<10000x64xf32, #tpu.memory_space<vmem_shared>>
      tpu.wait_indirect_dma semaphore(%run_scoped3A : memref<!tpu.dma_semaphore, #tpu.memory_space<semaphore_mem>>) src(%arg19 : memref<80x64xf32, #tpu.memory_space<vmem>>) dst(%dma_wait3A_242 : memref<10000x64xf32, #tpu.memory_space<vmem_shared>>)
      tpu.yield
    }) : () -> ()
    "tpu.region"() ({
      %run_scoped3A = tpu.sem_alloc : memref<!tpu.dma_semaphore, #tpu.memory_space<semaphore_mem>>
      %dma_start3A_233 = arith.constant 9520 : i32
      %dma_start3A_234 = tpu.memref_slice %arg9[%dma_start3A_233] : memref<10000xi32, #tpu.memory_space<vmem>> -> memref<80xi32, #tpu.memory_space<vmem>>
      %dma_start3A_235 = arith.constant 0 : i32
      %dma_start3A_236 = tpu.memref_slice %arg43[%dma_start3A_235] : memref<10240xf32, #tpu.memory_space<vmem_shared>> -> memref<10240xf32, #tpu.memory_space<vmem_shared>>
      tpu.enqueue_indirect_dma source(%arg44 : memref<80xf32, #tpu.memory_space<vmem>>) target(%dma_start3A_236 : memref<10240xf32, #tpu.memory_space<vmem_shared>>) offsets(%dma_start3A_234 : memref<80xi32, #tpu.memory_space<vmem>>) semaphore(%run_scoped3A : memref<!tpu.dma_semaphore, #tpu.memory_space<semaphore_mem>>) {add = true}
      %dma_wait3A_237 = arith.constant 9520 : i32
      %dma_wait3A_238 = tpu.memref_slice %arg9[%dma_wait3A_237] : memref<10000xi32, #tpu.memory_space<vmem>> -> memref<80xi32, #tpu.memory_space<vmem>>
      %dma_wait3A_239 = arith.constant 0 : i32
      %dma_wait3A_240 = tpu.memref_slice %arg43[%dma_wait3A_239] : memref<10240xf32, #tpu.memory_space<vmem_shared>> -> memref<10240xf32, #tpu.memory_space<vmem_shared>>
      tpu.wait_indirect_dma semaphore(%run_scoped3A : memref<!tpu.dma_semaphore, #tpu.memory_space<semaphore_mem>>) src(%arg44 : memref<80xf32, #tpu.memory_space<vmem>>) dst(%dma_wait3A_240 : memref<10240xf32, #tpu.memory_space<vmem_shared>>)
      tpu.yield
    }) : () -> ()
    %dma_start3A_194 = arith.constant 9920 : i32
    %dma_start3A_195 = tpu.memref_slice %arg8[%dma_start3A_194] : memref<10000xi32, #tpu.memory_space<vmem>> -> memref<80xi32, #tpu.memory_space<vmem>>
    %dma_start3A_196 = arith.constant 0 : i32
    %dma_start3A_197 = arith.constant 0 : i32
    %dma_start3A_198 = tpu.memref_slice %arg2[%dma_start3A_196, %dma_start3A_197] : memref<10000x64xf32, #tpu.memory_space<hbm>> -> memref<10000x64xf32, #tpu.memory_space<hbm>>
    tpu.enqueue_indirect_dma source(%dma_start3A_198 : memref<10000x64xf32, #tpu.memory_space<hbm>>) target(%arg14 : memref<80x64xf32, #tpu.memory_space<vmem>>) offsets(%dma_start3A_195 : memref<80xi32, #tpu.memory_space<vmem>>) semaphore(%arg24 : memref<!tpu.dma_semaphore, #tpu.memory_space<semaphore_mem>>)
    %dma_wait3A_199 = arith.constant 0 : i32
    %dma_wait3A_200 = tpu.memref_slice %arg8[%dma_wait3A_199] : memref<10000xi32, #tpu.memory_space<vmem>> -> memref<80xi32, #tpu.memory_space<vmem>>
    %dma_wait3A_201 = arith.constant 0 : i32
    %dma_wait3A_202 = arith.constant 0 : i32
    %dma_wait3A_203 = tpu.memref_slice %arg2[%dma_wait3A_201, %dma_wait3A_202] : memref<10000x64xf32, #tpu.memory_space<hbm>> -> memref<10000x64xf32, #tpu.memory_space<hbm>>
    tpu.wait_indirect_dma semaphore(%arg20 : memref<!tpu.dma_semaphore, #tpu.memory_space<semaphore_mem>>) src(%dma_wait3A_203 : memref<10000x64xf32, #tpu.memory_space<hbm>>) dst(%arg10 : memref<80x64xf32, #tpu.memory_space<vmem>>)
    "tpu.region"() ({
      %run_scoped3A = tpu.sem_alloc : memref<!tpu.dma_semaphore, #tpu.memory_space<semaphore_mem>>
      %dma_start3A_233 = arith.constant 9600 : i32
      %dma_start3A_234 = tpu.memref_slice %arg9[%dma_start3A_233] : memref<10000xi32, #tpu.memory_space<vmem>> -> memref<80xi32, #tpu.memory_space<vmem>>
      %dma_start3A_235 = arith.constant 0 : i32
      %dma_start3A_236 = arith.constant 0 : i32
      %dma_start3A_237 = tpu.memref_slice %arg7[%dma_start3A_235, %dma_start3A_236] : memref<10000x64xf32, #tpu.memory_space<vmem_shared>> -> memref<10000x64xf32, #tpu.memory_space<vmem_shared>>
      tpu.enqueue_indirect_dma source(%arg10 : memref<80x64xf32, #tpu.memory_space<vmem>>) target(%dma_start3A_237 : memref<10000x64xf32, #tpu.memory_space<vmem_shared>>) offsets(%dma_start3A_234 : memref<80xi32, #tpu.memory_space<vmem>>) semaphore(%run_scoped3A : memref<!tpu.dma_semaphore, #tpu.memory_space<semaphore_mem>>) {add = true}
      %dma_wait3A_238 = arith.constant 9600 : i32
      %dma_wait3A_239 = tpu.memref_slice %arg9[%dma_wait3A_238] : memref<10000xi32, #tpu.memory_space<vmem>> -> memref<80xi32, #tpu.memory_space<vmem>>
      %dma_wait3A_240 = arith.constant 0 : i32
      %dma_wait3A_241 = arith.constant 0 : i32
      %dma_wait3A_242 = tpu.memref_slice %arg7[%dma_wait3A_240, %dma_wait3A_241] : memref<10000x64xf32, #tpu.memory_space<vmem_shared>> -> memref<10000x64xf32, #tpu.memory_space<vmem_shared>>
      tpu.wait_indirect_dma semaphore(%run_scoped3A : memref<!tpu.dma_semaphore, #tpu.memory_space<semaphore_mem>>) src(%arg10 : memref<80x64xf32, #tpu.memory_space<vmem>>) dst(%dma_wait3A_242 : memref<10000x64xf32, #tpu.memory_space<vmem_shared>>)
      tpu.yield
    }) : () -> ()
    "tpu.region"() ({
      %run_scoped3A = tpu.sem_alloc : memref<!tpu.dma_semaphore, #tpu.memory_space<semaphore_mem>>
      %dma_start3A_233 = arith.constant 9600 : i32
      %dma_start3A_234 = tpu.memref_slice %arg9[%dma_start3A_233] : memref<10000xi32, #tpu.memory_space<vmem>> -> memref<80xi32, #tpu.memory_space<vmem>>
      %dma_start3A_235 = arith.constant 0 : i32
      %dma_start3A_236 = tpu.memref_slice %arg43[%dma_start3A_235] : memref<10240xf32, #tpu.memory_space<vmem_shared>> -> memref<10240xf32, #tpu.memory_space<vmem_shared>>
      tpu.enqueue_indirect_dma source(%arg44 : memref<80xf32, #tpu.memory_space<vmem>>) target(%dma_start3A_236 : memref<10240xf32, #tpu.memory_space<vmem_shared>>) offsets(%dma_start3A_234 : memref<80xi32, #tpu.memory_space<vmem>>) semaphore(%run_scoped3A : memref<!tpu.dma_semaphore, #tpu.memory_space<semaphore_mem>>) {add = true}
      %dma_wait3A_237 = arith.constant 9600 : i32
      %dma_wait3A_238 = tpu.memref_slice %arg9[%dma_wait3A_237] : memref<10000xi32, #tpu.memory_space<vmem>> -> memref<80xi32, #tpu.memory_space<vmem>>
      %dma_wait3A_239 = arith.constant 0 : i32
      %dma_wait3A_240 = tpu.memref_slice %arg43[%dma_wait3A_239] : memref<10240xf32, #tpu.memory_space<vmem_shared>> -> memref<10240xf32, #tpu.memory_space<vmem_shared>>
      tpu.wait_indirect_dma semaphore(%run_scoped3A : memref<!tpu.dma_semaphore, #tpu.memory_space<semaphore_mem>>) src(%arg44 : memref<80xf32, #tpu.memory_space<vmem>>) dst(%dma_wait3A_240 : memref<10240xf32, #tpu.memory_space<vmem_shared>>)
      tpu.yield
    }) : () -> ()
    %dma_wait3A_204 = arith.constant 0 : i32
    %dma_wait3A_205 = tpu.memref_slice %arg8[%dma_wait3A_204] : memref<10000xi32, #tpu.memory_space<vmem>> -> memref<80xi32, #tpu.memory_space<vmem>>
    %dma_wait3A_206 = arith.constant 0 : i32
    %dma_wait3A_207 = arith.constant 0 : i32
    %dma_wait3A_208 = tpu.memref_slice %arg2[%dma_wait3A_206, %dma_wait3A_207] : memref<10000x64xf32, #tpu.memory_space<hbm>> -> memref<10000x64xf32, #tpu.memory_space<hbm>>
    tpu.wait_indirect_dma semaphore(%arg21 : memref<!tpu.dma_semaphore, #tpu.memory_space<semaphore_mem>>) src(%dma_wait3A_208 : memref<10000x64xf32, #tpu.memory_space<hbm>>) dst(%arg11 : memref<80x64xf32, #tpu.memory_space<vmem>>)
    "tpu.region"() ({
      %run_scoped3A = tpu.sem_alloc : memref<!tpu.dma_semaphore, #tpu.memory_space<semaphore_mem>>
      %dma_start3A_233 = arith.constant 9680 : i32
      %dma_start3A_234 = tpu.memref_slice %arg9[%dma_start3A_233] : memref<10000xi32, #tpu.memory_space<vmem>> -> memref<80xi32, #tpu.memory_space<vmem>>
      %dma_start3A_235 = arith.constant 0 : i32
      %dma_start3A_236 = arith.constant 0 : i32
      %dma_start3A_237 = tpu.memref_slice %arg7[%dma_start3A_235, %dma_start3A_236] : memref<10000x64xf32, #tpu.memory_space<vmem_shared>> -> memref<10000x64xf32, #tpu.memory_space<vmem_shared>>
      tpu.enqueue_indirect_dma source(%arg11 : memref<80x64xf32, #tpu.memory_space<vmem>>) target(%dma_start3A_237 : memref<10000x64xf32, #tpu.memory_space<vmem_shared>>) offsets(%dma_start3A_234 : memref<80xi32, #tpu.memory_space<vmem>>) semaphore(%run_scoped3A : memref<!tpu.dma_semaphore, #tpu.memory_space<semaphore_mem>>) {add = true}
      %dma_wait3A_238 = arith.constant 9680 : i32
      %dma_wait3A_239 = tpu.memref_slice %arg9[%dma_wait3A_238] : memref<10000xi32, #tpu.memory_space<vmem>> -> memref<80xi32, #tpu.memory_space<vmem>>
      %dma_wait3A_240 = arith.constant 0 : i32
      %dma_wait3A_241 = arith.constant 0 : i32
      %dma_wait3A_242 = tpu.memref_slice %arg7[%dma_wait3A_240, %dma_wait3A_241] : memref<10000x64xf32, #tpu.memory_space<vmem_shared>> -> memref<10000x64xf32, #tpu.memory_space<vmem_shared>>
      tpu.wait_indirect_dma semaphore(%run_scoped3A : memref<!tpu.dma_semaphore, #tpu.memory_space<semaphore_mem>>) src(%arg11 : memref<80x64xf32, #tpu.memory_space<vmem>>) dst(%dma_wait3A_242 : memref<10000x64xf32, #tpu.memory_space<vmem_shared>>)
      tpu.yield
    }) : () -> ()
    "tpu.region"() ({
      %run_scoped3A = tpu.sem_alloc : memref<!tpu.dma_semaphore, #tpu.memory_space<semaphore_mem>>
      %dma_start3A_233 = arith.constant 9680 : i32
      %dma_start3A_234 = tpu.memref_slice %arg9[%dma_start3A_233] : memref<10000xi32, #tpu.memory_space<vmem>> -> memref<80xi32, #tpu.memory_space<vmem>>
      %dma_start3A_235 = arith.constant 0 : i32
      %dma_start3A_236 = tpu.memref_slice %arg43[%dma_start3A_235] : memref<10240xf32, #tpu.memory_space<vmem_shared>> -> memref<10240xf32, #tpu.memory_space<vmem_shared>>
      tpu.enqueue_indirect_dma source(%arg44 : memref<80xf32, #tpu.memory_space<vmem>>) target(%dma_start3A_236 : memref<10240xf32, #tpu.memory_space<vmem_shared>>) offsets(%dma_start3A_234 : memref<80xi32, #tpu.memory_space<vmem>>) semaphore(%run_scoped3A : memref<!tpu.dma_semaphore, #tpu.memory_space<semaphore_mem>>) {add = true}
      %dma_wait3A_237 = arith.constant 9680 : i32
      %dma_wait3A_238 = tpu.memref_slice %arg9[%dma_wait3A_237] : memref<10000xi32, #tpu.memory_space<vmem>> -> memref<80xi32, #tpu.memory_space<vmem>>
      %dma_wait3A_239 = arith.constant 0 : i32
      %dma_wait3A_240 = tpu.memref_slice %arg43[%dma_wait3A_239] : memref<10240xf32, #tpu.memory_space<vmem_shared>> -> memref<10240xf32, #tpu.memory_space<vmem_shared>>
      tpu.wait_indirect_dma semaphore(%run_scoped3A : memref<!tpu.dma_semaphore, #tpu.memory_space<semaphore_mem>>) src(%arg44 : memref<80xf32, #tpu.memory_space<vmem>>) dst(%dma_wait3A_240 : memref<10240xf32, #tpu.memory_space<vmem_shared>>)
      tpu.yield
    }) : () -> ()
    %dma_wait3A_209 = arith.constant 0 : i32
    %dma_wait3A_210 = tpu.memref_slice %arg8[%dma_wait3A_209] : memref<10000xi32, #tpu.memory_space<vmem>> -> memref<80xi32, #tpu.memory_space<vmem>>
    %dma_wait3A_211 = arith.constant 0 : i32
    %dma_wait3A_212 = arith.constant 0 : i32
    %dma_wait3A_213 = tpu.memref_slice %arg2[%dma_wait3A_211, %dma_wait3A_212] : memref<10000x64xf32, #tpu.memory_space<hbm>> -> memref<10000x64xf32, #tpu.memory_space<hbm>>
    tpu.wait_indirect_dma semaphore(%arg22 : memref<!tpu.dma_semaphore, #tpu.memory_space<semaphore_mem>>) src(%dma_wait3A_213 : memref<10000x64xf32, #tpu.memory_space<hbm>>) dst(%arg12 : memref<80x64xf32, #tpu.memory_space<vmem>>)
    "tpu.region"() ({
      %run_scoped3A = tpu.sem_alloc : memref<!tpu.dma_semaphore, #tpu.memory_space<semaphore_mem>>
      %dma_start3A_233 = arith.constant 9760 : i32
      %dma_start3A_234 = tpu.memref_slice %arg9[%dma_start3A_233] : memref<10000xi32, #tpu.memory_space<vmem>> -> memref<80xi32, #tpu.memory_space<vmem>>
      %dma_start3A_235 = arith.constant 0 : i32
      %dma_start3A_236 = arith.constant 0 : i32
      %dma_start3A_237 = tpu.memref_slice %arg7[%dma_start3A_235, %dma_start3A_236] : memref<10000x64xf32, #tpu.memory_space<vmem_shared>> -> memref<10000x64xf32, #tpu.memory_space<vmem_shared>>
      tpu.enqueue_indirect_dma source(%arg12 : memref<80x64xf32, #tpu.memory_space<vmem>>) target(%dma_start3A_237 : memref<10000x64xf32, #tpu.memory_space<vmem_shared>>) offsets(%dma_start3A_234 : memref<80xi32, #tpu.memory_space<vmem>>) semaphore(%run_scoped3A : memref<!tpu.dma_semaphore, #tpu.memory_space<semaphore_mem>>) {add = true}
      %dma_wait3A_238 = arith.constant 9760 : i32
      %dma_wait3A_239 = tpu.memref_slice %arg9[%dma_wait3A_238] : memref<10000xi32, #tpu.memory_space<vmem>> -> memref<80xi32, #tpu.memory_space<vmem>>
      %dma_wait3A_240 = arith.constant 0 : i32
      %dma_wait3A_241 = arith.constant 0 : i32
      %dma_wait3A_242 = tpu.memref_slice %arg7[%dma_wait3A_240, %dma_wait3A_241] : memref<10000x64xf32, #tpu.memory_space<vmem_shared>> -> memref<10000x64xf32, #tpu.memory_space<vmem_shared>>
      tpu.wait_indirect_dma semaphore(%run_scoped3A : memref<!tpu.dma_semaphore, #tpu.memory_space<semaphore_mem>>) src(%arg12 : memref<80x64xf32, #tpu.memory_space<vmem>>) dst(%dma_wait3A_242 : memref<10000x64xf32, #tpu.memory_space<vmem_shared>>)
      tpu.yield
    }) : () -> ()
    "tpu.region"() ({
      %run_scoped3A = tpu.sem_alloc : memref<!tpu.dma_semaphore, #tpu.memory_space<semaphore_mem>>
      %dma_start3A_233 = arith.constant 9760 : i32
      %dma_start3A_234 = tpu.memref_slice %arg9[%dma_start3A_233] : memref<10000xi32, #tpu.memory_space<vmem>> -> memref<80xi32, #tpu.memory_space<vmem>>
      %dma_start3A_235 = arith.constant 0 : i32
      %dma_start3A_236 = tpu.memref_slice %arg43[%dma_start3A_235] : memref<10240xf32, #tpu.memory_space<vmem_shared>> -> memref<10240xf32, #tpu.memory_space<vmem_shared>>
      tpu.enqueue_indirect_dma source(%arg44 : memref<80xf32, #tpu.memory_space<vmem>>) target(%dma_start3A_236 : memref<10240xf32, #tpu.memory_space<vmem_shared>>) offsets(%dma_start3A_234 : memref<80xi32, #tpu.memory_space<vmem>>) semaphore(%run_scoped3A : memref<!tpu.dma_semaphore, #tpu.memory_space<semaphore_mem>>) {add = true}
      %dma_wait3A_237 = arith.constant 9760 : i32
      %dma_wait3A_238 = tpu.memref_slice %arg9[%dma_wait3A_237] : memref<10000xi32, #tpu.memory_space<vmem>> -> memref<80xi32, #tpu.memory_space<vmem>>
      %dma_wait3A_239 = arith.constant 0 : i32
      %dma_wait3A_240 = tpu.memref_slice %arg43[%dma_wait3A_239] : memref<10240xf32, #tpu.memory_space<vmem_shared>> -> memref<10240xf32, #tpu.memory_space<vmem_shared>>
      tpu.wait_indirect_dma semaphore(%run_scoped3A : memref<!tpu.dma_semaphore, #tpu.memory_space<semaphore_mem>>) src(%arg44 : memref<80xf32, #tpu.memory_space<vmem>>) dst(%dma_wait3A_240 : memref<10240xf32, #tpu.memory_space<vmem_shared>>)
      tpu.yield
    }) : () -> ()
    %dma_wait3A_214 = arith.constant 0 : i32
    %dma_wait3A_215 = tpu.memref_slice %arg8[%dma_wait3A_214] : memref<10000xi32, #tpu.memory_space<vmem>> -> memref<80xi32, #tpu.memory_space<vmem>>
    %dma_wait3A_216 = arith.constant 0 : i32
    %dma_wait3A_217 = arith.constant 0 : i32
    %dma_wait3A_218 = tpu.memref_slice %arg2[%dma_wait3A_216, %dma_wait3A_217] : memref<10000x64xf32, #tpu.memory_space<hbm>> -> memref<10000x64xf32, #tpu.memory_space<hbm>>
    tpu.wait_indirect_dma semaphore(%arg23 : memref<!tpu.dma_semaphore, #tpu.memory_space<semaphore_mem>>) src(%dma_wait3A_218 : memref<10000x64xf32, #tpu.memory_space<hbm>>) dst(%arg13 : memref<80x64xf32, #tpu.memory_space<vmem>>)
    "tpu.region"() ({
      %run_scoped3A = tpu.sem_alloc : memref<!tpu.dma_semaphore, #tpu.memory_space<semaphore_mem>>
      %dma_start3A_233 = arith.constant 9840 : i32
      %dma_start3A_234 = tpu.memref_slice %arg9[%dma_start3A_233] : memref<10000xi32, #tpu.memory_space<vmem>> -> memref<80xi32, #tpu.memory_space<vmem>>
      %dma_start3A_235 = arith.constant 0 : i32
      %dma_start3A_236 = arith.constant 0 : i32
      %dma_start3A_237 = tpu.memref_slice %arg7[%dma_start3A_235, %dma_start3A_236] : memref<10000x64xf32, #tpu.memory_space<vmem_shared>> -> memref<10000x64xf32, #tpu.memory_space<vmem_shared>>
      tpu.enqueue_indirect_dma source(%arg13 : memref<80x64xf32, #tpu.memory_space<vmem>>) target(%dma_start3A_237 : memref<10000x64xf32, #tpu.memory_space<vmem_shared>>) offsets(%dma_start3A_234 : memref<80xi32, #tpu.memory_space<vmem>>) semaphore(%run_scoped3A : memref<!tpu.dma_semaphore, #tpu.memory_space<semaphore_mem>>) {add = true}
      %dma_wait3A_238 = arith.constant 9840 : i32
      %dma_wait3A_239 = tpu.memref_slice %arg9[%dma_wait3A_238] : memref<10000xi32, #tpu.memory_space<vmem>> -> memref<80xi32, #tpu.memory_space<vmem>>
      %dma_wait3A_240 = arith.constant 0 : i32
      %dma_wait3A_241 = arith.constant 0 : i32
      %dma_wait3A_242 = tpu.memref_slice %arg7[%dma_wait3A_240, %dma_wait3A_241] : memref<10000x64xf32, #tpu.memory_space<vmem_shared>> -> memref<10000x64xf32, #tpu.memory_space<vmem_shared>>
      tpu.wait_indirect_dma semaphore(%run_scoped3A : memref<!tpu.dma_semaphore, #tpu.memory_space<semaphore_mem>>) src(%arg13 : memref<80x64xf32, #tpu.memory_space<vmem>>) dst(%dma_wait3A_242 : memref<10000x64xf32, #tpu.memory_space<vmem_shared>>)
      tpu.yield
    }) : () -> ()
    "tpu.region"() ({
      %run_scoped3A = tpu.sem_alloc : memref<!tpu.dma_semaphore, #tpu.memory_space<semaphore_mem>>
      %dma_start3A_233 = arith.constant 9840 : i32
      %dma_start3A_234 = tpu.memref_slice %arg9[%dma_start3A_233] : memref<10000xi32, #tpu.memory_space<vmem>> -> memref<80xi32, #tpu.memory_space<vmem>>
      %dma_start3A_235 = arith.constant 0 : i32
      %dma_start3A_236 = tpu.memref_slice %arg43[%dma_start3A_235] : memref<10240xf32, #tpu.memory_space<vmem_shared>> -> memref<10240xf32, #tpu.memory_space<vmem_shared>>
      tpu.enqueue_indirect_dma source(%arg44 : memref<80xf32, #tpu.memory_space<vmem>>) target(%dma_start3A_236 : memref<10240xf32, #tpu.memory_space<vmem_shared>>) offsets(%dma_start3A_234 : memref<80xi32, #tpu.memory_space<vmem>>) semaphore(%run_scoped3A : memref<!tpu.dma_semaphore, #tpu.memory_space<semaphore_mem>>) {add = true}
      %dma_wait3A_237 = arith.constant 9840 : i32
      %dma_wait3A_238 = tpu.memref_slice %arg9[%dma_wait3A_237] : memref<10000xi32, #tpu.memory_space<vmem>> -> memref<80xi32, #tpu.memory_space<vmem>>
      %dma_wait3A_239 = arith.constant 0 : i32
      %dma_wait3A_240 = tpu.memref_slice %arg43[%dma_wait3A_239] : memref<10240xf32, #tpu.memory_space<vmem_shared>> -> memref<10240xf32, #tpu.memory_space<vmem_shared>>
      tpu.wait_indirect_dma semaphore(%run_scoped3A : memref<!tpu.dma_semaphore, #tpu.memory_space<semaphore_mem>>) src(%arg44 : memref<80xf32, #tpu.memory_space<vmem>>) dst(%dma_wait3A_240 : memref<10240xf32, #tpu.memory_space<vmem_shared>>)
      tpu.yield
    }) : () -> ()
    %dma_wait3A_219 = arith.constant 0 : i32
    %dma_wait3A_220 = tpu.memref_slice %arg8[%dma_wait3A_219] : memref<10000xi32, #tpu.memory_space<vmem>> -> memref<80xi32, #tpu.memory_space<vmem>>
    %dma_wait3A_221 = arith.constant 0 : i32
    %dma_wait3A_222 = arith.constant 0 : i32
    %dma_wait3A_223 = tpu.memref_slice %arg2[%dma_wait3A_221, %dma_wait3A_222] : memref<10000x64xf32, #tpu.memory_space<hbm>> -> memref<10000x64xf32, #tpu.memory_space<hbm>>
    tpu.wait_indirect_dma semaphore(%arg24 : memref<!tpu.dma_semaphore, #tpu.memory_space<semaphore_mem>>) src(%dma_wait3A_223 : memref<10000x64xf32, #tpu.memory_space<hbm>>) dst(%arg14 : memref<80x64xf32, #tpu.memory_space<vmem>>)
    "tpu.region"() ({
      %run_scoped3A = tpu.sem_alloc : memref<!tpu.dma_semaphore, #tpu.memory_space<semaphore_mem>>
      %dma_start3A_233 = arith.constant 9920 : i32
      %dma_start3A_234 = tpu.memref_slice %arg9[%dma_start3A_233] : memref<10000xi32, #tpu.memory_space<vmem>> -> memref<80xi32, #tpu.memory_space<vmem>>
      %dma_start3A_235 = arith.constant 0 : i32
      %dma_start3A_236 = arith.constant 0 : i32
      %dma_start3A_237 = tpu.memref_slice %arg7[%dma_start3A_235, %dma_start3A_236] : memref<10000x64xf32, #tpu.memory_space<vmem_shared>> -> memref<10000x64xf32, #tpu.memory_space<vmem_shared>>
      tpu.enqueue_indirect_dma source(%arg14 : memref<80x64xf32, #tpu.memory_space<vmem>>) target(%dma_start3A_237 : memref<10000x64xf32, #tpu.memory_space<vmem_shared>>) offsets(%dma_start3A_234 : memref<80xi32, #tpu.memory_space<vmem>>) semaphore(%run_scoped3A : memref<!tpu.dma_semaphore, #tpu.memory_space<semaphore_mem>>) {add = true}
      %dma_wait3A_238 = arith.constant 9920 : i32
      %dma_wait3A_239 = tpu.memref_slice %arg9[%dma_wait3A_238] : memref<10000xi32, #tpu.memory_space<vmem>> -> memref<80xi32, #tpu.memory_space<vmem>>
      %dma_wait3A_240 = arith.constant 0 : i32
      %dma_wait3A_241 = arith.constant 0 : i32
      %dma_wait3A_242 = tpu.memref_slice %arg7[%dma_wait3A_240, %dma_wait3A_241] : memref<10000x64xf32, #tpu.memory_space<vmem_shared>> -> memref<10000x64xf32, #tpu.memory_space<vmem_shared>>
      tpu.wait_indirect_dma semaphore(%run_scoped3A : memref<!tpu.dma_semaphore, #tpu.memory_space<semaphore_mem>>) src(%arg14 : memref<80x64xf32, #tpu.memory_space<vmem>>) dst(%dma_wait3A_242 : memref<10000x64xf32, #tpu.memory_space<vmem_shared>>)
      tpu.yield
    }) : () -> ()
    "tpu.region"() ({
      %run_scoped3A = tpu.sem_alloc : memref<!tpu.dma_semaphore, #tpu.memory_space<semaphore_mem>>
      %dma_start3A_233 = arith.constant 9920 : i32
      %dma_start3A_234 = tpu.memref_slice %arg9[%dma_start3A_233] : memref<10000xi32, #tpu.memory_space<vmem>> -> memref<80xi32, #tpu.memory_space<vmem>>
      %dma_start3A_235 = arith.constant 0 : i32
      %dma_start3A_236 = tpu.memref_slice %arg43[%dma_start3A_235] : memref<10240xf32, #tpu.memory_space<vmem_shared>> -> memref<10240xf32, #tpu.memory_space<vmem_shared>>
      tpu.enqueue_indirect_dma source(%arg44 : memref<80xf32, #tpu.memory_space<vmem>>) target(%dma_start3A_236 : memref<10240xf32, #tpu.memory_space<vmem_shared>>) offsets(%dma_start3A_234 : memref<80xi32, #tpu.memory_space<vmem>>) semaphore(%run_scoped3A : memref<!tpu.dma_semaphore, #tpu.memory_space<semaphore_mem>>) {add = true}
      %dma_wait3A_237 = arith.constant 9920 : i32
      %dma_wait3A_238 = tpu.memref_slice %arg9[%dma_wait3A_237] : memref<10000xi32, #tpu.memory_space<vmem>> -> memref<80xi32, #tpu.memory_space<vmem>>
      %dma_wait3A_239 = arith.constant 0 : i32
      %dma_wait3A_240 = tpu.memref_slice %arg43[%dma_wait3A_239] : memref<10240xf32, #tpu.memory_space<vmem_shared>> -> memref<10240xf32, #tpu.memory_space<vmem_shared>>
      tpu.wait_indirect_dma semaphore(%run_scoped3A : memref<!tpu.dma_semaphore, #tpu.memory_space<semaphore_mem>>) src(%arg44 : memref<80xf32, #tpu.memory_space<vmem>>) dst(%dma_wait3A_240 : memref<10240xf32, #tpu.memory_space<vmem_shared>>)
      tpu.yield
    }) : () -> ()
    %barrier3A_224 = arith.constant 0 : index
    tpu.barrier barrier_id(%barrier3A_224)
    %mul3A_225 = arith.constant 624 : i32
    %mul3A_226 = arith.muli %arg1, %mul3A_225 : i32
    %mul3A_227 = arith.constant 624 : i32
    %mul3A_228 = arith.muli %arg1, %mul3A_227 : i32
    "tpu.region"() ({
      %run_scoped3A = tpu.sem_alloc : memref<!tpu.dma_semaphore, #tpu.memory_space<semaphore_mem>>
      %dma_start3A_233 = arith.constant 0 : i32
      %dma_start3A_234 = arith.constant 0 : i32
      %dma_start3A_235 = tpu.memref_slice %arg5[%arg0, %dma_start3A_233, %dma_start3A_234] : memref<2x10000x64xf32, #tpu.memory_space<hbm>> -> memref<1x10000x64xf32, #tpu.memory_space<hbm>>
      %dma_start3A_236 = tpu.memref_squeeze %dma_start3A_235 : memref<1x10000x64xf32, #tpu.memory_space<hbm>> -> memref<10000x64xf32, #tpu.memory_space<hbm>>
      %dma_start3A_237 = arith.constant 0 : i32
      %dma_start3A_238 = tpu.memref_slice %dma_start3A_236[%mul3A_228, %dma_start3A_237] : memref<10000x64xf32, #tpu.memory_space<hbm>> -> memref<640x64xf32, #tpu.memory_space<hbm>>
      %dma_start3A_239 = arith.constant 0 : i32
      %dma_start3A_240 = tpu.memref_slice %arg7[%mul3A_226, %dma_start3A_239] : memref<10000x64xf32, #tpu.memory_space<vmem_shared>> -> memref<640x64xf32, #tpu.memory_space<vmem_shared>>
      tpu.enqueue_dma source(%dma_start3A_240 : memref<640x64xf32, #tpu.memory_space<vmem_shared>>) target(%dma_start3A_238 : memref<640x64xf32, #tpu.memory_space<hbm>>) target_semaphore(%run_scoped3A : memref<!tpu.dma_semaphore, #tpu.memory_space<semaphore_mem>>)
      %dma_wait3A_241 = arith.constant 0 : i32
      %dma_wait3A_242 = arith.constant 0 : i32
      %dma_wait3A_243 = tpu.memref_slice %arg5[%arg0, %dma_wait3A_241, %dma_wait3A_242] : memref<2x10000x64xf32, #tpu.memory_space<hbm>> -> memref<1x10000x64xf32, #tpu.memory_space<hbm>>
      %dma_wait3A_244 = tpu.memref_squeeze %dma_wait3A_243 : memref<1x10000x64xf32, #tpu.memory_space<hbm>> -> memref<10000x64xf32, #tpu.memory_space<hbm>>
      %dma_wait3A_245 = arith.constant 0 : i32
      %dma_wait3A_246 = tpu.memref_slice %dma_wait3A_244[%mul3A_228, %dma_wait3A_245] : memref<10000x64xf32, #tpu.memory_space<hbm>> -> memref<640x64xf32, #tpu.memory_space<hbm>>
      %dma_wait3A_247 = arith.constant 0 : i32
      %dma_wait3A_248 = tpu.memref_slice %arg7[%mul3A_226, %dma_wait3A_247] : memref<10000x64xf32, #tpu.memory_space<vmem_shared>> -> memref<640x64xf32, #tpu.memory_space<vmem_shared>>
      tpu.wait_dma2 semaphore(%run_scoped3A : memref<!tpu.dma_semaphore, #tpu.memory_space<semaphore_mem>>) src(%dma_wait3A_248 : memref<640x64xf32, #tpu.memory_space<vmem_shared>>) dst(%dma_wait3A_246 : memref<640x64xf32, #tpu.memory_space<hbm>>)
      tpu.yield
    }) : () -> ()
    %mul3A_229 = arith.constant 640 : i32
    %mul3A_230 = arith.muli %arg1, %mul3A_229 : i32
    %mul3A_231 = arith.constant 640 : i32
    %mul3A_232 = arith.muli %arg1, %mul3A_231 : i32
    "tpu.region"() ({
      %run_scoped3A = tpu.sem_alloc : memref<!tpu.dma_semaphore, #tpu.memory_space<semaphore_mem>>
      %dma_start3A_233 = arith.constant 0 : i32
      %dma_start3A_234 = tpu.memref_slice %arg6[%arg0, %dma_start3A_233] : memref<2x10240xf32, #tpu.memory_space<hbm>> -> memref<1x10240xf32, #tpu.memory_space<hbm>>
      %dma_start3A_235 = tpu.memref_squeeze %dma_start3A_234 : memref<1x10240xf32, #tpu.memory_space<hbm>> -> memref<10240xf32, #tpu.memory_space<hbm>>
      %dma_start3A_236 = tpu.memref_slice %dma_start3A_235[%mul3A_232] : memref<10240xf32, #tpu.memory_space<hbm>> -> memref<640xf32, #tpu.memory_space<hbm>>
      %dma_start3A_237 = tpu.memref_slice %arg43[%mul3A_230] : memref<10240xf32, #tpu.memory_space<vmem_shared>> -> memref<640xf32, #tpu.memory_space<vmem_shared>>
      tpu.enqueue_dma source(%dma_start3A_237 : memref<640xf32, #tpu.memory_space<vmem_shared>>) target(%dma_start3A_236 : memref<640xf32, #tpu.memory_space<hbm>>) target_semaphore(%run_scoped3A : memref<!tpu.dma_semaphore, #tpu.memory_space<semaphore_mem>>)
      %dma_wait3A_238 = arith.constant 0 : i32
      %dma_wait3A_239 = tpu.memref_slice %arg6[%arg0, %dma_wait3A_238] : memref<2x10240xf32, #tpu.memory_space<hbm>> -> memref<1x10240xf32, #tpu.memory_space<hbm>>
      %dma_wait3A_240 = tpu.memref_squeeze %dma_wait3A_239 : memref<1x10240xf32, #tpu.memory_space<hbm>> -> memref<10240xf32, #tpu.memory_space<hbm>>
      %dma_wait3A_241 = tpu.memref_slice %dma_wait3A_240[%mul3A_232] : memref<10240xf32, #tpu.memory_space<hbm>> -> memref<640xf32, #tpu.memory_space<hbm>>
      %dma_wait3A_242 = tpu.memref_slice %arg43[%mul3A_230] : memref<10240xf32, #tpu.memory_space<vmem_shared>> -> memref<640xf32, #tpu.memory_space<vmem_shared>>
      tpu.wait_dma2 semaphore(%run_scoped3A : memref<!tpu.dma_semaphore, #tpu.memory_space<semaphore_mem>>) src(%dma_wait3A_242 : memref<640xf32, #tpu.memory_space<vmem_shared>>) dst(%dma_wait3A_241 : memref<640xf32, #tpu.memory_space<hbm>>)
      tpu.yield
    }) : () -> ()
    return
  }
}

</mosaic_0001>

<sc_bundles>
// kernel: _sc_segment_sum.3.cloned.1.call-start
scs
__scs_entry_jumppad:
0x0: {  	(pc) =	sbr.rel $0x88, $3  }
0x1: {  	(tag) =	ssettag $0x0;
	lr =	simm.s32 $0x1  }
0x2: {  	[smem:$0x3F9E] =	sst lr;
	_ =	strace $0xD0000000  }
0x3: {  	_ = 	snop  }
0x4: {  	_ = 	snop  }
0x5: {  	_ = 	snop  }
0x6: {  	_ = 	snop  }
0x7: {  	_ = 	snop  }
__scs_overlays_trampoline_lowered:
0x8: {  	[smem:$0x3FAD] =	sst s0  }
0x9: {  	[smem:$0x3FAE] =	sst s1  }
0xa: {  	[smem:$0x3FAF] =	sst s2  }
0xb: {  	[smem:$0x3FB0] =	sst s3  }
0xc: {  	[smem:$0x3FB1] =	sst s4  }
0xd: {  	[smem:$0x3FB2] =	sst s5  }
0xe: {  	[smem:$0x3FB3] =	sst s6  }
0xf: {  	[smem:$0x3FB4] =	sst s7  }
0x10: {  	[smem:$0x3FB5] =	sst s8  }
0x11: {  	[smem:$0x3FB6] =	sst s9;
	s0 =	simm.s32 @!p0 $0x0  }
0x12: {  	s1 =	sld [smem:$0x3F9C];
	s0 =	simm.s32 @p0 $0x1  }
0x13: {  	[smem:$0x3FB7] =	sst s0;
	s0 =	simm.s32 @!p1 $0x0  }
0x14: {  	s2 =	sld [smem:$0x3F9B];
	s0 =	simm.s32 @p1 $0x1  }
0x15: {  	[smem:$0x3FB8] =	sst s0;
	s0 =	simm.s32 @!p2 $0x0  }
0x16: {  	s3 =	sld [smem:$0x3FDB];
	s0 =	simm.s32 @p2 $0x1  }
0x17: {  	s4 =	simm.s32 $0x1BF5;
	[smem:$0x3FBA] =	sst s0  }
0x18: {  	s0 =	sld [smem:$0x3F9D];
	_ =	swait.ge [sflag:s4], $0x0  }
0x19: {  	s7 =	sld [smem:$0x3F9E]  }
0x1a: {  	s8 =	sadd.s32 $0xFFFFE003, lr  }
0x1b: {  	s9 =	sadd.s32 $0xFFFFFEF7, lr;
	s5 =	simm.s32 $0xFFFFFFFF;
	p2 =	slt.u32 s8, $0xFFFFF086  }
0x1c: {  	p1 =	slt.u32 s9, $0xF7A;
	s5 =	simm.s32 @!p2 $0x0  }
0x1d: {  	s5 =	simm.s32 @p1 $0x1;
	p0 =	seq.s32 s7, s2  }
0x1e: {  	s7 =	smul.u32 @!p0 $0xF7A, s2;
	p2 =	seq.s32 @!p0 s5, $0x0  }
0x1f: {  	s9 =	smul.u32 $0xF7A, s1;
	s8 =	simm.s32 @!p0 $0x1BF5;
	p2 =	por !p2, p0  }
0x20: {  	[sflag:s8] =	ssyncset.s32 @!p0 $0xFFFFF086;
	s6 =	sadd.s32 @!p0 s3, s7;
	s7 =	simm.s32 @!p0 $0x108  }
0x21: {  	s3 =	sadd.s32 s3, s9;
	s6 =	sadd.s32 @!p0 $0x88, s6;
	s7 =	simm.s32 @p2 $0x1082  }
0x22: {  	[simem:s7], [sflag:s8] =	dma.local @!p0 [hbm:s6], $0xF7A  }
0x23: {  	s9 =	sor.u32 $0xD0000000, s2;
	s6 =	simm.s32 $0x108;
	_ =	swait.ge @!p0 [sflag:s8], $0x0  }
0x24: {  	s3 =	sadd.s32 $0x88, s3;
	s6 =	simm.s32 @!p1 $0x1082;
	[sflag:s4] =	ssyncset.s32 $0xFFFFF086  }
0x25: {  	[simem:s6], [sflag:s4] =	dma.local [hbm:s3], $0xF7A  }
0x26: {  	[smem:$0x3F9E] =	sst s1;
	(tag) =	ssettag s2;
	_ =	strace s9  }
0x27: {  	s1 =	sld [smem:$0x3FAE]  }
0x28: {  	s2 =	sld [smem:$0x3FAF]  }
0x29: {  	s4 =	sld [smem:$0x3FB1]  }
0x2a: {  	p0 =	seq.s32 s5, $0x0;
	s5 =	sld [smem:$0x3FB2]  }
0x2b: {  	s6 =	sld [smem:$0x3FB3]  }
0x2c: {  	s7 =	sld [smem:$0x3FB4]  }
0x2d: {  	s3 =	simm.s32 $0x108;
	s8 =	sld [smem:$0x3FB5]  }
0x2e: {  	s3 =	simm.s32 @!p0 $0x1082;
	s9 =	sld [smem:$0x3FB6]  }
0x2f: {  	lr =	sadd.s32 s0, s3;
	s0 =	sld [smem:$0x3FAD]  }
0x30: {  	s3 =	sld [smem:$0x3FB0]  }
0x31: {  	[smem:$0x3FB9] =	sst s10  }
0x32: {  	s10 =	sld [smem:$0x3FB7];
	_ =	sdelay $0x3  }
0x33: {  	p0 =	seq.s32 s10, $0x1;
	s10 =	sld [smem:$0x3FB9];
	_ =	sdelay $0x3  }
0x34: {  	[smem:$0x3FB9] =	sst s10  }
0x35: {  	s10 =	sld [smem:$0x3FB8];
	_ =	sdelay $0x3  }
0x36: {  	p1 =	seq.s32 s10, $0x1;
	s10 =	sld [smem:$0x3FB9];
	_ =	sdelay $0x3  }
0x37: {  	[smem:$0x3FB9] =	sst s10  }
0x38: {  	s10 =	sld [smem:$0x3FBA]  }
0x39: {  	_ = 	snop;
	(pc) =	sbr.ind lr, $3  }
0x3a: {  	_ = 	snop  }
0x3b: {  	_ = 	snop  }
0x3c: {  	p2 =	seq.s32 s10, $0x1;
	s10 =	sld [smem:$0x3FB9]  }
0x3d: {  	_ =	shalt  }
0x3e: {  	_ =	shalt  }
0x3f: {  	_ =	shalt  }
0x40: {  	_ =	shalt  }
0x41: {  	_ =	shalt  }
0x42: {  	_ =	shalt  }
0x43: {  	_ =	shalt  }
0x44: {  	_ =	shalt  }
0x45: {  	_ =	shalt  }
0x46: {  	_ =	shalt  }
0x47: {  	_ =	shalt  }
0x48: {  	_ =	shalt  }
0x49: {  	_ =	shalt  }
0x4a: {  	_ =	shalt  }
0x4b: {  	_ =	shalt  }
0x4c: {  	_ =	shalt  }
0x4d: {  	_ =	shalt  }
0x4e: {  	_ =	shalt  }
0x4f: {  	_ =	shalt  }
0x50: {  	_ =	shalt  }
0x51: {  	_ =	shalt  }
0x52: {  	_ =	shalt  }
0x53: {  	_ =	shalt  }
0x54: {  	_ =	shalt  }
0x55: {  	_ =	shalt  }
0x56: {  	_ =	shalt  }
0x57: {  	_ =	shalt  }
0x58: {  	_ =	shalt  }
0x59: {  	_ =	shalt  }
0x5a: {  	_ =	shalt  }
0x5b: {  	_ =	shalt  }
0x5c: {  	_ =	shalt  }
0x5d: {  	_ =	shalt  }
0x5e: {  	_ =	shalt  }
0x5f: {  	_ =	shalt  }
0x60: {  	_ =	shalt  }
0x61: {  	_ =	shalt  }
0x62: {  	_ =	shalt  }
0x63: {  	_ =	shalt  }
0x64: {  	_ =	shalt  }
0x65: {  	_ =	shalt  }
0x66: {  	_ =	shalt  }
0x67: {  	_ =	shalt  }
0x68: {  	_ =	shalt  }
0x69: {  	_ =	shalt  }
0x6a: {  	_ =	shalt  }
0x6b: {  	_ =	shalt  }
0x6c: {  	_ =	shalt  }
0x6d: {  	_ =	shalt  }
0x6e: {  	_ =	shalt  }
0x6f: {  	_ =	shalt  }
0x70: {  	_ =	shalt  }
0x71: {  	_ =	shalt  }
0x72: {  	_ =	shalt  }
0x73: {  	_ =	shalt  }
0x74: {  	_ =	shalt  }
0x75: {  	_ =	shalt  }
0x76: {  	_ =	shalt  }
0x77: {  	_ =	shalt  }
0x78: {  	_ =	shalt  }
0x79: {  	_ =	shalt  }
0x7a: {  	_ =	shalt  }
0x7b: {  	_ =	shalt  }
0x7c: {  	_ =	shalt  }
0x7d: {  	_ =	shalt  }
0x7e: {  	_ =	shalt  }
0x7f: {  	_ =	shalt  }
0x80: {  	_ =	shalt  }
0x81: {  	_ =	shalt  }
0x82: {  	_ =	shalt  }
0x83: {  	_ =	shalt  }
0x84: {  	_ =	shalt  }
0x85: {  	_ =	shalt  }
0x86: {  	_ =	shalt  }
0x87: {  	_ =	shalt  }
.Lfunc_end0:
.L_simem_size_0:
called_computation_lowered:
.L_overlay_start_0:
0x88: {  	s2 =	sld [smem:$0x3FD9]  }
0x89: {  	s3 =	sld [smem:$0x3FFE];
	_ =	sdelay $0x1  }
0x8a: {  	s1 =	srdreg.scid  }
0x8b: {  	s0 =	sand.u32 $0x1, s1  }
0x8c: {  	s14 =	sshll.u32 s0, $0xA;
	s2 =	sadd.s32 s3, s2  }
0x8d: {  	s2 =	sadd.s32 s2, s14  }
0x8e: {  	[smem:$0x3FC5] =	sst s2  }
0x8f: {  	_ = 	snop  }
0x90: {  	s2 =	sld [smem:$0x3FD0];
	_ =	sdelay $0x1  }
0x91: {  	s15 =	sld [smem:$0x3FC8]  }
0x92: {  	s5 =	simm.s32 $0xA;
	s6 =	simm.s32 $0x10;
	s4 =	sld [smem:$0x3FC7]  }
0x93: {  	[smem:s6], [sflag:s5] =	dma.local [hbm:s2], $0x1  }
0x94: {  	_ =	swait.eq [sflag:s5], $0x1  }
0x95: {  	[sflag:s5] =	ssyncset.done $0x0  }
0x96: {  	[sflag:s5] =	ssyncadd.s32 $0xFFFFFFFF  }
0x97: {  	s16 =	sld [smem:$0x10];
	(tm) =	ssettm $0x1  }
0x98: {  	s17 =	sld [smem:$0x3FFB];
	_ =	sdelay $0x3  }
0x99: {  	_ =	strace s17  }
0x9a: {  	s5 =	sld [smem:$0x3FFC];
	_ =	sdelay $0x3  }
0x9b: {  	_ =	strace s5  }
0x9c: {  	s5 =	sld [smem:$0x3FFD];
	_ =	sdelay $0x3  }
0x9d: {  	_ =	strace s5  }
0x9e: {  	_ =	strace $0x8FFFFFFF  }
0x9f: {  	s18 =	sld [smem:$0x3FDB];
	_ =	sdelay $0x1  }
0xa0: {  	s19 =	simm.s32 $_scs_section_size  }
0xa1: {  	s7 =	simm.s32 $_size__tile_overlayer_lowered;
	s8 =	simm.s32 $_tile_overlayer_lowered  }
0xa2: {  	s22 =	simm.s32 $0x1BFF;
	s21 =	sshll.u32 s8, $0x1;
	s5 =	sadd.s32 s19, s18  }
0xa3: {  	s9 =	simm.s32 $0x0;
	s20 =	sshll.u32 s7, $0x1;
	s7 =	sadd.s32 s21, s5  }
0xa4: {  	[timem:s9], [sflag:s22] =	dma.local [hbm:s7], s20  }
0xa5: {  	_ =	swait.ge [sflag:s22], s20  }
0xa6: {  	s6 =	ssub.s32 $0x0, s20;
	[sflag:s22] =	ssyncset.done $0x0  }
0xa7: {  	[sflag:s22] =	ssyncadd.s32 s6;
	_ =	sdelay $0x1  }
0xa8: {  	s23 =	simm.s32 $0x1B8B  }
0xa9: {  	_ =	swait.ge [sflag:s23], $0x1  }
0xaa: {  	[sflag:s23] =	ssyncset.done $0x0  }
0xab: {  	s25 =	simm.s32 $0x1B8E;
	s24 =	sld [smem:$0x3FFE];
	[sflag:s23] =	ssyncadd.s32 $0xFFFFFFFF  }
0xac: {  	s26 =	simm.s32 $execute0_lowered;
	[smem:$0x3FD2] =	sst s25  }
0xad: {  	s7 =	sshll.u32 s26, $0x1;
	_ =	strace $0x80000046;
	[dreg:$0x1] =	wrdreg $0xFFFFFFFF  }
0xae: {  	s28 =	simm.s32 $_size_execute0_lowered;
	s5 =	sadd.s32 s5, s7;
	[dreg:$0x0] =	wrdreg $0x0  }
0xaf: {  	s7 =	sshll.u32 s28, $0x1;
	[dreg:$0x2] =	wrdreg s5  }
0xb0: {  	[dreg:$0x3] =	wrdreg s7  }
0xb1: {  	[dreg:$0x4] =	wrdreg $0xC0  }
0xb2: {  	_ =	task [dreg:s9], $0x5FFFF  }
0xb3: {  	[dreg:$0x1] =	wrdreg $0xFFFFFFFF  }
0xb4: {  	[dreg:$0x0] =	wrdreg $0x60  }
0xb5: {  	[dreg:$0x2] =	wrdreg s24  }
0xb6: {  	[dreg:$0x3] =	wrdreg s15  }
0xb7: {  	[dreg:$0x4] =	wrdreg s4  }
0xb8: {  	[dreg:$0x5] =	wrdreg s16  }
0xb9: {  	[dreg:$0x6] =	wrdreg $0x0  }
0xba: {  	[dreg:$0x7] =	wrdreg $0x1B2600  }
0xbb: {  	[dreg:$0x8] =	wrdreg $0x9  }
0xbc: {  	_ =	task.clear_ibuf [dreg:s9], $0x9FFFF;
	_ =	strace $0x90000046  }
0xbd: {  	s29 =	simm.s32 $0x9;
	_ =	strace $0x80000048  }
0xbe: {  	_ =	swait.ge [sflag:s29], $0x1  }
0xbf: {  	[sflag:s29] =	ssyncadd.s32 $0xFFFFFFFF  }
0xc0: {  	_ =	strace $0x90000048  }
0xc1: {  	_ =	sfence  }
0xc2: {  	s30 =	sld [smem:$0x0];
	_ =	sdelay $0x2  }
0xc3: {  	s31 =	sshll.u32 s1, $0xD;
	s1 =	sshrl.u32 s1, $0x2  }
0xc4: {  	s3 =	sand.u32 $0x4000, s31;
	s1 =	sadd.s32 s1, s30  }
0xc5: {  	s0 =	sor.u32 s3, s0;
	s1 =	sshll.u32 s1, $0x11  }
0xc6: {  	s0 =	sor.u32 s1, s0  }
0xc7: {  	s0 =	sadd.s32 $0x8F2B, s0  }
0xc8: {  	[sflag:s0] =	ssyncadd.remote.s32 $0x1  }
0xc9: {  	_ =	sfence.sel $0xFFFF  }
0xca: {  	[dreg:$0x0] =	wrdreg $0xFFFFFFFF;
	(pc) =	sbr.abs _section_cstart, $3  }
0xcb: {  	[dreg:$0x1] =	wrdreg $0xFFFFFFFF  }
0xcc: {  	_ =	task.clear_ibuf [dreg:s9], $0x2FFFF;
	_ =	strace $0x9FFFFFFF  }
0xcd: {  	(tm) =	ssettm $0x7FFFFFFF  }
tec
execute0_lowered:
.L_overlay_start_1:
0x0: {  	(tag) =	ssettag $0x1  }
0x1: {  	s0 =	rddreg [dreg:$0x0]  }
0x2: {  	s4 =	rddreg [dreg:$0x1]  }
0x3: {  	s7 =	rddreg [dreg:$0x2]  }
0x4: {  	s8 =	rddreg [dreg:$0x3]  }
0x5: {  	s1 =	rddreg [dreg:$0x4]  }
0x6: {  	s2 =	rddreg [dreg:$0x5];
	s3 =	simm.s32 $0x0  }
0x7: {  	s5 =	srdreg.scid;
	s14 =	stileid.u32;
	s28 =	simm.s32 $0xFE60  }
0x8: {  	s30 =	simm.s32 $0x11260;
	s29 =	simm.s32 $0x1;
	s31 =	simm.s32 $0x1B4E0  }
0x9: {  	[smem:$0x7FF] =	sst s3;
	s9 =	sand.u32 $0x1, s5;
	s11 =	smul.u32 $0x27000, s14  }
0xa: {  	s5 =	sadd.s32 $0x800, s0;
	s12 =	sshll.u32 s14, $0x1;
	s13 =	smul.u32 $0x9C00, s14  }
0xb: {  	s6 =	smul.u32 $0x500, s9;
	_ =	strace $0x80000047;
	s10 =	ssub.s32 $0x2, s9  }
0xc: {  	s12 =	sor.u32 s9, s12;
	s9 =	smul.u32 $0x13880, s9;
	s25 =	sshrl.u32 s10, $0x1  }
0xd: {  	s11 =	sshrl.u32 s11, $0x2;
	s26 =	sadd.s32 s13, s1;
	s12 =	smul.u32 $0x4E2, s12  }
0xe: {  	s24 =	sshrl.u32 s13, $0x3;
	s13 =	simm.s32 $0x18A60;
	s11 =	sadd.s32 s11, s1  }
0xf: {  	s0 =	sadd.s32 s6, s0;
	[dreg:$0x7] =	wrdreg s26;
	s15 =	sadd.s32 $0x1400, s11  }
0x10: {  	s10 =	ssub.s32 s10, s25;
	s16 =	sadd.s32 $0x2800, s11;
	[dreg:$0x8] =	wrdreg s15  }
0x11: {  	s23 =	sadd.s32 s8, s9;
	s17 =	sadd.s32 $0x3C00, s11;
	[dreg:$0x9] =	wrdreg s16  }
0x12: {  	s8 =	simm.s32 $0x16260;
	s18 =	sadd.s32 $0x5000, s11;
	[dreg:$0xa] =	wrdreg s17  }
0x13: {  	s9 =	simm.s32 $0x3;
	s19 =	sadd.s32 $0x6400, s11;
	[dreg:$0xb] =	wrdreg s18  }
0x14: {  	s20 =	sadd.s32 $0x7800, s11;
	s21 =	sadd.s32 $0x8C00, s11;
	[dreg:$0xc] =	wrdreg s19  }
0x15: {  	s4 =	sadd.s32 s4, s12;
	s22 =	sadd.s32 s7, s12;
	[dreg:$0xd] =	wrdreg s20  }
0x16: {  	s0 =	sadd.s32 $0x14200, s0;
	s26 =	smax.u32 s10, $0x1;
	[dreg:$0xe] =	wrdreg s21  }
0x17: {  	s11 =	simm.s32 $0x17660;
	s12 =	simm.s32 $0x4;
	[dreg:$0xf] =	wrdreg s4  }
0x18: {  	s7 =	simm.s32 $0x8;
	s10 =	simm.s32 $0x9;
	[dreg:$0x10] =	wrdreg s22  }
0x19: {  	s15 =	smul.u32 $0x280, s14;
	[dreg:$0x11] =	wrdreg s26;
	s18 =	simm.s32 $0xEA60  }
0x1a: {  	s19 =	simm.s32 $0xB;
	s4 =	sadd.s32 s24, s23;
	s26 =	simm.s32 $0x13A60  }
0x1b: {  	s20 =	simm.s32 $0x14E60;
	s17 =	simm.s32 $0x19E60;
	s22 =	simm.s32 $0x6  }
0x1c: {  	s24 =	simm.s32 $0x7;
	s21 =	simm.s32 $0xA;
	[dreg:$0x12] =	wrdreg s4  }
0x1d: {  	s4 =	simm.s32 $0x2;
	s14 =	sadd.s32 s15, s2;
	s25 =	sshrl.u32 s15, $0x3  }
0x1e: {  	s15 =	simm.s32 $0x5;
	s0 =	sadd.s32 s25, s0;
	[dreg:$0x13] =	wrdreg s14  }
0x1f: {  	v0 =	vimm.f32 $0.0e+00;
	v1 =	vimm.f32 $1.000000000e+00;
	s25 =	simm.s32 $0x50;
	[dreg:$0x14] =	wrdreg s0;
	s0 =	simm.s32 $0x12660  }
.LBB2_1:
0x20: {  	s23 =	simm.s32 $0x100;
	s16 =	simm.s32 $0x0  }
.LBB2_2:
0x21: {  	p0 =	sne.s32 s23, $0x4F00;
	[tilespmem:s16+$0xEA90] =	vst v0;
	s6 =	smov.u32 s23;
	s23 =	sadd.s32 $0x100, s23  }
.Ltmp0:
0x22: {  	[tilespmem:s16+$0xEA80] =	vst v0;
	(pc) =	sbr.rel @p0 .LBB2_2-.Ltmp0, $3  }
0x23: {  	[tilespmem:s16+$0xEA60] =	vst v0  }
0x24: {  	[tilespmem:s16+$0xEA70] =	vst v0;
	_ =	sdelay $0x1  }
0x25: {  	s16 =	sshra.s32 s6, $0x2  }
0x26: {  	[tilespmem:s16+$0xEA90] =	vst v0  }
0x27: {  	[tilespmem:s16+$0xEA80] =	vst v0  }
0x28: {  	[tilespmem:s16+$0xEA60] =	vst v0  }
0x29: {  	[tilespmem:s16+$0xEA70] =	vst v0;
	s6 =	rddreg [dreg:$0x7]  }
0x2a: {  	[spmem:s6] =	stream.linear.scatter [tilespmem:s18], [sflag:$0xB], $0x1400, $0x38;
	[tilespmem:$0x1B7B0] =	vst v63  }
0x2b: {  	_ =	swait.ge [sflag:s19], $0x1400  }
0x2c: {  	[sflag:s19] =	ssyncset.done $0x0  }
0x2d: {  	s16 =	rddreg [dreg:$0x8];
	[sflag:s19] =	ssyncadd.s32 $0xFFFFEC00  }
0x2e: {  	[spmem:s16] =	stream.linear.scatter [tilespmem:s18], [sflag:$0xB], $0x1400, $0x38;
	[tilespmem:$0x1B7B0] =	vst v63  }
0x2f: {  	_ =	swait.ge [sflag:s19], $0x1400  }
0x30: {  	[sflag:s19] =	ssyncset.done $0x0  }
0x31: {  	s23 =	rddreg [dreg:$0x9];
	[sflag:s19] =	ssyncadd.s32 $0xFFFFEC00  }
0x32: {  	[spmem:s23] =	stream.linear.scatter [tilespmem:s18], [sflag:$0xB], $0x1400, $0x38;
	[tilespmem:$0x1B7B0] =	vst v63  }
0x33: {  	_ =	swait.ge [sflag:s19], $0x1400  }
0x34: {  	[sflag:s19] =	ssyncset.done $0x0  }
0x35: {  	s16 =	rddreg [dreg:$0xa];
	[sflag:s19] =	ssyncadd.s32 $0xFFFFEC00  }
0x36: {  	[spmem:s16] =	stream.linear.scatter [tilespmem:s18], [sflag:$0xB], $0x1400, $0x38;
	[tilespmem:$0x1B7B0] =	vst v63  }
0x37: {  	_ =	swait.ge [sflag:s19], $0x1400  }
0x38: {  	[sflag:s19] =	ssyncset.done $0x0  }
0x39: {  	s23 =	rddreg [dreg:$0xb];
	[sflag:s19] =	ssyncadd.s32 $0xFFFFEC00  }
0x3a: {  	[spmem:s23] =	stream.linear.scatter [tilespmem:s18], [sflag:$0xB], $0x1400, $0x38;
	[tilespmem:$0x1B7B0] =	vst v63  }
0x3b: {  	_ =	swait.ge [sflag:s19], $0x1400  }
0x3c: {  	[sflag:s19] =	ssyncset.done $0x0  }
0x3d: {  	s16 =	rddreg [dreg:$0xc];
	[sflag:s19] =	ssyncadd.s32 $0xFFFFEC00  }
0x3e: {  	[spmem:s16] =	stream.linear.scatter [tilespmem:s18], [sflag:$0xB], $0x1400, $0x38;
	[tilespmem:$0x1B7B0] =	vst v63  }
0x3f: {  	_ =	swait.ge [sflag:s19], $0x1400  }
0x40: {  	[sflag:s19] =	ssyncset.done $0x0  }
0x41: {  	s23 =	rddreg [dreg:$0xd];
	[sflag:s19] =	ssyncadd.s32 $0xFFFFEC00  }
0x42: {  	[spmem:s23] =	stream.linear.scatter [tilespmem:s18], [sflag:$0xB], $0x1400, $0x38;
	[tilespmem:$0x1B7B0] =	vst v63  }
0x43: {  	_ =	swait.ge [sflag:s19], $0x1400  }
0x44: {  	[sflag:s19] =	ssyncset.done $0x0  }
0x45: {  	s16 =	rddreg [dreg:$0xe];
	[sflag:s19] =	ssyncadd.s32 $0xFFFFEC00  }
0x46: {  	[spmem:s16] =	stream.linear.scatter [tilespmem:s18], [sflag:$0xB], $0x1400, $0x38;
	[tilespmem:$0x1B7B0] =	vst v63  }
0x47: {  	_ =	swait.ge [sflag:s19], $0x1400  }
0x48: {  	[sflag:s19] =	ssyncset.done $0x0  }
0x49: {  	[sflag:s19] =	ssyncadd.s32 $0xFFFFEC00  }
0x4a: {  	[tilespmem:$0x1B530] =	vst v0  }
0x4b: {  	[tilespmem:$0x1B540] =	vst v0  }
0x4c: {  	[tilespmem:$0x1B550] =	vst v0  }
0x4d: {  	[tilespmem:$0x1B560] =	vst v0  }
0x4e: {  	[tilespmem:$0x1B570] =	vst v0  }
0x4f: {  	[tilespmem:$0x1B580] =	vst v0  }
0x50: {  	[tilespmem:$0x1B590] =	vst v0  }
0x51: {  	[tilespmem:$0x1B5A0] =	vst v0  }
0x52: {  	[tilespmem:$0x1B5B0] =	vst v0  }
0x53: {  	[tilespmem:$0x1B5C0] =	vst v0  }
0x54: {  	[tilespmem:$0x1B5D0] =	vst v0  }
0x55: {  	[tilespmem:$0x1B5E0] =	vst v0  }
0x56: {  	[tilespmem:$0x1B5F0] =	vst v0  }
0x57: {  	[tilespmem:$0x1B600] =	vst v0  }
0x58: {  	[tilespmem:$0x1B610] =	vst v0  }
0x59: {  	[tilespmem:$0x1B620] =	vst v0  }
0x5a: {  	[tilespmem:$0x1B630] =	vst v0  }
0x5b: {  	[tilespmem:$0x1B640] =	vst v0  }
0x5c: {  	[tilespmem:$0x1B650] =	vst v0  }
0x5d: {  	[tilespmem:$0x1B660] =	vst v0  }
0x5e: {  	[tilespmem:$0x1B670] =	vst v0  }
0x5f: {  	[tilespmem:$0x1B680] =	vst v0  }
0x60: {  	[tilespmem:$0x1B690] =	vst v0  }
0x61: {  	[tilespmem:$0x1B6A0] =	vst v0  }
0x62: {  	[tilespmem:$0x1B6B0] =	vst v0  }
0x63: {  	[tilespmem:$0x1B6C0] =	vst v0  }
0x64: {  	[tilespmem:$0x1B6D0] =	vst v0  }
0x65: {  	[tilespmem:$0x1B6E0] =	vst v0  }
0x66: {  	[tilespmem:$0x1B6F0] =	vst v0  }
0x67: {  	[tilespmem:$0x1B700] =	vst v0  }
0x68: {  	[tilespmem:$0x1B710] =	vst v0  }
0x69: {  	[tilespmem:$0x1B720] =	vst v0  }
0x6a: {  	[tilespmem:$0x1B730] =	vst v0  }
0x6b: {  	[tilespmem:$0x1B740] =	vst v0  }
0x6c: {  	[tilespmem:$0x1B750] =	vst v0  }
0x6d: {  	[tilespmem:$0x1B760] =	vst v0  }
0x6e: {  	[tilespmem:$0x1B770] =	vst v0  }
0x6f: {  	[tilespmem:$0x1B780] =	vst v0  }
0x70: {  	[tilespmem:$0x1B790] =	vst v0  }
0x71: {  	s23 =	simm.s32 $0x1B530;
	[tilespmem:$0x1B7A0] =	vst v0  }
0x72: {  	[spmem:s14] =	stream.linear.scatter [tilespmem:s23], [sflag:$0xB], $0x280, $0x38;
	[tilespmem:$0x1B7B0] =	vst v63  }
0x73: {  	_ =	swait.ge [sflag:s19], $0x280  }
0x74: {  	[sflag:s19] =	ssyncset.done $0x0  }
0x75: {  	[sflag:s19] =	ssyncadd.s32 $0xFFFFFD80  }
0x76: {  	[tilespmem:$0x1B4E0] =	vst v1  }
0x77: {  	[tilespmem:$0x1B4F0] =	vst v1  }
0x78: {  	[tilespmem:$0x1B500] =	vst v1  }
0x79: {  	[tilespmem:$0x1B510] =	vst v1  }
0x7a: {  	s6 =	simm.s32 $0x0;
	s23 =	simm.s32 $0x9C40;
	s14 =	rddreg [dreg:$0xf];
	[tilespmem:$0x1B520] =	vst v1  }
0x7b: {  	[tilespmem:s23], [sflag:$0xB] =	stream.linear.gather [hbm4b:s14+s6], $0x2710, $0x38;
	[tilespmem:$0x1B7B0] =	vst v63  }
0x7c: {  	_ =	swait.ge [sflag:s19], $0x2710  }
0x7d: {  	[sflag:s19] =	ssyncset.done $0x0  }
0x7e: {  	s14 =	simm.s32 $0xC350;
	s16 =	rddreg [dreg:$0x10];
	[sflag:s19] =	ssyncadd.s32 $0xFFFFD8F0  }
0x7f: {  	[tilespmem:s14], [sflag:$0xB] =	stream.linear.gather [hbm4b:s16+s6], $0x2710, $0x38;
	[tilespmem:$0x1B7B0] =	vst v63  }
0x80: {  	_ =	swait.ge [sflag:s19], $0x2710  }
0x81: {  	[sflag:s19] =	ssyncset.done $0x0  }
0x82: {  	[sflag:s19] =	ssyncadd.s32 $0xFFFFD8F0  }
0x83: {  	[bflag:$0x0] =	sbarrier.arrive $0xFFFF  }
0x84: {  	[tilespmem:s18], [sflag:$0x1] =	stream.indirect.gather [hbm4b:s5+s25], $0x40, s23, s25, $0xb8;
	[tilespmem:$0x1B7B0] =	vst v63  }
0x85: {  	s23 =	simm.s32 $0x9C90  }
0x86: {  	[tilespmem:s28], [sflag:$0x2] =	stream.indirect.gather [hbm4b:s5+s25], $0x40, s23, s25, $0xb8;
	[tilespmem:$0x1B7B0] =	vst v63  }
0x87: {  	s16 =	simm.s32 $0x9CE0  }
0x88: {  	[tilespmem:s30], [sflag:$0x3] =	stream.indirect.gather [hbm4b:s5+s25], $0x40, s16, s25, $0xb8;
	[tilespmem:$0x1B7B0] =	vst v63  }
0x89: {  	s23 =	simm.s32 $0x9D30  }
0x8a: {  	[tilespmem:s0], [sflag:$0x4] =	stream.indirect.gather [hbm4b:s5+s25], $0x40, s23, s25, $0xb8;
	[tilespmem:$0x1B7B0] =	vst v63  }
0x8b: {  	s16 =	simm.s32 $0x9D80  }
0x8c: {  	[tilespmem:s26], [sflag:$0x5] =	stream.indirect.gather [hbm4b:s5+s25], $0x40, s16, s25, $0xb8;
	[tilespmem:$0x1B7B0] =	vst v63  }
0x8d: {  	_ =	swait.ge [sflag:s29], $0x1400  }
0x8e: {  	[sflag:s29] =	ssyncset.done $0x0  }
0x8f: {  	[sflag:s29] =	ssyncadd.s32 $0xFFFFEC00  }
0x90: {  	[spmem:s1] =	stream.indirect.scatter.add.f32 [tilespmem:s18], [sflag:$0xB], $0x40, s14, s25, $0xb8;
	[tilespmem:$0x1B7B0] =	vst v63  }
0x91: {  	_ =	swait.ge [sflag:s19], $0x1400  }
0x92: {  	[sflag:s19] =	ssyncset.done $0x0  }
0x93: {  	[sflag:s19] =	ssyncadd.s32 $0xFFFFEC00  }
0x94: {  	[spmem:s2] =	stream.indirect.scatter.add.f32 [tilespmem:s31], [sflag:$0xB], $0x1, s14, s25, $0xb8;
	[tilespmem:$0x1B7B0] =	vst v63  }
0x95: {  	_ =	swait.ge [sflag:s19], $0x50  }
0x96: {  	[sflag:s19] =	ssyncset.done $0x0  }
0x97: {  	s23 =	simm.s32 $0x9DD0;
	[sflag:s19] =	ssyncadd.s32 $0xFFFFFFB0  }
0x98: {  	[tilespmem:s20], [sflag:$0x6] =	stream.indirect.gather [hbm4b:s5+s25], $0x40, s23, s25, $0xb8;
	[tilespmem:$0x1B7B0] =	vst v63  }
0x99: {  	_ =	swait.ge [sflag:s4], $0x1400  }
0x9a: {  	[sflag:s4] =	ssyncset.done $0x0  }
0x9b: {  	s14 =	simm.s32 $0xC3A0;
	[sflag:s4] =	ssyncadd.s32 $0xFFFFEC00  }
0x9c: {  	[spmem:s1] =	stream.indirect.scatter.add.f32 [tilespmem:s28], [sflag:$0xB], $0x40, s14, s25, $0xb8;
	[tilespmem:$0x1B7B0] =	vst v63  }
0x9d: {  	_ =	swait.ge [sflag:s19], $0x1400  }
0x9e: {  	[sflag:s19] =	ssyncset.done $0x0  }
0x9f: {  	[sflag:s19] =	ssyncadd.s32 $0xFFFFEC00  }
0xa0: {  	[spmem:s2] =	stream.indirect.scatter.add.f32 [tilespmem:s31], [sflag:$0xB], $0x1, s14, s25, $0xb8;
	[tilespmem:$0x1B7B0] =	vst v63  }
0xa1: {  	_ =	swait.ge [sflag:s19], $0x50  }
0xa2: {  	[sflag:s19] =	ssyncset.done $0x0  }
0xa3: {  	s16 =	simm.s32 $0x9E20;
	[sflag:s19] =	ssyncadd.s32 $0xFFFFFFB0  }
0xa4: {  	[tilespmem:s8], [sflag:$0x7] =	stream.indirect.gather [hbm4b:s5+s25], $0x40, s16, s25, $0xb8;
	[tilespmem:$0x1B7B0] =	vst v63  }
0xa5: {  	_ =	swait.ge [sflag:s9], $0x1400  }
0xa6: {  	[sflag:s9] =	ssyncset.done $0x0  }
0xa7: {  	s23 =	simm.s32 $0xC3F0;
	[sflag:s9] =	ssyncadd.s32 $0xFFFFEC00  }
0xa8: {  	[spmem:s1] =	stream.indirect.scatter.add.f32 [tilespmem:s30], [sflag:$0xB], $0x40, s23, s25, $0xb8;
	[tilespmem:$0x1B7B0] =	vst v63  }
0xa9: {  	_ =	swait.ge [sflag:s19], $0x1400  }
0xaa: {  	[sflag:s19] =	ssyncset.done $0x0  }
0xab: {  	[sflag:s19] =	ssyncadd.s32 $0xFFFFEC00  }
0xac: {  	[spmem:s2] =	stream.indirect.scatter.add.f32 [tilespmem:s31], [sflag:$0xB], $0x1, s23, s25, $0xb8;
	[tilespmem:$0x1B7B0] =	vst v63  }
0xad: {  	_ =	swait.ge [sflag:s19], $0x50  }
0xae: {  	[sflag:s19] =	ssyncset.done $0x0  }
0xaf: {  	s14 =	simm.s32 $0x9E70;
	[sflag:s19] =	ssyncadd.s32 $0xFFFFFFB0  }
0xb0: {  	[tilespmem:s11], [sflag:$0x8] =	stream.indirect.gather [hbm4b:s5+s25], $0x40, s14, s25, $0xb8;
	[tilespmem:$0x1B7B0] =	vst v63  }
0xb1: {  	_ =	swait.ge [sflag:s12], $0x1400  }
0xb2: {  	[sflag:s12] =	ssyncset.done $0x0  }
0xb3: {  	s16 =	simm.s32 $0xC440;
	[sflag:s12] =	ssyncadd.s32 $0xFFFFEC00  }
0xb4: {  	[spmem:s1] =	stream.indirect.scatter.add.f32 [tilespmem:s0], [sflag:$0xB], $0x40, s16, s25, $0xb8;
	[tilespmem:$0x1B7B0] =	vst v63  }
0xb5: {  	_ =	swait.ge [sflag:s19], $0x1400  }
0xb6: {  	[sflag:s19] =	ssyncset.done $0x0  }
0xb7: {  	[sflag:s19] =	ssyncadd.s32 $0xFFFFEC00  }
0xb8: {  	[spmem:s2] =	stream.indirect.scatter.add.f32 [tilespmem:s31], [sflag:$0xB], $0x1, s16, s25, $0xb8;
	[tilespmem:$0x1B7B0] =	vst v63  }
0xb9: {  	_ =	swait.ge [sflag:s19], $0x50  }
0xba: {  	[sflag:s19] =	ssyncset.done $0x0  }
0xbb: {  	s23 =	simm.s32 $0x9EC0;
	[sflag:s19] =	ssyncadd.s32 $0xFFFFFFB0  }
0xbc: {  	[tilespmem:s13], [sflag:$0x9] =	stream.indirect.gather [hbm4b:s5+s25], $0x40, s23, s25, $0xb8;
	[tilespmem:$0x1B7B0] =	vst v63  }
0xbd: {  	_ =	swait.ge [sflag:s15], $0x1400  }
0xbe: {  	[sflag:s15] =	ssyncset.done $0x0  }
0xbf: {  	s14 =	simm.s32 $0xC490;
	[sflag:s15] =	ssyncadd.s32 $0xFFFFEC00  }
0xc0: {  	[spmem:s1] =	stream.indirect.scatter.add.f32 [tilespmem:s26], [sflag:$0xB], $0x40, s14, s25, $0xb8;
	[tilespmem:$0x1B7B0] =	vst v63  }
0xc1: {  	_ =	swait.ge [sflag:s19], $0x1400  }
0xc2: {  	[sflag:s19] =	ssyncset.done $0x0  }
0xc3: {  	[sflag:s19] =	ssyncadd.s32 $0xFFFFEC00  }
0xc4: {  	[spmem:s2] =	stream.indirect.scatter.add.f32 [tilespmem:s31], [sflag:$0xB], $0x1, s14, s25, $0xb8;
	[tilespmem:$0x1B7B0] =	vst v63  }
0xc5: {  	_ =	swait.ge [sflag:s19], $0x50  }
0xc6: {  	[sflag:s19] =	ssyncset.done $0x0  }
0xc7: {  	s16 =	simm.s32 $0x9F10;
	[sflag:s19] =	ssyncadd.s32 $0xFFFFFFB0  }
0xc8: {  	[tilespmem:s17], [sflag:$0xA] =	stream.indirect.gather [hbm4b:s5+s25], $0x40, s16, s25, $0xb8;
	[tilespmem:$0x1B7B0] =	vst v63  }
0xc9: {  	_ =	swait.ge [sflag:s22], $0x1400  }
0xca: {  	[sflag:s22] =	ssyncset.done $0x0  }
0xcb: {  	s23 =	simm.s32 $0xC4E0;
	[sflag:s22] =	ssyncadd.s32 $0xFFFFEC00  }
0xcc: {  	[spmem:s1] =	stream.indirect.scatter.add.f32 [tilespmem:s20], [sflag:$0xB], $0x40, s23, s25, $0xb8;
	[tilespmem:$0x1B7B0] =	vst v63  }
0xcd: {  	_ =	swait.ge [sflag:s19], $0x1400  }
0xce: {  	[sflag:s19] =	ssyncset.done $0x0  }
0xcf: {  	[sflag:s19] =	ssyncadd.s32 $0xFFFFEC00  }
0xd0: {  	[spmem:s2] =	stream.indirect.scatter.add.f32 [tilespmem:s31], [sflag:$0xB], $0x1, s23, s25, $0xb8;
	[tilespmem:$0x1B7B0] =	vst v63  }
0xd1: {  	_ =	swait.ge [sflag:s19], $0x50  }
0xd2: {  	[sflag:s19] =	ssyncset.done $0x0  }
0xd3: {  	s14 =	simm.s32 $0x9F60;
	[sflag:s19] =	ssyncadd.s32 $0xFFFFFFB0  }
0xd4: {  	[tilespmem:s18], [sflag:$0x1] =	stream.indirect.gather [hbm4b:s5+s25], $0x40, s14, s25, $0xb8;
	[tilespmem:$0x1B7B0] =	vst v63  }
0xd5: {  	_ =	swait.ge [sflag:s24], $0x1400  }
0xd6: {  	[sflag:s24] =	ssyncset.done $0x0  }
0xd7: {  	s16 =	simm.s32 $0xC530;
	[sflag:s24] =	ssyncadd.s32 $0xFFFFEC00  }
0xd8: {  	[spmem:s1] =	stream.indirect.scatter.add.f32 [tilespmem:s8], [sflag:$0xB], $0x40, s16, s25, $0xb8;
	[tilespmem:$0x1B7B0] =	vst v63  }
0xd9: {  	_ =	swait.ge [sflag:s19], $0x1400  }
0xda: {  	[sflag:s19] =	ssyncset.done $0x0  }
0xdb: {  	[sflag:s19] =	ssyncadd.s32 $0xFFFFEC00  }
0xdc: {  	[spmem:s2] =	stream.indirect.scatter.add.f32 [tilespmem:s31], [sflag:$0xB], $0x1, s16, s25, $0xb8;
	[tilespmem:$0x1B7B0] =	vst v63  }
0xdd: {  	_ =	swait.ge [sflag:s19], $0x50  }
0xde: {  	[sflag:s19] =	ssyncset.done $0x0  }
0xdf: {  	s23 =	simm.s32 $0x9FB0;
	[sflag:s19] =	ssyncadd.s32 $0xFFFFFFB0  }
0xe0: {  	[tilespmem:s28], [sflag:$0x2] =	stream.indirect.gather [hbm4b:s5+s25], $0x40, s23, s25, $0xb8;
	[tilespmem:$0x1B7B0] =	vst v63  }
0xe1: {  	_ =	swait.ge [sflag:s7], $0x1400  }
0xe2: {  	[sflag:s7] =	ssyncset.done $0x0  }
0xe3: {  	s14 =	simm.s32 $0xC580;
	[sflag:s7] =	ssyncadd.s32 $0xFFFFEC00  }
0xe4: {  	[spmem:s1] =	stream.indirect.scatter.add.f32 [tilespmem:s11], [sflag:$0xB], $0x40, s14, s25, $0xb8;
	[tilespmem:$0x1B7B0] =	vst v63  }
0xe5: {  	_ =	swait.ge [sflag:s19], $0x1400  }
0xe6: {  	[sflag:s19] =	ssyncset.done $0x0  }
0xe7: {  	[sflag:s19] =	ssyncadd.s32 $0xFFFFEC00  }
0xe8: {  	[spmem:s2] =	stream.indirect.scatter.add.f32 [tilespmem:s31], [sflag:$0xB], $0x1, s14, s25, $0xb8;
	[tilespmem:$0x1B7B0] =	vst v63  }
0xe9: {  	_ =	swait.ge [sflag:s19], $0x50  }
0xea: {  	[sflag:s19] =	ssyncset.done $0x0  }
0xeb: {  	s16 =	simm.s32 $0xA000;
	[sflag:s19] =	ssyncadd.s32 $0xFFFFFFB0  }
0xec: {  	[tilespmem:s30], [sflag:$0x3] =	stream.indirect.gather [hbm4b:s5+s25], $0x40, s16, s25, $0xb8;
	[tilespmem:$0x1B7B0] =	vst v63  }
0xed: {  	_ =	swait.ge [sflag:s10], $0x1400  }
0xee: {  	[sflag:s10] =	ssyncset.done $0x0  }
0xef: {  	s23 =	simm.s32 $0xC5D0;
	[sflag:s10] =	ssyncadd.s32 $0xFFFFEC00  }
0xf0: {  	[spmem:s1] =	stream.indirect.scatter.add.f32 [tilespmem:s13], [sflag:$0xB], $0x40, s23, s25, $0xb8;
	[tilespmem:$0x1B7B0] =	vst v63  }
0xf1: {  	_ =	swait.ge [sflag:s19], $0x1400  }
0xf2: {  	[sflag:s19] =	ssyncset.done $0x0  }
0xf3: {  	[sflag:s19] =	ssyncadd.s32 $0xFFFFEC00  }
0xf4: {  	[spmem:s2] =	stream.indirect.scatter.add.f32 [tilespmem:s31], [sflag:$0xB], $0x1, s23, s25, $0xb8;
	[tilespmem:$0x1B7B0] =	vst v63  }
0xf5: {  	_ =	swait.ge [sflag:s19], $0x50  }
0xf6: {  	[sflag:s19] =	ssyncset.done $0x0  }
0xf7: {  	s14 =	simm.s32 $0xA050;
	[sflag:s19] =	ssyncadd.s32 $0xFFFFFFB0  }
0xf8: {  	[tilespmem:s0], [sflag:$0x4] =	stream.indirect.gather [hbm4b:s5+s25], $0x40, s14, s25, $0xb8;
	[tilespmem:$0x1B7B0] =	vst v63  }
0xf9: {  	_ =	swait.ge [sflag:s21], $0x1400  }
0xfa: {  	[sflag:s21] =	ssyncset.done $0x0  }
0xfb: {  	s16 =	simm.s32 $0xC620;
	[sflag:s21] =	ssyncadd.s32 $0xFFFFEC00  }
0xfc: {  	[spmem:s1] =	stream.indirect.scatter.add.f32 [tilespmem:s17], [sflag:$0xB], $0x40, s16, s25, $0xb8;
	[tilespmem:$0x1B7B0] =	vst v63  }
0xfd: {  	_ =	swait.ge [sflag:s19], $0x1400  }
0xfe: {  	[sflag:s19] =	ssyncset.done $0x0  }
0xff: {  	[sflag:s19] =	ssyncadd.s32 $0xFFFFEC00  }
0x100: {  	[spmem:s2] =	stream.indirect.scatter.add.f32 [tilespmem:s31], [sflag:$0xB], $0x1, s16, s25, $0xb8;
	[tilespmem:$0x1B7B0] =	vst v63  }
0x101: {  	_ =	swait.ge [sflag:s19], $0x50  }
0x102: {  	[sflag:s19] =	ssyncset.done $0x0  }
0x103: {  	s23 =	simm.s32 $0xA0A0;
	[sflag:s19] =	ssyncadd.s32 $0xFFFFFFB0  }
0x104: {  	[tilespmem:s26], [sflag:$0x5] =	stream.indirect.gather [hbm4b:s5+s25], $0x40, s23, s25, $0xb8;
	[tilespmem:$0x1B7B0] =	vst v63  }
0x105: {  	_ =	swait.ge [sflag:s29], $0x1400  }
0x106: {  	[sflag:s29] =	ssyncset.done $0x0  }
0x107: {  	s14 =	simm.s32 $0xC670;
	[sflag:s29] =	ssyncadd.s32 $0xFFFFEC00  }
0x108: {  	[spmem:s1] =	stream.indirect.scatter.add.f32 [tilespmem:s18], [sflag:$0xB], $0x40, s14, s25, $0xb8;
	[tilespmem:$0x1B7B0] =	vst v63  }
0x109: {  	_ =	swait.ge [sflag:s19], $0x1400  }
0x10a: {  	[sflag:s19] =	ssyncset.done $0x0  }
0x10b: {  	[sflag:s19] =	ssyncadd.s32 $0xFFFFEC00  }
0x10c: {  	[spmem:s2] =	stream.indirect.scatter.add.f32 [tilespmem:s31], [sflag:$0xB], $0x1, s14, s25, $0xb8;
	[tilespmem:$0x1B7B0] =	vst v63  }
0x10d: {  	_ =	swait.ge [sflag:s19], $0x50  }
0x10e: {  	[sflag:s19] =	ssyncset.done $0x0  }
0x10f: {  	s16 =	simm.s32 $0xA0F0;
	[sflag:s19] =	ssyncadd.s32 $0xFFFFFFB0  }
0x110: {  	[tilespmem:s20], [sflag:$0x6] =	stream.indirect.gather [hbm4b:s5+s25], $0x40, s16, s25, $0xb8;
	[tilespmem:$0x1B7B0] =	vst v63  }
0x111: {  	_ =	swait.ge [sflag:s4], $0x1400  }
0x112: {  	[sflag:s4] =	ssyncset.done $0x0  }
0x113: {  	s23 =	simm.s32 $0xC6C0;
	[sflag:s4] =	ssyncadd.s32 $0xFFFFEC00  }
0x114: {  	[spmem:s1] =	stream.indirect.scatter.add.f32 [tilespmem:s28], [sflag:$0xB], $0x40, s23, s25, $0xb8;
	[tilespmem:$0x1B7B0] =	vst v63  }
0x115: {  	_ =	swait.ge [sflag:s19], $0x1400  }
0x116: {  	[sflag:s19] =	ssyncset.done $0x0  }
0x117: {  	[sflag:s19] =	ssyncadd.s32 $0xFFFFEC00  }
0x118: {  	[spmem:s2] =	stream.indirect.scatter.add.f32 [tilespmem:s31], [sflag:$0xB], $0x1, s23, s25, $0xb8;
	[tilespmem:$0x1B7B0] =	vst v63  }
0x119: {  	_ =	swait.ge [sflag:s19], $0x50  }
0x11a: {  	[sflag:s19] =	ssyncset.done $0x0  }
0x11b: {  	s14 =	simm.s32 $0xA140;
	[sflag:s19] =	ssyncadd.s32 $0xFFFFFFB0  }
0x11c: {  	[tilespmem:s8], [sflag:$0x7] =	stream.indirect.gather [hbm4b:s5+s25], $0x40, s14, s25, $0xb8;
	[tilespmem:$0x1B7B0] =	vst v63  }
0x11d: {  	_ =	swait.ge [sflag:s9], $0x1400  }
0x11e: {  	[sflag:s9] =	ssyncset.done $0x0  }
0x11f: {  	s16 =	simm.s32 $0xC710;
	[sflag:s9] =	ssyncadd.s32 $0xFFFFEC00  }
0x120: {  	[spmem:s1] =	stream.indirect.scatter.add.f32 [tilespmem:s30], [sflag:$0xB], $0x40, s16, s25, $0xb8;
	[tilespmem:$0x1B7B0] =	vst v63  }
0x121: {  	_ =	swait.ge [sflag:s19], $0x1400  }
0x122: {  	[sflag:s19] =	ssyncset.done $0x0  }
0x123: {  	[sflag:s19] =	ssyncadd.s32 $0xFFFFEC00  }
0x124: {  	[spmem:s2] =	stream.indirect.scatter.add.f32 [tilespmem:s31], [sflag:$0xB], $0x1, s16, s25, $0xb8;
	[tilespmem:$0x1B7B0] =	vst v63  }
0x125: {  	_ =	swait.ge [sflag:s19], $0x50  }
0x126: {  	[sflag:s19] =	ssyncset.done $0x0  }
0x127: {  	s23 =	simm.s32 $0xA190;
	[sflag:s19] =	ssyncadd.s32 $0xFFFFFFB0  }
0x128: {  	[tilespmem:s11], [sflag:$0x8] =	stream.indirect.gather [hbm4b:s5+s25], $0x40, s23, s25, $0xb8;
	[tilespmem:$0x1B7B0] =	vst v63  }
0x129: {  	_ =	swait.ge [sflag:s12], $0x1400  }
0x12a: {  	[sflag:s12] =	ssyncset.done $0x0  }
0x12b: {  	s14 =	simm.s32 $0xC760;
	[sflag:s12] =	ssyncadd.s32 $0xFFFFEC00  }
0x12c: {  	[spmem:s1] =	stream.indirect.scatter.add.f32 [tilespmem:s0], [sflag:$0xB], $0x40, s14, s25, $0xb8;
	[tilespmem:$0x1B7B0] =	vst v63  }
0x12d: {  	_ =	swait.ge [sflag:s19], $0x1400  }
0x12e: {  	[sflag:s19] =	ssyncset.done $0x0  }
0x12f: {  	[sflag:s19] =	ssyncadd.s32 $0xFFFFEC00  }
0x130: {  	[spmem:s2] =	stream.indirect.scatter.add.f32 [tilespmem:s31], [sflag:$0xB], $0x1, s14, s25, $0xb8;
	[tilespmem:$0x1B7B0] =	vst v63  }
0x131: {  	_ =	swait.ge [sflag:s19], $0x50  }
0x132: {  	[sflag:s19] =	ssyncset.done $0x0  }
0x133: {  	s16 =	simm.s32 $0xA1E0;
	[sflag:s19] =	ssyncadd.s32 $0xFFFFFFB0  }
0x134: {  	[tilespmem:s13], [sflag:$0x9] =	stream.indirect.gather [hbm4b:s5+s25], $0x40, s16, s25, $0xb8;
	[tilespmem:$0x1B7B0] =	vst v63  }
0x135: {  	_ =	swait.ge [sflag:s15], $0x1400  }
0x136: {  	[sflag:s15] =	ssyncset.done $0x0  }
0x137: {  	s23 =	simm.s32 $0xC7B0;
	[sflag:s15] =	ssyncadd.s32 $0xFFFFEC00  }
0x138: {  	[spmem:s1] =	stream.indirect.scatter.add.f32 [tilespmem:s26], [sflag:$0xB], $0x40, s23, s25, $0xb8;
	[tilespmem:$0x1B7B0] =	vst v63  }
0x139: {  	_ =	swait.ge [sflag:s19], $0x1400  }
0x13a: {  	[sflag:s19] =	ssyncset.done $0x0  }
0x13b: {  	[sflag:s19] =	ssyncadd.s32 $0xFFFFEC00  }
0x13c: {  	[spmem:s2] =	stream.indirect.scatter.add.f32 [tilespmem:s31], [sflag:$0xB], $0x1, s23, s25, $0xb8;
	[tilespmem:$0x1B7B0] =	vst v63  }
0x13d: {  	_ =	swait.ge [sflag:s19], $0x50  }
0x13e: {  	[sflag:s19] =	ssyncset.done $0x0  }
0x13f: {  	s16 =	simm.s32 $0xC80;
	s23 =	simm.s32 $0xA230;
	[sflag:s19] =	ssyncadd.s32 $0xFFFFFFB0  }
.LBB2_4:
0x140: {  	[tilespmem:s17], [sflag:$0xA] =	stream.indirect.gather [hbm4b:s5+s25], $0x40, s23, s25, $0xb8;
	[tilespmem:$0x1B7B0] =	vst v63  }
0x141: {  	s6 =	smov.u32 s16  }
0x142: {  	p0 =	sne.s32 s16, $0x7D00;
	s16 =	sadd.s32 $0xC80, s16;
	_ =	swait.ge [sflag:s22], $0x1400  }
0x143: {  	s23 =	sshra.s32 s6, $0x2;
	[sflag:s22] =	ssyncset.done $0x0  }
0x144: {  	s6 =	sadd.s32 $0xC4E0, s23;
	[sflag:s22] =	ssyncadd.s32 $0xFFFFEC00  }
0x145: {  	[spmem:s1] =	stream.indirect.scatter.add.f32 [tilespmem:s20], [sflag:$0xB], $0x40, s6, s25, $0xb8;
	[tilespmem:$0x1B7B0] =	vst v63  }
0x146: {  	_ =	swait.ge [sflag:s19], $0x1400  }
0x147: {  	[sflag:s19] =	ssyncset.done $0x0  }
0x148: {  	[sflag:s19] =	ssyncadd.s32 $0xFFFFEC00  }
0x149: {  	[spmem:s2] =	stream.indirect.scatter.add.f32 [tilespmem:s31], [sflag:$0xB], $0x1, s6, s25, $0xb8;
	[tilespmem:$0x1B7B0] =	vst v63  }
0x14a: {  	_ =	swait.ge [sflag:s19], $0x50  }
0x14b: {  	[sflag:s19] =	ssyncset.done $0x0  }
0x14c: {  	s6 =	sadd.s32 $0x9F60, s23;
	[sflag:s19] =	ssyncadd.s32 $0xFFFFFFB0  }
0x14d: {  	[tilespmem:s18], [sflag:$0x1] =	stream.indirect.gather [hbm4b:s5+s25], $0x40, s6, s25, $0xb8;
	[tilespmem:$0x1B7B0] =	vst v63  }
0x14e: {  	_ =	swait.ge [sflag:s24], $0x1400  }
0x14f: {  	[sflag:s24] =	ssyncset.done $0x0  }
0x150: {  	s6 =	sadd.s32 $0xC530, s23;
	[sflag:s24] =	ssyncadd.s32 $0xFFFFEC00  }
0x151: {  	[spmem:s1] =	stream.indirect.scatter.add.f32 [tilespmem:s8], [sflag:$0xB], $0x40, s6, s25, $0xb8;
	[tilespmem:$0x1B7B0] =	vst v63  }
0x152: {  	_ =	swait.ge [sflag:s19], $0x1400  }
0x153: {  	[sflag:s19] =	ssyncset.done $0x0  }
0x154: {  	[sflag:s19] =	ssyncadd.s32 $0xFFFFEC00  }
0x155: {  	[spmem:s2] =	stream.indirect.scatter.add.f32 [tilespmem:s31], [sflag:$0xB], $0x1, s6, s25, $0xb8;
	[tilespmem:$0x1B7B0] =	vst v63  }
0x156: {  	_ =	swait.ge [sflag:s19], $0x50  }
0x157: {  	[sflag:s19] =	ssyncset.done $0x0  }
0x158: {  	s6 =	sadd.s32 $0x9FB0, s23;
	[sflag:s19] =	ssyncadd.s32 $0xFFFFFFB0  }
0x159: {  	[tilespmem:s28], [sflag:$0x2] =	stream.indirect.gather [hbm4b:s5+s25], $0x40, s6, s25, $0xb8;
	[tilespmem:$0x1B7B0] =	vst v63  }
0x15a: {  	_ =	swait.ge [sflag:s7], $0x1400  }
0x15b: {  	[sflag:s7] =	ssyncset.done $0x0  }
0x15c: {  	s6 =	sadd.s32 $0xC580, s23;
	[sflag:s7] =	ssyncadd.s32 $0xFFFFEC00  }
0x15d: {  	[spmem:s1] =	stream.indirect.scatter.add.f32 [tilespmem:s11], [sflag:$0xB], $0x40, s6, s25, $0xb8;
	[tilespmem:$0x1B7B0] =	vst v63  }
0x15e: {  	_ =	swait.ge [sflag:s19], $0x1400  }
0x15f: {  	[sflag:s19] =	ssyncset.done $0x0  }
0x160: {  	[sflag:s19] =	ssyncadd.s32 $0xFFFFEC00  }
0x161: {  	[spmem:s2] =	stream.indirect.scatter.add.f32 [tilespmem:s31], [sflag:$0xB], $0x1, s6, s25, $0xb8;
	[tilespmem:$0x1B7B0] =	vst v63  }
0x162: {  	_ =	swait.ge [sflag:s19], $0x50  }
0x163: {  	[sflag:s19] =	ssyncset.done $0x0  }
0x164: {  	s6 =	sadd.s32 $0xA000, s23;
	[sflag:s19] =	ssyncadd.s32 $0xFFFFFFB0  }
0x165: {  	[tilespmem:s30], [sflag:$0x3] =	stream.indirect.gather [hbm4b:s5+s25], $0x40, s6, s25, $0xb8;
	[tilespmem:$0x1B7B0] =	vst v63  }
0x166: {  	_ =	swait.ge [sflag:s10], $0x1400  }
0x167: {  	[sflag:s10] =	ssyncset.done $0x0  }
0x168: {  	s6 =	sadd.s32 $0xC5D0, s23;
	[sflag:s10] =	ssyncadd.s32 $0xFFFFEC00  }
0x169: {  	[spmem:s1] =	stream.indirect.scatter.add.f32 [tilespmem:s13], [sflag:$0xB], $0x40, s6, s25, $0xb8;
	[tilespmem:$0x1B7B0] =	vst v63  }
0x16a: {  	_ =	swait.ge [sflag:s19], $0x1400  }
0x16b: {  	[sflag:s19] =	ssyncset.done $0x0  }
0x16c: {  	[sflag:s19] =	ssyncadd.s32 $0xFFFFEC00  }
0x16d: {  	[spmem:s2] =	stream.indirect.scatter.add.f32 [tilespmem:s31], [sflag:$0xB], $0x1, s6, s25, $0xb8;
	[tilespmem:$0x1B7B0] =	vst v63  }
0x16e: {  	_ =	swait.ge [sflag:s19], $0x50  }
0x16f: {  	[sflag:s19] =	ssyncset.done $0x0  }
0x170: {  	s6 =	sadd.s32 $0xA050, s23;
	[sflag:s19] =	ssyncadd.s32 $0xFFFFFFB0  }
0x171: {  	[tilespmem:s0], [sflag:$0x4] =	stream.indirect.gather [hbm4b:s5+s25], $0x40, s6, s25, $0xb8;
	[tilespmem:$0x1B7B0] =	vst v63  }
0x172: {  	_ =	swait.ge [sflag:s21], $0x1400  }
0x173: {  	[sflag:s21] =	ssyncset.done $0x0  }
0x174: {  	s6 =	sadd.s32 $0xC620, s23;
	[sflag:s21] =	ssyncadd.s32 $0xFFFFEC00  }
0x175: {  	[spmem:s1] =	stream.indirect.scatter.add.f32 [tilespmem:s17], [sflag:$0xB], $0x40, s6, s25, $0xb8;
	[tilespmem:$0x1B7B0] =	vst v63  }
0x176: {  	_ =	swait.ge [sflag:s19], $0x1400  }
0x177: {  	[sflag:s19] =	ssyncset.done $0x0  }
0x178: {  	[sflag:s19] =	ssyncadd.s32 $0xFFFFEC00  }
0x179: {  	[spmem:s2] =	stream.indirect.scatter.add.f32 [tilespmem:s31], [sflag:$0xB], $0x1, s6, s25, $0xb8;
	[tilespmem:$0x1B7B0] =	vst v63  }
0x17a: {  	_ =	swait.ge [sflag:s19], $0x50  }
0x17b: {  	[sflag:s19] =	ssyncset.done $0x0  }
0x17c: {  	s6 =	sadd.s32 $0xA0A0, s23;
	[sflag:s19] =	ssyncadd.s32 $0xFFFFFFB0  }
0x17d: {  	[tilespmem:s26], [sflag:$0x5] =	stream.indirect.gather [hbm4b:s5+s25], $0x40, s6, s25, $0xb8;
	[tilespmem:$0x1B7B0] =	vst v63  }
0x17e: {  	_ =	swait.ge [sflag:s29], $0x1400  }
0x17f: {  	[sflag:s29] =	ssyncset.done $0x0  }
0x180: {  	s6 =	sadd.s32 $0xC670, s23;
	[sflag:s29] =	ssyncadd.s32 $0xFFFFEC00  }
0x181: {  	[spmem:s1] =	stream.indirect.scatter.add.f32 [tilespmem:s18], [sflag:$0xB], $0x40, s6, s25, $0xb8;
	[tilespmem:$0x1B7B0] =	vst v63  }
0x182: {  	_ =	swait.ge [sflag:s19], $0x1400  }
0x183: {  	[sflag:s19] =	ssyncset.done $0x0  }
0x184: {  	[sflag:s19] =	ssyncadd.s32 $0xFFFFEC00  }
0x185: {  	[spmem:s2] =	stream.indirect.scatter.add.f32 [tilespmem:s31], [sflag:$0xB], $0x1, s6, s25, $0xb8;
	[tilespmem:$0x1B7B0] =	vst v63  }
0x186: {  	_ =	swait.ge [sflag:s19], $0x50  }
0x187: {  	[sflag:s19] =	ssyncset.done $0x0  }
0x188: {  	s6 =	sadd.s32 $0xA0F0, s23;
	[sflag:s19] =	ssyncadd.s32 $0xFFFFFFB0  }
0x189: {  	[tilespmem:s20], [sflag:$0x6] =	stream.indirect.gather [hbm4b:s5+s25], $0x40, s6, s25, $0xb8;
	[tilespmem:$0x1B7B0] =	vst v63  }
0x18a: {  	_ =	swait.ge [sflag:s4], $0x1400  }
0x18b: {  	[sflag:s4] =	ssyncset.done $0x0  }
0x18c: {  	s6 =	sadd.s32 $0xC6C0, s23;
	[sflag:s4] =	ssyncadd.s32 $0xFFFFEC00  }
0x18d: {  	[spmem:s1] =	stream.indirect.scatter.add.f32 [tilespmem:s28], [sflag:$0xB], $0x40, s6, s25, $0xb8;
	[tilespmem:$0x1B7B0] =	vst v63  }
0x18e: {  	_ =	swait.ge [sflag:s19], $0x1400  }
0x18f: {  	[sflag:s19] =	ssyncset.done $0x0  }
0x190: {  	[sflag:s19] =	ssyncadd.s32 $0xFFFFEC00  }
0x191: {  	[spmem:s2] =	stream.indirect.scatter.add.f32 [tilespmem:s31], [sflag:$0xB], $0x1, s6, s25, $0xb8;
	[tilespmem:$0x1B7B0] =	vst v63  }
0x192: {  	_ =	swait.ge [sflag:s19], $0x50  }
0x193: {  	[sflag:s19] =	ssyncset.done $0x0  }
0x194: {  	s6 =	sadd.s32 $0xA140, s23;
	[sflag:s19] =	ssyncadd.s32 $0xFFFFFFB0  }
0x195: {  	[tilespmem:s8], [sflag:$0x7] =	stream.indirect.gather [hbm4b:s5+s25], $0x40, s6, s25, $0xb8;
	[tilespmem:$0x1B7B0] =	vst v63  }
0x196: {  	_ =	swait.ge [sflag:s9], $0x1400  }
0x197: {  	[sflag:s9] =	ssyncset.done $0x0  }
0x198: {  	s6 =	sadd.s32 $0xC710, s23;
	[sflag:s9] =	ssyncadd.s32 $0xFFFFEC00  }
0x199: {  	[spmem:s1] =	stream.indirect.scatter.add.f32 [tilespmem:s30], [sflag:$0xB], $0x40, s6, s25, $0xb8;
	[tilespmem:$0x1B7B0] =	vst v63  }
0x19a: {  	_ =	swait.ge [sflag:s19], $0x1400  }
0x19b: {  	[sflag:s19] =	ssyncset.done $0x0  }
0x19c: {  	[sflag:s19] =	ssyncadd.s32 $0xFFFFEC00  }
0x19d: {  	[spmem:s2] =	stream.indirect.scatter.add.f32 [tilespmem:s31], [sflag:$0xB], $0x1, s6, s25, $0xb8;
	[tilespmem:$0x1B7B0] =	vst v63  }
0x19e: {  	_ =	swait.ge [sflag:s19], $0x50  }
0x19f: {  	[sflag:s19] =	ssyncset.done $0x0  }
0x1a0: {  	s6 =	sadd.s32 $0xA190, s23;
	[sflag:s19] =	ssyncadd.s32 $0xFFFFFFB0  }
0x1a1: {  	[tilespmem:s11], [sflag:$0x8] =	stream.indirect.gather [hbm4b:s5+s25], $0x40, s6, s25, $0xb8;
	[tilespmem:$0x1B7B0] =	vst v63  }
0x1a2: {  	_ =	swait.ge [sflag:s12], $0x1400  }
0x1a3: {  	[sflag:s12] =	ssyncset.done $0x0  }
0x1a4: {  	s6 =	sadd.s32 $0xC760, s23;
	[sflag:s12] =	ssyncadd.s32 $0xFFFFEC00  }
0x1a5: {  	[spmem:s1] =	stream.indirect.scatter.add.f32 [tilespmem:s0], [sflag:$0xB], $0x40, s6, s25, $0xb8;
	[tilespmem:$0x1B7B0] =	vst v63  }
0x1a6: {  	_ =	swait.ge [sflag:s19], $0x1400  }
0x1a7: {  	[sflag:s19] =	ssyncset.done $0x0  }
0x1a8: {  	[sflag:s19] =	ssyncadd.s32 $0xFFFFEC00  }
0x1a9: {  	[spmem:s2] =	stream.indirect.scatter.add.f32 [tilespmem:s31], [sflag:$0xB], $0x1, s6, s25, $0xb8;
	[tilespmem:$0x1B7B0] =	vst v63  }
0x1aa: {  	_ =	swait.ge [sflag:s19], $0x50  }
0x1ab: {  	[sflag:s19] =	ssyncset.done $0x0  }
0x1ac: {  	s6 =	sadd.s32 $0xA1E0, s23;
	[sflag:s19] =	ssyncadd.s32 $0xFFFFFFB0  }
0x1ad: {  	[tilespmem:s13], [sflag:$0x9] =	stream.indirect.gather [hbm4b:s5+s25], $0x40, s6, s25, $0xb8;
	[tilespmem:$0x1B7B0] =	vst v63  }
0x1ae: {  	_ =	swait.ge [sflag:s15], $0x1400  }
0x1af: {  	[sflag:s15] =	ssyncset.done $0x0  }
0x1b0: {  	s6 =	sadd.s32 $0xC7B0, s23;
	[sflag:s15] =	ssyncadd.s32 $0xFFFFEC00  }
0x1b1: {  	[spmem:s1] =	stream.indirect.scatter.add.f32 [tilespmem:s26], [sflag:$0xB], $0x40, s6, s25, $0xb8;
	[tilespmem:$0x1B7B0] =	vst v63  }
0x1b2: {  	_ =	swait.ge [sflag:s19], $0x1400  }
0x1b3: {  	[sflag:s19] =	ssyncset.done $0x0  }
.Ltmp1:
0x1b4: {  	[sflag:s19] =	ssyncadd.s32 $0xFFFFEC00;
	(pc) =	sbr.rel @p0 .LBB2_4-.Ltmp1, $4  }
0x1b5: {  	[spmem:s2] =	stream.indirect.scatter.add.f32 [tilespmem:s31], [sflag:$0xB], $0x1, s6, s25, $0xb8;
	[tilespmem:$0x1B7B0] =	vst v63  }
0x1b6: {  	_ =	swait.ge [sflag:s19], $0x50  }
0x1b7: {  	[sflag:s19] =	ssyncset.done $0x0  }
0x1b8: {  	s23 =	sadd.s32 $0xA230, s23;
	[sflag:s19] =	ssyncadd.s32 $0xFFFFFFB0  }
0x1b9: {  	[tilespmem:s17], [sflag:$0xA] =	stream.indirect.gather [hbm4b:s5+s25], $0x40, s23, s25, $0xb8;
	[tilespmem:$0x1B7B0] =	vst v63  }
0x1ba: {  	_ =	swait.ge [sflag:s22], $0x1400  }
0x1bb: {  	[sflag:s22] =	ssyncset.done $0x0  }
0x1bc: {  	s6 =	simm.s32 $0xE740;
	[sflag:s22] =	ssyncadd.s32 $0xFFFFEC00  }
0x1bd: {  	[spmem:s1] =	stream.indirect.scatter.add.f32 [tilespmem:s20], [sflag:$0xB], $0x40, s6, s25, $0xb8;
	[tilespmem:$0x1B7B0] =	vst v63  }
0x1be: {  	_ =	swait.ge [sflag:s19], $0x1400  }
0x1bf: {  	[sflag:s19] =	ssyncset.done $0x0  }
0x1c0: {  	[sflag:s19] =	ssyncadd.s32 $0xFFFFEC00  }
0x1c1: {  	[spmem:s2] =	stream.indirect.scatter.add.f32 [tilespmem:s31], [sflag:$0xB], $0x1, s6, s25, $0xb8;
	[tilespmem:$0x1B7B0] =	vst v63  }
0x1c2: {  	_ =	swait.ge [sflag:s19], $0x50  }
0x1c3: {  	[sflag:s19] =	ssyncset.done $0x0  }
0x1c4: {  	s14 =	simm.s32 $0xC1C0;
	[sflag:s19] =	ssyncadd.s32 $0xFFFFFFB0  }
0x1c5: {  	[tilespmem:s18], [sflag:$0x1] =	stream.indirect.gather [hbm4b:s5+s25], $0x40, s14, s25, $0xb8;
	[tilespmem:$0x1B7B0] =	vst v63  }
0x1c6: {  	_ =	swait.ge [sflag:s24], $0x1400  }
0x1c7: {  	[sflag:s24] =	ssyncset.done $0x0  }
0x1c8: {  	s16 =	simm.s32 $0xE790;
	[sflag:s24] =	ssyncadd.s32 $0xFFFFEC00  }
0x1c9: {  	[spmem:s1] =	stream.indirect.scatter.add.f32 [tilespmem:s8], [sflag:$0xB], $0x40, s16, s25, $0xb8;
	[tilespmem:$0x1B7B0] =	vst v63  }
0x1ca: {  	_ =	swait.ge [sflag:s19], $0x1400  }
0x1cb: {  	[sflag:s19] =	ssyncset.done $0x0  }
0x1cc: {  	[sflag:s19] =	ssyncadd.s32 $0xFFFFEC00  }
0x1cd: {  	[spmem:s2] =	stream.indirect.scatter.add.f32 [tilespmem:s31], [sflag:$0xB], $0x1, s16, s25, $0xb8;
	[tilespmem:$0x1B7B0] =	vst v63  }
0x1ce: {  	_ =	swait.ge [sflag:s19], $0x50  }
0x1cf: {  	[sflag:s19] =	ssyncset.done $0x0  }
0x1d0: {  	s23 =	simm.s32 $0xC210;
	[sflag:s19] =	ssyncadd.s32 $0xFFFFFFB0  }
0x1d1: {  	[tilespmem:s28], [sflag:$0x2] =	stream.indirect.gather [hbm4b:s5+s25], $0x40, s23, s25, $0xb8;
	[tilespmem:$0x1B7B0] =	vst v63  }
0x1d2: {  	_ =	swait.ge [sflag:s7], $0x1400  }
0x1d3: {  	[sflag:s7] =	ssyncset.done $0x0  }
0x1d4: {  	s14 =	simm.s32 $0xE7E0;
	[sflag:s7] =	ssyncadd.s32 $0xFFFFEC00  }
0x1d5: {  	[spmem:s1] =	stream.indirect.scatter.add.f32 [tilespmem:s11], [sflag:$0xB], $0x40, s14, s25, $0xb8;
	[tilespmem:$0x1B7B0] =	vst v63  }
0x1d6: {  	_ =	swait.ge [sflag:s19], $0x1400  }
0x1d7: {  	[sflag:s19] =	ssyncset.done $0x0  }
0x1d8: {  	[sflag:s19] =	ssyncadd.s32 $0xFFFFEC00  }
0x1d9: {  	[spmem:s2] =	stream.indirect.scatter.add.f32 [tilespmem:s31], [sflag:$0xB], $0x1, s14, s25, $0xb8;
	[tilespmem:$0x1B7B0] =	vst v63  }
0x1da: {  	_ =	swait.ge [sflag:s19], $0x50  }
0x1db: {  	[sflag:s19] =	ssyncset.done $0x0  }
0x1dc: {  	s16 =	simm.s32 $0xC260;
	[sflag:s19] =	ssyncadd.s32 $0xFFFFFFB0  }
0x1dd: {  	[tilespmem:s30], [sflag:$0x3] =	stream.indirect.gather [hbm4b:s5+s25], $0x40, s16, s25, $0xb8;
	[tilespmem:$0x1B7B0] =	vst v63  }
0x1de: {  	_ =	swait.ge [sflag:s10], $0x1400  }
0x1df: {  	[sflag:s10] =	ssyncset.done $0x0  }
0x1e0: {  	s23 =	simm.s32 $0xE830;
	[sflag:s10] =	ssyncadd.s32 $0xFFFFEC00  }
0x1e1: {  	[spmem:s1] =	stream.indirect.scatter.add.f32 [tilespmem:s13], [sflag:$0xB], $0x40, s23, s25, $0xb8;
	[tilespmem:$0x1B7B0] =	vst v63  }
0x1e2: {  	_ =	swait.ge [sflag:s19], $0x1400  }
0x1e3: {  	[sflag:s19] =	ssyncset.done $0x0  }
0x1e4: {  	[sflag:s19] =	ssyncadd.s32 $0xFFFFEC00  }
0x1e5: {  	[spmem:s2] =	stream.indirect.scatter.add.f32 [tilespmem:s31], [sflag:$0xB], $0x1, s23, s25, $0xb8;
	[tilespmem:$0x1B7B0] =	vst v63  }
0x1e6: {  	_ =	swait.ge [sflag:s19], $0x50  }
0x1e7: {  	[sflag:s19] =	ssyncset.done $0x0  }
0x1e8: {  	s14 =	simm.s32 $0xC2B0;
	[sflag:s19] =	ssyncadd.s32 $0xFFFFFFB0  }
0x1e9: {  	[tilespmem:s0], [sflag:$0x4] =	stream.indirect.gather [hbm4b:s5+s25], $0x40, s14, s25, $0xb8;
	[tilespmem:$0x1B7B0] =	vst v63  }
0x1ea: {  	_ =	swait.ge [sflag:s21], $0x1400  }
0x1eb: {  	[sflag:s21] =	ssyncset.done $0x0  }
0x1ec: {  	s16 =	simm.s32 $0xE880;
	[sflag:s21] =	ssyncadd.s32 $0xFFFFEC00  }
0x1ed: {  	[spmem:s1] =	stream.indirect.scatter.add.f32 [tilespmem:s17], [sflag:$0xB], $0x40, s16, s25, $0xb8;
	[tilespmem:$0x1B7B0] =	vst v63  }
0x1ee: {  	_ =	swait.ge [sflag:s19], $0x1400  }
0x1ef: {  	[sflag:s19] =	ssyncset.done $0x0  }
0x1f0: {  	[sflag:s19] =	ssyncadd.s32 $0xFFFFEC00  }
0x1f1: {  	[spmem:s2] =	stream.indirect.scatter.add.f32 [tilespmem:s31], [sflag:$0xB], $0x1, s16, s25, $0xb8;
	[tilespmem:$0x1B7B0] =	vst v63  }
0x1f2: {  	_ =	swait.ge [sflag:s19], $0x50  }
0x1f3: {  	[sflag:s19] =	ssyncset.done $0x0  }
0x1f4: {  	s23 =	simm.s32 $0xC300;
	[sflag:s19] =	ssyncadd.s32 $0xFFFFFFB0  }
0x1f5: {  	[tilespmem:s26], [sflag:$0x5] =	stream.indirect.gather [hbm4b:s5+s25], $0x40, s23, s25, $0xb8;
	[tilespmem:$0x1B7B0] =	vst v63  }
0x1f6: {  	_ =	swait.ge [sflag:s29], $0x1400  }
0x1f7: {  	[sflag:s29] =	ssyncset.done $0x0  }
0x1f8: {  	s14 =	simm.s32 $0xE8D0;
	[sflag:s29] =	ssyncadd.s32 $0xFFFFEC00  }
0x1f9: {  	[spmem:s1] =	stream.indirect.scatter.add.f32 [tilespmem:s18], [sflag:$0xB], $0x40, s14, s25, $0xb8;
	[tilespmem:$0x1B7B0] =	vst v63  }
0x1fa: {  	_ =	swait.ge [sflag:s19], $0x1400  }
0x1fb: {  	[sflag:s19] =	ssyncset.done $0x0  }
0x1fc: {  	[sflag:s19] =	ssyncadd.s32 $0xFFFFEC00  }
0x1fd: {  	[spmem:s2] =	stream.indirect.scatter.add.f32 [tilespmem:s31], [sflag:$0xB], $0x1, s14, s25, $0xb8;
	[tilespmem:$0x1B7B0] =	vst v63  }
0x1fe: {  	_ =	swait.ge [sflag:s19], $0x50  }
0x1ff: {  	[sflag:s19] =	ssyncset.done $0x0  }
0x200: {  	[sflag:s19] =	ssyncadd.s32 $0xFFFFFFB0  }
0x201: {  	_ =	swait.ge [sflag:s4], $0x1400  }
0x202: {  	[sflag:s4] =	ssyncset.done $0x0  }
0x203: {  	s16 =	simm.s32 $0xE920;
	[sflag:s4] =	ssyncadd.s32 $0xFFFFEC00  }
0x204: {  	[spmem:s1] =	stream.indirect.scatter.add.f32 [tilespmem:s28], [sflag:$0xB], $0x40, s16, s25, $0xb8;
	[tilespmem:$0x1B7B0] =	vst v63  }
0x205: {  	_ =	swait.ge [sflag:s19], $0x1400  }
0x206: {  	[sflag:s19] =	ssyncset.done $0x0  }
0x207: {  	[sflag:s19] =	ssyncadd.s32 $0xFFFFEC00  }
0x208: {  	[spmem:s2] =	stream.indirect.scatter.add.f32 [tilespmem:s31], [sflag:$0xB], $0x1, s16, s25, $0xb8;
	[tilespmem:$0x1B7B0] =	vst v63  }
0x209: {  	_ =	swait.ge [sflag:s19], $0x50  }
0x20a: {  	[sflag:s19] =	ssyncset.done $0x0  }
0x20b: {  	[sflag:s19] =	ssyncadd.s32 $0xFFFFFFB0  }
0x20c: {  	_ =	swait.ge [sflag:s9], $0x1400  }
0x20d: {  	[sflag:s9] =	ssyncset.done $0x0  }
0x20e: {  	s23 =	simm.s32 $0xE970;
	[sflag:s9] =	ssyncadd.s32 $0xFFFFEC00  }
0x20f: {  	[spmem:s1] =	stream.indirect.scatter.add.f32 [tilespmem:s30], [sflag:$0xB], $0x40, s23, s25, $0xb8;
	[tilespmem:$0x1B7B0] =	vst v63  }
0x210: {  	_ =	swait.ge [sflag:s19], $0x1400  }
0x211: {  	[sflag:s19] =	ssyncset.done $0x0  }
0x212: {  	[sflag:s19] =	ssyncadd.s32 $0xFFFFEC00  }
0x213: {  	[spmem:s2] =	stream.indirect.scatter.add.f32 [tilespmem:s31], [sflag:$0xB], $0x1, s23, s25, $0xb8;
	[tilespmem:$0x1B7B0] =	vst v63  }
0x214: {  	_ =	swait.ge [sflag:s19], $0x50  }
0x215: {  	[sflag:s19] =	ssyncset.done $0x0  }
0x216: {  	[sflag:s19] =	ssyncadd.s32 $0xFFFFFFB0  }
0x217: {  	_ =	swait.ge [sflag:s12], $0x1400  }
0x218: {  	[sflag:s12] =	ssyncset.done $0x0  }
0x219: {  	s14 =	simm.s32 $0xE9C0;
	[sflag:s12] =	ssyncadd.s32 $0xFFFFEC00  }
0x21a: {  	[spmem:s1] =	stream.indirect.scatter.add.f32 [tilespmem:s0], [sflag:$0xB], $0x40, s14, s25, $0xb8;
	[tilespmem:$0x1B7B0] =	vst v63  }
0x21b: {  	_ =	swait.ge [sflag:s19], $0x1400  }
0x21c: {  	[sflag:s19] =	ssyncset.done $0x0  }
0x21d: {  	[sflag:s19] =	ssyncadd.s32 $0xFFFFEC00  }
0x21e: {  	[spmem:s2] =	stream.indirect.scatter.add.f32 [tilespmem:s31], [sflag:$0xB], $0x1, s14, s25, $0xb8;
	[tilespmem:$0x1B7B0] =	vst v63  }
0x21f: {  	_ =	swait.ge [sflag:s19], $0x50  }
0x220: {  	[sflag:s19] =	ssyncset.done $0x0  }
0x221: {  	[sflag:s19] =	ssyncadd.s32 $0xFFFFFFB0  }
0x222: {  	_ =	swait.ge [sflag:s15], $0x1400  }
0x223: {  	[sflag:s15] =	ssyncset.done $0x0  }
0x224: {  	s16 =	simm.s32 $0xEA10;
	[sflag:s15] =	ssyncadd.s32 $0xFFFFEC00  }
0x225: {  	[spmem:s1] =	stream.indirect.scatter.add.f32 [tilespmem:s26], [sflag:$0xB], $0x40, s16, s25, $0xb8;
	[tilespmem:$0x1B7B0] =	vst v63  }
0x226: {  	_ =	swait.ge [sflag:s19], $0x1400  }
0x227: {  	[sflag:s19] =	ssyncset.done $0x0  }
0x228: {  	[sflag:s19] =	ssyncadd.s32 $0xFFFFEC00  }
0x229: {  	[spmem:s2] =	stream.indirect.scatter.add.f32 [tilespmem:s31], [sflag:$0xB], $0x1, s16, s25, $0xb8;
	[tilespmem:$0x1B7B0] =	vst v63  }
0x22a: {  	_ =	swait.ge [sflag:s19], $0x50  }
0x22b: {  	[sflag:s19] =	ssyncset.done $0x0  }
0x22c: {  	[sflag:s19] =	ssyncadd.s32 $0xFFFFFFB0  }
0x22d: {  	s23 =	stileid.u32;
	[bflag:$0x0] =	sbarrier.arrive $0xFFFF  }
0x22e: {  	s6 =	sshll.u32 s23, $0x6;
	s16 =	rddreg [dreg:$0x7]  }
0x22f: {  	s6 =	sor.u32 $0x1C0B, s6;
	s14 =	rddreg [dreg:$0x12];
	s16 =	sshrl.u32 s16, $0x3  }
0x230: {  	[hbm:s14], [sflag:s6] =	dma.local [spmem:s16], $0x1400  }
0x231: {  	_ =	swait.ge [sflag:s19], $0x1400  }
0x232: {  	[sflag:s19] =	ssyncset.done $0x0;
	s14 =	rddreg [dreg:$0x13]  }
0x233: {  	s23 =	rddreg [dreg:$0x14];
	[sflag:s19] =	ssyncadd.s32 $0xFFFFEC00;
	s16 =	sshrl.u32 s14, $0x3  }
0x234: {  	[hbm:s23], [sflag:s6] =	dma.local [spmem:s16], $0x50  }
0x235: {  	_ =	swait.ge [sflag:s19], $0x50  }
0x236: {  	s3 =	sadd.s32 $0x1, s3;
	s23 =	rddreg [dreg:$0x11]  }
0x237: {  	p0 =	sne.s32 s3, s23  }
.Ltmp2:
0x238: {  	_ = 	snop;
	(pc) =	sbr.rel @p0 .LBB2_1-.Ltmp2, $3  }
0x239: {  	_ =	sdelay $0x1  }
0x23a: {  	[sflag:s19] =	ssyncset.done $0x0  }
0x23b: {  	[sflag:s19] =	ssyncadd.s32 $0xFFFFFFB0  }
0x23c: {  	_ =	sfence.sel $0x180000  }
0x23d: {  	[bflag:$0x0] =	sbarrier.arrive $0xFFFF  }
0x23e: {  	_ =	strace $0x90000047  }
0x23f: {  	s0 =	stileid.u32;
	[bflag:$0x2] =	sbarrier.arrive $0xFFFF  }
0x240: {  	p0 =	sne.s32 s0, $0x0;
	s0 =	rddreg [dreg:$0x6]  }
0x241: {  	s0 =	sadd.s32 @!p0 $0x100000, s0  }
0x242: {  	[sflag:s0] =	ssyncadd.tile.s32 @!p0 $0x1;
	_ =	shalt  }
.Lfunc_end2:
_tile_overlayer_lowered:
.L_overlay_start_2:
0x243: {  	(tag) =	ssettag $0x2  }
0x244: {  	s0 =	rddreg [dreg:$0x0];
	s2 =	stileid.u32  }
0x245: {  	s1 =	rddreg [dreg:$0x1];
	p0 =	sne.s32 s2, $0x0  }
0x246: {  	s3 =	rddreg [dreg:$0x2];
	[bflag:$0x3] =	sbarrier.arrive $0xFFFF;
	s2 =	simm.s32 @!p0 $0x1C0B  }
0x247: {  	[timem:s3], [sflag:s2] =	dma.local @!p0 [hbm:s0], s1  }
0x248: {  	s0 =	simm.s32 @!p0 $0xB  }
0x249: {  	_ =	swait.ge @!p0 [sflag:s0], s1  }
0x24a: {  	s1 =	ssub.s32 @!p0 $0x0, s1;
	[sflag:s0] =	ssyncset.done @!p0 $0x0  }
0x24b: {  	[sflag:s0] =	ssyncadd.s32 @!p0 s1  }
0x24c: {  	[bflag:$0x3] =	sbarrier.arrive $0xFFFF  }
0x24d: {  	_ =	shalt  }

</sc_bundles>
